<compile_context>
chip_gen: v7x
topology: tpu7x:2x2x1
jax: 0.10.2.dev20260603
libtpu: 0.0.44.dev20260713+nightly
codegen_flags: <defaults>
</compile_context>

<pallas_src>
import functools

import jax
import jax.numpy as jnp
from jax import lax
from jax.experimental import pallas as pl
from jax.experimental.pallas import tpu as pltpu
from jax.experimental.pallas import tpu_sc as plsc

NC = 2
NS = 16
NW = NC * NS
CHUNK = 64
NODE_PAD = 10240
RPT = NODE_PAD // NS
BN_SCALE = 1.0 / (1.0 + 1e-5) ** 0.5



CNT_W = 8


HROWS = NODE_PAD * CNT_W // 128


PACK_SHIFT = 14


def _sc_count(packed_flat, iota_rows, zeros_c):
    epw = packed_flat.shape[1]
    slc = HROWS // NS
    mrows = 128

    @functools.partial(
        pl.kernel,
        out_type=jax.ShapeDtypeStruct((NC, HROWS, 128), jnp.float32),
        mesh=plsc.VectorSubcoreMesh(core_axis_name="c", subcore_axis_name="s"),
        scratch_types=[
            pltpu.VMEM_SHARED((HROWS, 128), jnp.float32),
            pltpu.VMEM((HROWS, 128), jnp.float32),
            pltpu.VMEM((epw,), jnp.int32),
            pltpu.VMEM((HROWS // mrows, mrows), jnp.int32),
        ],
        compiler_params=pltpu.CompilerParams(needs_layout_passes=False),
    )
    def k(pk_hbm, iota_hbm, zeros_hbm, cnt_hbm, cnt_sh, hist, idx_v, rowi_v):
        c = lax.axis_index("c")
        s = lax.axis_index("s")
        w = c * NS + s
        r0 = s * slc
        pltpu.sync_copy(zeros_hbm.at[pl.ds(0, slc)], cnt_sh.at[pl.ds(r0, slc)])
        pltpu.sync_copy(zeros_hbm, hist)
        pltpu.sync_copy(pk_hbm.at[w], idx_v)
        pltpu.sync_copy(iota_hbm, rowi_v)

        ones_v = jnp.ones((16,), jnp.float32)

        def body(j, carry):
            pk = idx_v[pl.ds(j * 16, 16)]
            pos = lax.shift_right_logical(pk, PACK_SHIFT) * CNT_W
            row = lax.shift_right_logical(pos, 7)
            col = lax.bitwise_and(pos, 127)
            plsc.addupdate_scatter(hist, [row, col], ones_v)
            return carry

        lax.fori_loop(0, epw // 16, body, 0)
        plsc.subcore_barrier()

        def mbody(g, carry):
            pltpu.sync_copy(hist.at[pl.ds(g * mrows, mrows)],
                            cnt_sh.at[rowi_v.at[g]], add=True)
            return carry

        lax.fori_loop(0, HROWS // mrows, mbody, 0)
        plsc.subcore_barrier()
        pltpu.sync_copy(cnt_sh.at[pl.ds(r0, slc)],
                        cnt_hbm.at[c, pl.ds(r0, slc)])

    return k(packed_flat, iota_rows, zeros_c)


def _unpack_chunk(idx_v, j, sidx, didx):
    for l in range(CHUNK // 16):
        pk = idx_v[pl.ds(j * CHUNK + l * 16, 16)]
        sidx[pl.ds(l * 16, 16)] = lax.bitwise_and(pk, (1 << PACK_SHIFT) - 1)
        didx[pl.ds(l * 16, 16)] = lax.shift_right_logical(pk, PACK_SHIFT)


def _sc_agg(u, packed_s, zeros_c):
    epw = packed_s.shape[1]
    nchunk = epw // CHUNK
    d = u.shape[1]
    dh = d // 2
    assert nchunk % 2 == 0
    npair = nchunk // 2

    @functools.partial(
        pl.kernel,
        out_type=jax.ShapeDtypeStruct((NODE_PAD, d), jnp.float32),
        mesh=plsc.VectorSubcoreMesh(core_axis_name="c", subcore_axis_name="s"),
        compiler_params=pltpu.CompilerParams(use_tc_tiling_on_sc=False),
        scratch_types=[
            pltpu.VMEM_SHARED((NODE_PAD, dh), jnp.float32),
            pltpu.VMEM_SHARED((NODE_PAD, dh), jnp.float32),
            pltpu.VMEM((epw,), jnp.int32),
            pltpu.VMEM((CHUNK,), jnp.int32),
            pltpu.VMEM((CHUNK,), jnp.int32),
            pltpu.VMEM((CHUNK,), jnp.int32),
            pltpu.VMEM((CHUNK,), jnp.int32),
            pltpu.VMEM((CHUNK, dh), jnp.float32),
            pltpu.VMEM((CHUNK, dh), jnp.float32),
            pltpu.SemaphoreType.DMA,
            pltpu.SemaphoreType.DMA,
        ],
    )
    def k(u_hbm, pk_hbm, z_hbm, agg_hbm, u_sh, agg_sh,
          idx_v, sidx0, didx0, sidx1, didx1, rows0, rows1, sem0, sem1):
        c = lax.axis_index("c")
        s = lax.axis_index("s")
        r0 = s * RPT
        c0 = c * dh
        pltpu.sync_copy(u_hbm.at[pl.ds(r0, RPT), pl.ds(c0, dh)],
                        u_sh.at[pl.ds(r0, RPT)])
        pltpu.sync_copy(z_hbm, agg_sh.at[pl.ds(r0, RPT)])
        pltpu.sync_copy(pk_hbm.at[s], idx_v)
        plsc.subcore_barrier()

        _unpack_chunk(idx_v, 0, sidx0, didx0)
        pltpu.async_copy(u_sh.at[sidx0], rows0, sem0)

        def body(i, carry):
            j = 2 * i
            _unpack_chunk(idx_v, j + 1, sidx1, didx1)
            pltpu.async_copy(u_sh.at[sidx1], rows1, sem1)
            pltpu.make_async_copy(u_sh.at[sidx0], rows0, sem0).wait()
            pltpu.sync_copy(rows0, agg_sh.at[didx0], add=True)

            @pl.when(i + 1 < npair)
            def _():
                _unpack_chunk(idx_v, j + 2, sidx0, didx0)
                pltpu.async_copy(u_sh.at[sidx0], rows0, sem0)

            pltpu.make_async_copy(u_sh.at[sidx1], rows1, sem1).wait()
            pltpu.sync_copy(rows1, agg_sh.at[didx1], add=True)
            return carry

        lax.fori_loop(0, npair, body, 0)
        plsc.subcore_barrier()
        pltpu.sync_copy(agg_sh.at[pl.ds(r0, RPT)],
                        agg_hbm.at[pl.ds(r0, RPT), pl.ds(c0, dh)])

    return k(u, packed_s, zeros_c)



BLK = 512


def _dinv_of(cnt_ref):
    return lax.rsqrt(cnt_ref[0, :, :1] + cnt_ref[1, :, :1] + 1.0)


def _tc_pre(x_pad, W0, cnt):
    d_in = x_pad.shape[1]
    d_out = W0.shape[1]

    def body(x_ref, w_ref, cnt_ref, o_ref):
        dinv = _dinv_of(cnt_ref)
        h = jnp.dot(x_ref[...], w_ref[...], preferred_element_type=jnp.float32)
        o_ref[...] = h * dinv

    return pl.pallas_call(
        body,
        grid=(NODE_PAD // BLK,),
        in_specs=[
            pl.BlockSpec((BLK, d_in), lambda r: (r, 0)),
            pl.BlockSpec((d_in, d_out), lambda r: (0, 0)),
            pl.BlockSpec((NC, BLK, CNT_W), lambda r: (0, r, 0)),
        ],
        out_specs=pl.BlockSpec((BLK, d_out), lambda r: (r, 0)),
        out_shape=jax.ShapeDtypeStruct((NODE_PAD, d_out), jnp.float32),
    )(x_pad, W0, cnt)


def _tc_layer(agg, u_prev, cnt, b, g, be, W):
    d = u_prev.shape[1]
    d_out = W.shape[1]

    def body(a_ref, u_ref, cnt_ref, b_ref, g_ref, be_ref, w_ref, o_ref):
        dinv = _dinv_of(cnt_ref)
        z = dinv * (a_ref[...] + u_ref[...]) + b_ref[...]
        z = z * (g_ref[...] * BN_SCALE) + be_ref[...]
        z = jnp.maximum(z, 0.0)
        h = jnp.dot(z, w_ref[...], preferred_element_type=jnp.float32)
        o_ref[...] = h * dinv

    return pl.pallas_call(
        body,
        grid=(NODE_PAD // BLK,),
        in_specs=[
            pl.BlockSpec((BLK, d), lambda r: (r, 0)),
            pl.BlockSpec((BLK, d), lambda r: (r, 0)),
            pl.BlockSpec((NC, BLK, CNT_W), lambda r: (0, r, 0)),
            pl.BlockSpec((d,), lambda r: (0,)),
            pl.BlockSpec((d,), lambda r: (0,)),
            pl.BlockSpec((d,), lambda r: (0,)),
            pl.BlockSpec((d, d_out), lambda r: (0, 0)),
        ],
        out_specs=pl.BlockSpec((BLK, d_out), lambda r: (r, 0)),
        out_shape=jax.ShapeDtypeStruct((NODE_PAD, d_out), jnp.float32),
    )(agg, u_prev, cnt, b, g, be, W)


def _tc_out(agg, u_prev, cnt, b_pad, n_rows):
    d = u_prev.shape[1]
    blk = 400

    def body(a_ref, u_ref, cnt_ref, b_ref, o_ref):
        dinv = _dinv_of(cnt_ref)
        z = dinv * (a_ref[...] + u_ref[...]) + b_ref[...]
        m = jnp.max(z, axis=1, keepdims=True)
        t = z - m
        lse = jnp.log(jnp.sum(jnp.exp(t), axis=1, keepdims=True))
        o_ref[...] = t - lse

    return pl.pallas_call(
        body,
        grid=(n_rows // blk,),
        in_specs=[
            pl.BlockSpec((blk, d), lambda r: (r, 0)),
            pl.BlockSpec((blk, d), lambda r: (r, 0)),
            pl.BlockSpec((NC, blk, CNT_W), lambda r: (0, r, 0)),
            pl.BlockSpec((d,), lambda r: (0,)),
        ],
        out_specs=pl.BlockSpec((blk, d), lambda r: (r, 0)),
        out_shape=jax.ShapeDtypeStruct((n_rows, d), jnp.float32),
    )(agg, u_prev, cnt, b_pad)



def kernel(x, edge_index, W0, b0, g0, be0, W1, b1, g1, be1, W2, b2):
    n, _ = x.shape
    e = edge_index.shape[1]
    d_cls = W2.shape[1]

    src = edge_index[0].astype(jnp.int32)
    dst = edge_index[1].astype(jnp.int32)
    packed = src + (dst << PACK_SHIFT)
    fillv = n + (n << PACK_SHIFT)

    nchunk = -(-e // (NS * CHUNK))
    nchunk += nchunk % 2
    epw = nchunk * CHUNK
    pad_s = jnp.full((NS * epw - e,), fillv, jnp.int32)
    packed_s = jnp.concatenate([packed, pad_s]).reshape(NS, epw)

    nchunk_c = -(-e // (NW * CHUNK))
    epw_c = nchunk_c * CHUNK
    pad_c = jnp.full((NW * epw_c - e,), fillv, jnp.int32)
    packed_w = jnp.concatenate([packed, pad_c]).reshape(NW, epw_c)

    x_pad = jnp.pad(x, ((0, NODE_PAD - n), (0, 0)))
    zeros128 = jnp.zeros((RPT, 128), jnp.float32)
    zeros64h = jnp.zeros((RPT, 64), jnp.float32)
    zeros32h = jnp.zeros((RPT, 32), jnp.float32)
    iota_rows = jnp.arange(HROWS, dtype=jnp.int32).reshape(HROWS // 128, 128)
    W2p = jnp.pad(W2, ((0, 0), (0, 64 - d_cls)))
    b2p = jnp.concatenate([b2, jnp.full((64 - d_cls,), -1e30, jnp.float32)])

    cnt = _sc_count(packed_w, iota_rows, zeros128)
    cnt = cnt.reshape(NC, NODE_PAD, CNT_W)
    u0 = _tc_pre(x_pad, W0, cnt)
    a0 = _sc_agg(u0, packed_s, zeros64h)
    u1 = _tc_layer(a0, u0, cnt, b0, g0, be0, W1)
    a1 = _sc_agg(u1, packed_s, zeros64h)
    u2 = _tc_layer(a1, u1, cnt, b1, g1, be1, W2p)
    a2 = _sc_agg(u2, packed_s, zeros32h)
    out = _tc_out(a2, u2, cnt, b2p, n)
    return out[:, :d_cls]

# --- scband reference (transcript-rebuilt; emitter-appended) ---
"""Pipeline reference for scband-multi-gcn-43542378447163 (READ-ONLY COPY).

The authoritative reference and input builder live on the scoring server;
editing this copy changes nothing except your own understanding.
"""

import jax, jax.numpy as jnp
import numpy as np

N = 10000
D_IN = 128
D_HID = 128
D_OUT = 40
E = 320000


def build_norm(edge_index):
    # PyG gcn_norm: add self-loops, symmetric normalization deg^-1/2 A deg^-1/2
    src = edge_index[0]
    dst = edge_index[1]
    loop = jnp.arange(N, dtype=edge_index.dtype)
    src = jnp.concatenate([src, loop])
    dst = jnp.concatenate([dst, loop])
    deg = jax.ops.segment_sum(jnp.ones(src.shape[0], dtype=jnp.float32), dst, num_segments=N)
    dinv = jnp.where(deg > 0, deg ** -0.5, 0.0)
    norm = dinv[src] * dinv[dst]
    return src, dst, norm


def gcn_conv(x, src, dst, norm, W, b):
    h = x @ W
    msgs = h[src] * norm[:, None]
    out = jax.ops.segment_sum(msgs, dst, num_segments=N)
    return out + b


def batchnorm_eval(x, gamma, beta, eps=1e-5):
    # eval-mode BatchNorm1d with fresh running stats (mean=0, var=1)
    return x / jnp.sqrt(1.0 + eps) * gamma + beta


def setup_inputs(seed: int = 0) -> dict:
    key = jax.random.key(seed)
    ks = jax.random.split(key, 12)
    x = jax.random.normal(ks[0], (N, D_IN), dtype=jnp.float32)
    edge_index = jax.random.randint(ks[1], (2, E), 0, N, dtype=jnp.int64)
    W0 = jax.random.normal(ks[2], (D_IN, D_HID), dtype=jnp.float32) * (1.0 / np.sqrt(D_IN))
    b0 = jnp.zeros((D_HID,), dtype=jnp.float32)
    g0 = jnp.ones((D_HID,), dtype=jnp.float32)
    be0 = jnp.zeros((D_HID,), dtype=jnp.float32)
    W1 = jax.random.normal(ks[3], (D_HID, D_HID), dtype=jnp.float32) * (1.0 / np.sqrt(D_HID))
    b1 = jnp.zeros((D_HID,), dtype=jnp.float32)
    g1 = jnp.ones((D_HID,), dtype=jnp.float32)
    be1 = jnp.zeros((D_HID,), dtype=jnp.float32)
    W2 = jax.random.normal(ks[4], (D_HID, D_OUT), dtype=jnp.float32) * (1.0 / np.sqrt(D_HID))
    b2 = jnp.zeros((D_OUT,), dtype=jnp.float32)
    return {"x": x, "edge_index": edge_index, "W0": W0, "b0": b0, "g0": g0, "be0": be0,
            "W1": W1, "b1": b1, "g1": g1, "be1": be1, "W2": W2, "b2": b2}


def reference(x, edge_index, W0, b0, g0, be0, W1, b1, g1, be1, W2, b2):
    src, dst, norm = build_norm(edge_index)
    h = gcn_conv(x, src, dst, norm, W0, b0)
    h = batchnorm_eval(h, g0, be0)
    h = jax.nn.relu(h)
    # dropout is identity in eval mode
    h = gcn_conv(h, src, dst, norm, W1, b1)
    h = batchnorm_eval(h, g1, be1)
    h = jax.nn.relu(h)
    h = gcn_conv(h, src, dst, norm, W2, b2)
    return jax.nn.log_softmax(h, axis=-1)

if __name__ == "__main__":
    import jax
    _d = setup_inputs()
    print(jax.jit(kernel)(*tuple(_d.values())))

</pallas_src>

<mosaic_0001>
#map = affine_map<(d0, d1) -> (0, 0)>
module attributes {stable_mosaic.version = 14 : i64} {
  func.func @k(%arg0: i32, %arg1: i32, %arg2: memref<10240x128xf32, #tpu.memory_space<hbm>>, %arg3: memref<16x20096xi32, #tpu.memory_space<hbm>>, %arg4: memref<640x64xf32, #tpu.memory_space<hbm>>, %arg5: memref<10240x128xf32, #tpu.memory_space<hbm>>, %arg6: memref<10240x64xf32, #tpu.memory_space<vmem_shared>>, %arg7: memref<10240x64xf32, #tpu.memory_space<vmem_shared>>, %arg8: memref<20096xi32, #tpu.memory_space<vmem>>, %arg9: memref<64xi32, #tpu.memory_space<vmem>>, %arg10: memref<64xi32, #tpu.memory_space<vmem>>, %arg11: memref<64xi32, #tpu.memory_space<vmem>>, %arg12: memref<64xi32, #tpu.memory_space<vmem>>, %arg13: memref<64x64xf32, #tpu.memory_space<vmem>>, %arg14: memref<64x64xf32, #tpu.memory_space<vmem>>, %arg15: memref<!tpu.dma_semaphore, #tpu.memory_space<semaphore_mem>>, %arg16: memref<!tpu.dma_semaphore, #tpu.memory_space<semaphore_mem>>) attributes {dimension_semantics = [#tpu.dimension_semantics<core_parallel>, #tpu.dimension_semantics<subcore_parallel>], iteration_bounds = array<i64: 2, 16>, scalar_prefetch = 0 : i64, scratch_operands = 11 : i64, tpu.core_type = #tpu.core_type<sc_vector_subcore>, window_params = [{transform_indices = #map}, {transform_indices = #map}, {transform_indices = #map}, {transform_indices = #map}]} {
    %mul3A = arith.constant 640 : i32
    %mul3A_0 = arith.muli %arg1, %mul3A : i32
    %mul3A_1 = arith.constant 64 : i32
    %mul3A_2 = arith.muli %arg0, %mul3A_1 : i32
    "tpu.region"() ({
      %run_scoped3A = tpu.sem_alloc : memref<!tpu.dma_semaphore, #tpu.memory_space<semaphore_mem>>
      %dma_start3A_75 = arith.constant 0 : i32
      %dma_start3A_76 = tpu.memref_slice %arg6[%mul3A_0, %dma_start3A_75] : memref<10240x64xf32, #tpu.memory_space<vmem_shared>> -> memref<640x64xf32, #tpu.memory_space<vmem_shared>>
      %dma_start3A_77 = tpu.memref_slice %arg2[%mul3A_0, %mul3A_2] : memref<10240x128xf32, #tpu.memory_space<hbm>> -> memref<640x64xf32, #tpu.memory_space<hbm>>
      tpu.enqueue_dma source(%dma_start3A_77 : memref<640x64xf32, #tpu.memory_space<hbm>>) target(%dma_start3A_76 : memref<640x64xf32, #tpu.memory_space<vmem_shared>>) target_semaphore(%run_scoped3A : memref<!tpu.dma_semaphore, #tpu.memory_space<semaphore_mem>>)
      %dma_wait3A = arith.constant 0 : i32
      %dma_wait3A_78 = tpu.memref_slice %arg6[%mul3A_0, %dma_wait3A] : memref<10240x64xf32, #tpu.memory_space<vmem_shared>> -> memref<640x64xf32, #tpu.memory_space<vmem_shared>>
      %dma_wait3A_79 = tpu.memref_slice %arg2[%mul3A_0, %mul3A_2] : memref<10240x128xf32, #tpu.memory_space<hbm>> -> memref<640x64xf32, #tpu.memory_space<hbm>>
      tpu.wait_dma2 semaphore(%run_scoped3A : memref<!tpu.dma_semaphore, #tpu.memory_space<semaphore_mem>>) src(%dma_wait3A_79 : memref<640x64xf32, #tpu.memory_space<hbm>>) dst(%dma_wait3A_78 : memref<640x64xf32, #tpu.memory_space<vmem_shared>>)
      tpu.yield
    }) : () -> ()
    "tpu.region"() ({
      %run_scoped3A = tpu.sem_alloc : memref<!tpu.dma_semaphore, #tpu.memory_space<semaphore_mem>>
      %dma_start3A_75 = arith.constant 0 : i32
      %dma_start3A_76 = tpu.memref_slice %arg7[%mul3A_0, %dma_start3A_75] : memref<10240x64xf32, #tpu.memory_space<vmem_shared>> -> memref<640x64xf32, #tpu.memory_space<vmem_shared>>
      tpu.enqueue_dma source(%arg4 : memref<640x64xf32, #tpu.memory_space<hbm>>) target(%dma_start3A_76 : memref<640x64xf32, #tpu.memory_space<vmem_shared>>) target_semaphore(%run_scoped3A : memref<!tpu.dma_semaphore, #tpu.memory_space<semaphore_mem>>)
      %dma_wait3A = arith.constant 0 : i32
      %dma_wait3A_77 = tpu.memref_slice %arg7[%mul3A_0, %dma_wait3A] : memref<10240x64xf32, #tpu.memory_space<vmem_shared>> -> memref<640x64xf32, #tpu.memory_space<vmem_shared>>
      tpu.wait_dma2 semaphore(%run_scoped3A : memref<!tpu.dma_semaphore, #tpu.memory_space<semaphore_mem>>) src(%arg4 : memref<640x64xf32, #tpu.memory_space<hbm>>) dst(%dma_wait3A_77 : memref<640x64xf32, #tpu.memory_space<vmem_shared>>)
      tpu.yield
    }) : () -> ()
    "tpu.region"() ({
      %run_scoped3A = tpu.sem_alloc : memref<!tpu.dma_semaphore, #tpu.memory_space<semaphore_mem>>
      %dma_start3A_75 = arith.constant 0 : i32
      %dma_start3A_76 = tpu.memref_slice %arg3[%arg1, %dma_start3A_75] : memref<16x20096xi32, #tpu.memory_space<hbm>> -> memref<1x20096xi32, #tpu.memory_space<hbm>>
      %dma_start3A_77 = tpu.memref_squeeze %dma_start3A_76 : memref<1x20096xi32, #tpu.memory_space<hbm>> -> memref<20096xi32, #tpu.memory_space<hbm>>
      %dma_start3A_78 = arith.constant 0 : i32
      %dma_start3A_79 = tpu.memref_slice %arg3[%arg1, %dma_start3A_78] : memref<16x20096xi32, #tpu.memory_space<hbm>> -> memref<1x20096xi32, #tpu.memory_space<hbm>>
      %dma_start3A_80 = tpu.memref_squeeze %dma_start3A_79 : memref<1x20096xi32, #tpu.memory_space<hbm>> -> memref<20096xi32, #tpu.memory_space<hbm>>
      tpu.enqueue_dma source(%dma_start3A_80 : memref<20096xi32, #tpu.memory_space<hbm>>) target(%arg8 : memref<20096xi32, #tpu.memory_space<vmem>>) target_semaphore(%run_scoped3A : memref<!tpu.dma_semaphore, #tpu.memory_space<semaphore_mem>>)
      %dma_wait3A = arith.constant 0 : i32
      %dma_wait3A_81 = tpu.memref_slice %arg3[%arg1, %dma_wait3A] : memref<16x20096xi32, #tpu.memory_space<hbm>> -> memref<1x20096xi32, #tpu.memory_space<hbm>>
      %dma_wait3A_82 = tpu.memref_squeeze %dma_wait3A_81 : memref<1x20096xi32, #tpu.memory_space<hbm>> -> memref<20096xi32, #tpu.memory_space<hbm>>
      %dma_wait3A_83 = arith.constant 0 : i32
      %dma_wait3A_84 = tpu.memref_slice %arg3[%arg1, %dma_wait3A_83] : memref<16x20096xi32, #tpu.memory_space<hbm>> -> memref<1x20096xi32, #tpu.memory_space<hbm>>
      %dma_wait3A_85 = tpu.memref_squeeze %dma_wait3A_84 : memref<1x20096xi32, #tpu.memory_space<hbm>> -> memref<20096xi32, #tpu.memory_space<hbm>>
      tpu.wait_dma2 semaphore(%run_scoped3A : memref<!tpu.dma_semaphore, #tpu.memory_space<semaphore_mem>>) src(%dma_wait3A_85 : memref<20096xi32, #tpu.memory_space<hbm>>) dst(%arg8 : memref<20096xi32, #tpu.memory_space<vmem>>)
      tpu.yield
    }) : () -> ()
    %barrier3A = arith.constant 0 : index
    tpu.barrier barrier_id(%barrier3A)
    %get3A = arith.constant 0 : index
    %get3A_3 = tpu.vector_load %arg8[%get3A] {strides = array<i32>} : memref<20096xi32, #tpu.memory_space<vmem>>, vector<16xi32>,
    %get3A_4 = vector.shape_cast %get3A_3 : vector<16xi32> to vector<16xi32>
    %and3A = arith.constant 16383 : i32
    %and3A_5 = vector.broadcast %and3A : i32 to vector<16xi32>
    %and3A_6 = arith.andi %get3A_4, %and3A_5 : vector<16xi32>
    %swap3A = arith.constant 0 : index
    %swap3A_7 = tpu.vector_load %arg9[%swap3A] {strides = array<i32>} : memref<64xi32, #tpu.memory_space<vmem>>, vector<16xi32>,
    %swap3A_8 = vector.shape_cast %swap3A_7 : vector<16xi32> to vector<16xi32>
    %swap3A_9 = vector.shape_cast %and3A_6 : vector<16xi32> to vector<16xi32>
    tpu.vector_store %arg9[%swap3A], %swap3A_9 {strides = array<i32>} : memref<64xi32, #tpu.memory_space<vmem>>, vector<16xi32>,
    %shift_right_logical3A = arith.constant 14 : i32
    %shift_right_logical3A_10 = vector.broadcast %shift_right_logical3A : i32 to vector<16xi32>
    %shift_right_logical3A_11 = arith.shrui %get3A_4, %shift_right_logical3A_10 : vector<16xi32>
    %swap3A_12 = arith.constant 0 : index
    %swap3A_13 = tpu.vector_load %arg10[%swap3A_12] {strides = array<i32>} : memref<64xi32, #tpu.memory_space<vmem>>, vector<16xi32>,
    %swap3A_14 = vector.shape_cast %swap3A_13 : vector<16xi32> to vector<16xi32>
    %swap3A_15 = vector.shape_cast %shift_right_logical3A_11 : vector<16xi32> to vector<16xi32>
    tpu.vector_store %arg10[%swap3A_12], %swap3A_15 {strides = array<i32>} : memref<64xi32, #tpu.memory_space<vmem>>, vector<16xi32>,
    %get3A_16 = arith.constant 16 : index
    %get3A_17 = tpu.vector_load %arg8[%get3A_16] {strides = array<i32>} : memref<20096xi32, #tpu.memory_space<vmem>>, vector<16xi32>,
    %get3A_18 = vector.shape_cast %get3A_17 : vector<16xi32> to vector<16xi32>
    %and3A_19 = arith.constant 16383 : i32
    %and3A_20 = vector.broadcast %and3A_19 : i32 to vector<16xi32>
    %and3A_21 = arith.andi %get3A_18, %and3A_20 : vector<16xi32>
    %swap3A_22 = arith.constant 16 : index
    %swap3A_23 = tpu.vector_load %arg9[%swap3A_22] {strides = array<i32>} : memref<64xi32, #tpu.memory_space<vmem>>, vector<16xi32>,
    %swap3A_24 = vector.shape_cast %swap3A_23 : vector<16xi32> to vector<16xi32>
    %swap3A_25 = vector.shape_cast %and3A_21 : vector<16xi32> to vector<16xi32>
    tpu.vector_store %arg9[%swap3A_22], %swap3A_25 {strides = array<i32>} : memref<64xi32, #tpu.memory_space<vmem>>, vector<16xi32>,
    %shift_right_logical3A_26 = arith.constant 14 : i32
    %shift_right_logical3A_27 = vector.broadcast %shift_right_logical3A_26 : i32 to vector<16xi32>
    %shift_right_logical3A_28 = arith.shrui %get3A_18, %shift_right_logical3A_27 : vector<16xi32>
    %swap3A_29 = arith.constant 16 : index
    %swap3A_30 = tpu.vector_load %arg10[%swap3A_29] {strides = array<i32>} : memref<64xi32, #tpu.memory_space<vmem>>, vector<16xi32>,
    %swap3A_31 = vector.shape_cast %swap3A_30 : vector<16xi32> to vector<16xi32>
    %swap3A_32 = vector.shape_cast %shift_right_logical3A_28 : vector<16xi32> to vector<16xi32>
    tpu.vector_store %arg10[%swap3A_29], %swap3A_32 {strides = array<i32>} : memref<64xi32, #tpu.memory_space<vmem>>, vector<16xi32>,
    %get3A_33 = arith.constant 32 : index
    %get3A_34 = tpu.vector_load %arg8[%get3A_33] {strides = array<i32>} : memref<20096xi32, #tpu.memory_space<vmem>>, vector<16xi32>,
    %get3A_35 = vector.shape_cast %get3A_34 : vector<16xi32> to vector<16xi32>
    %and3A_36 = arith.constant 16383 : i32
    %and3A_37 = vector.broadcast %and3A_36 : i32 to vector<16xi32>
    %and3A_38 = arith.andi %get3A_35, %and3A_37 : vector<16xi32>
    %swap3A_39 = arith.constant 32 : index
    %swap3A_40 = tpu.vector_load %arg9[%swap3A_39] {strides = array<i32>} : memref<64xi32, #tpu.memory_space<vmem>>, vector<16xi32>,
    %swap3A_41 = vector.shape_cast %swap3A_40 : vector<16xi32> to vector<16xi32>
    %swap3A_42 = vector.shape_cast %and3A_38 : vector<16xi32> to vector<16xi32>
    tpu.vector_store %arg9[%swap3A_39], %swap3A_42 {strides = array<i32>} : memref<64xi32, #tpu.memory_space<vmem>>, vector<16xi32>,
    %shift_right_logical3A_43 = arith.constant 14 : i32
    %shift_right_logical3A_44 = vector.broadcast %shift_right_logical3A_43 : i32 to vector<16xi32>
    %shift_right_logical3A_45 = arith.shrui %get3A_35, %shift_right_logical3A_44 : vector<16xi32>
    %swap3A_46 = arith.constant 32 : index
    %swap3A_47 = tpu.vector_load %arg10[%swap3A_46] {strides = array<i32>} : memref<64xi32, #tpu.memory_space<vmem>>, vector<16xi32>,
    %swap3A_48 = vector.shape_cast %swap3A_47 : vector<16xi32> to vector<16xi32>
    %swap3A_49 = vector.shape_cast %shift_right_logical3A_45 : vector<16xi32> to vector<16xi32>
    tpu.vector_store %arg10[%swap3A_46], %swap3A_49 {strides = array<i32>} : memref<64xi32, #tpu.memory_space<vmem>>, vector<16xi32>,
    %get3A_50 = arith.constant 48 : index
    %get3A_51 = tpu.vector_load %arg8[%get3A_50] {strides = array<i32>} : memref<20096xi32, #tpu.memory_space<vmem>>, vector<16xi32>,
    %get3A_52 = vector.shape_cast %get3A_51 : vector<16xi32> to vector<16xi32>
    %and3A_53 = arith.constant 16383 : i32
    %and3A_54 = vector.broadcast %and3A_53 : i32 to vector<16xi32>
    %and3A_55 = arith.andi %get3A_52, %and3A_54 : vector<16xi32>
    %swap3A_56 = arith.constant 48 : index
    %swap3A_57 = tpu.vector_load %arg9[%swap3A_56] {strides = array<i32>} : memref<64xi32, #tpu.memory_space<vmem>>, vector<16xi32>,
    %swap3A_58 = vector.shape_cast %swap3A_57 : vector<16xi32> to vector<16xi32>
    %swap3A_59 = vector.shape_cast %and3A_55 : vector<16xi32> to vector<16xi32>
    tpu.vector_store %arg9[%swap3A_56], %swap3A_59 {strides = array<i32>} : memref<64xi32, #tpu.memory_space<vmem>>, vector<16xi32>,
    %shift_right_logical3A_60 = arith.constant 14 : i32
    %shift_right_logical3A_61 = vector.broadcast %shift_right_logical3A_60 : i32 to vector<16xi32>
    %shift_right_logical3A_62 = arith.shrui %get3A_52, %shift_right_logical3A_61 : vector<16xi32>
    %swap3A_63 = arith.constant 48 : index
    %swap3A_64 = tpu.vector_load %arg10[%swap3A_63] {strides = array<i32>} : memref<64xi32, #tpu.memory_space<vmem>>, vector<16xi32>,
    %swap3A_65 = vector.shape_cast %swap3A_64 : vector<16xi32> to vector<16xi32>
    %swap3A_66 = vector.shape_cast %shift_right_logical3A_62 : vector<16xi32> to vector<16xi32>
    tpu.vector_store %arg10[%swap3A_63], %swap3A_66 {strides = array<i32>} : memref<64xi32, #tpu.memory_space<vmem>>, vector<16xi32>,
    %dma_start3A = arith.constant 0 : i32
    %dma_start3A_67 = arith.constant 0 : i32
    %dma_start3A_68 = tpu.memref_slice %arg6[%dma_start3A, %dma_start3A_67] : memref<10240x64xf32, #tpu.memory_space<vmem_shared>> -> memref<10240x64xf32, #tpu.memory_space<vmem_shared>>
    tpu.enqueue_indirect_dma source(%dma_start3A_68 : memref<10240x64xf32, #tpu.memory_space<vmem_shared>>) target(%arg13 : memref<64x64xf32, #tpu.memory_space<vmem>>) offsets(%arg9 : memref<64xi32, #tpu.memory_space<vmem>>) semaphore(%arg15 : memref<!tpu.dma_semaphore, #tpu.memory_space<semaphore_mem>>)
    %scan3A = arith.constant 0 : i32
    %scan3A_69 = arith.constant 0 : i32
    %scan3A_70 = arith.constant 157 : i32
    %scan3A_71 = arith.addi %scan3A_69, %scan3A_70 : i32
    %scan3A_72 = arith.constant 1 : i32
    scf.for %scan3A_75 = %scan3A_69 to %scan3A_71 step %scan3A_72  : i32 {
      %mul3A_76 = arith.constant 2 : i32
      %mul3A_77 = arith.muli %mul3A_76, %scan3A_75 : i32
      %add3A = arith.constant 1 : i32
      %add3A_78 = arith.addi %mul3A_77, %add3A : i32
      %mul3A_79 = arith.constant 64 : i32
      %mul3A_80 = arith.muli %add3A_78, %mul3A_79 : i32
      %add3A_81 = arith.constant 0 : i32
      %add3A_82 = arith.addi %mul3A_80, %add3A_81 : i32
      %get3A_83 = arith.index_cast %add3A_82 : i32 to index
      %get3A_84 = tpu.vector_load %arg8[%get3A_83] {strides = array<i32>} : memref<20096xi32, #tpu.memory_space<vmem>>, vector<16xi32>,
      %get3A_85 = vector.shape_cast %get3A_84 : vector<16xi32> to vector<16xi32>
      %and3A_86 = arith.constant 16383 : i32
      %and3A_87 = vector.broadcast %and3A_86 : i32 to vector<16xi32>
      %and3A_88 = arith.andi %get3A_85, %and3A_87 : vector<16xi32>
      %swap3A_89 = arith.constant 0 : index
      %swap3A_90 = tpu.vector_load %arg11[%swap3A_89] {strides = array<i32>} : memref<64xi32, #tpu.memory_space<vmem>>, vector<16xi32>,
      %swap3A_91 = vector.shape_cast %swap3A_90 : vector<16xi32> to vector<16xi32>
      %swap3A_92 = vector.shape_cast %and3A_88 : vector<16xi32> to vector<16xi32>
      tpu.vector_store %arg11[%swap3A_89], %swap3A_92 {strides = array<i32>} : memref<64xi32, #tpu.memory_space<vmem>>, vector<16xi32>,
      %shift_right_logical3A_93 = arith.constant 14 : i32
      %shift_right_logical3A_94 = vector.broadcast %shift_right_logical3A_93 : i32 to vector<16xi32>
      %shift_right_logical3A_95 = arith.shrui %get3A_85, %shift_right_logical3A_94 : vector<16xi32>
      %swap3A_96 = arith.constant 0 : index
      %swap3A_97 = tpu.vector_load %arg12[%swap3A_96] {strides = array<i32>} : memref<64xi32, #tpu.memory_space<vmem>>, vector<16xi32>,
      %swap3A_98 = vector.shape_cast %swap3A_97 : vector<16xi32> to vector<16xi32>
      %swap3A_99 = vector.shape_cast %shift_right_logical3A_95 : vector<16xi32> to vector<16xi32>
      tpu.vector_store %arg12[%swap3A_96], %swap3A_99 {strides = array<i32>} : memref<64xi32, #tpu.memory_space<vmem>>, vector<16xi32>,
      %mul3A_100 = arith.constant 64 : i32
      %mul3A_101 = arith.muli %add3A_78, %mul3A_100 : i32
      %add3A_102 = arith.constant 16 : i32
      %add3A_103 = arith.addi %mul3A_101, %add3A_102 : i32
      %get3A_104 = arith.index_cast %add3A_103 : i32 to index
      %get3A_105 = tpu.vector_load %arg8[%get3A_104] {strides = array<i32>} : memref<20096xi32, #tpu.memory_space<vmem>>, vector<16xi32>,
      %get3A_106 = vector.shape_cast %get3A_105 : vector<16xi32> to vector<16xi32>
      %and3A_107 = arith.constant 16383 : i32
      %and3A_108 = vector.broadcast %and3A_107 : i32 to vector<16xi32>
      %and3A_109 = arith.andi %get3A_106, %and3A_108 : vector<16xi32>
      %swap3A_110 = arith.constant 16 : index
      %swap3A_111 = tpu.vector_load %arg11[%swap3A_110] {strides = array<i32>} : memref<64xi32, #tpu.memory_space<vmem>>, vector<16xi32>,
      %swap3A_112 = vector.shape_cast %swap3A_111 : vector<16xi32> to vector<16xi32>
      %swap3A_113 = vector.shape_cast %and3A_109 : vector<16xi32> to vector<16xi32>
      tpu.vector_store %arg11[%swap3A_110], %swap3A_113 {strides = array<i32>} : memref<64xi32, #tpu.memory_space<vmem>>, vector<16xi32>,
      %shift_right_logical3A_114 = arith.constant 14 : i32
      %shift_right_logical3A_115 = vector.broadcast %shift_right_logical3A_114 : i32 to vector<16xi32>
      %shift_right_logical3A_116 = arith.shrui %get3A_106, %shift_right_logical3A_115 : vector<16xi32>
      %swap3A_117 = arith.constant 16 : index
      %swap3A_118 = tpu.vector_load %arg12[%swap3A_117] {strides = array<i32>} : memref<64xi32, #tpu.memory_space<vmem>>, vector<16xi32>,
      %swap3A_119 = vector.shape_cast %swap3A_118 : vector<16xi32> to vector<16xi32>
      %swap3A_120 = vector.shape_cast %shift_right_logical3A_116 : vector<16xi32> to vector<16xi32>
      tpu.vector_store %arg12[%swap3A_117], %swap3A_120 {strides = array<i32>} : memref<64xi32, #tpu.memory_space<vmem>>, vector<16xi32>,
      %mul3A_121 = arith.constant 64 : i32
      %mul3A_122 = arith.muli %add3A_78, %mul3A_121 : i32
      %add3A_123 = arith.constant 32 : i32
      %add3A_124 = arith.addi %mul3A_122, %add3A_123 : i32
      %get3A_125 = arith.index_cast %add3A_124 : i32 to index
      %get3A_126 = tpu.vector_load %arg8[%get3A_125] {strides = array<i32>} : memref<20096xi32, #tpu.memory_space<vmem>>, vector<16xi32>,
      %get3A_127 = vector.shape_cast %get3A_126 : vector<16xi32> to vector<16xi32>
      %and3A_128 = arith.constant 16383 : i32
      %and3A_129 = vector.broadcast %and3A_128 : i32 to vector<16xi32>
      %and3A_130 = arith.andi %get3A_127, %and3A_129 : vector<16xi32>
      %swap3A_131 = arith.constant 32 : index
      %swap3A_132 = tpu.vector_load %arg11[%swap3A_131] {strides = array<i32>} : memref<64xi32, #tpu.memory_space<vmem>>, vector<16xi32>,
      %swap3A_133 = vector.shape_cast %swap3A_132 : vector<16xi32> to vector<16xi32>
      %swap3A_134 = vector.shape_cast %and3A_130 : vector<16xi32> to vector<16xi32>
      tpu.vector_store %arg11[%swap3A_131], %swap3A_134 {strides = array<i32>} : memref<64xi32, #tpu.memory_space<vmem>>, vector<16xi32>,
      %shift_right_logical3A_135 = arith.constant 14 : i32
      %shift_right_logical3A_136 = vector.broadcast %shift_right_logical3A_135 : i32 to vector<16xi32>
      %shift_right_logical3A_137 = arith.shrui %get3A_127, %shift_right_logical3A_136 : vector<16xi32>
      %swap3A_138 = arith.constant 32 : index
      %swap3A_139 = tpu.vector_load %arg12[%swap3A_138] {strides = array<i32>} : memref<64xi32, #tpu.memory_space<vmem>>, vector<16xi32>,
      %swap3A_140 = vector.shape_cast %swap3A_139 : vector<16xi32> to vector<16xi32>
      %swap3A_141 = vector.shape_cast %shift_right_logical3A_137 : vector<16xi32> to vector<16xi32>
      tpu.vector_store %arg12[%swap3A_138], %swap3A_141 {strides = array<i32>} : memref<64xi32, #tpu.memory_space<vmem>>, vector<16xi32>,
      %mul3A_142 = arith.constant 64 : i32
      %mul3A_143 = arith.muli %add3A_78, %mul3A_142 : i32
      %add3A_144 = arith.constant 48 : i32
      %add3A_145 = arith.addi %mul3A_143, %add3A_144 : i32
      %get3A_146 = arith.index_cast %add3A_145 : i32 to index
      %get3A_147 = tpu.vector_load %arg8[%get3A_146] {strides = array<i32>} : memref<20096xi32, #tpu.memory_space<vmem>>, vector<16xi32>,
      %get3A_148 = vector.shape_cast %get3A_147 : vector<16xi32> to vector<16xi32>
      %and3A_149 = arith.constant 16383 : i32
      %and3A_150 = vector.broadcast %and3A_149 : i32 to vector<16xi32>
      %and3A_151 = arith.andi %get3A_148, %and3A_150 : vector<16xi32>
      %swap3A_152 = arith.constant 48 : index
      %swap3A_153 = tpu.vector_load %arg11[%swap3A_152] {strides = array<i32>} : memref<64xi32, #tpu.memory_space<vmem>>, vector<16xi32>,
      %swap3A_154 = vector.shape_cast %swap3A_153 : vector<16xi32> to vector<16xi32>
      %swap3A_155 = vector.shape_cast %and3A_151 : vector<16xi32> to vector<16xi32>
      tpu.vector_store %arg11[%swap3A_152], %swap3A_155 {strides = array<i32>} : memref<64xi32, #tpu.memory_space<vmem>>, vector<16xi32>,
      %shift_right_logical3A_156 = arith.constant 14 : i32
      %shift_right_logical3A_157 = vector.broadcast %shift_right_logical3A_156 : i32 to vector<16xi32>
      %shift_right_logical3A_158 = arith.shrui %get3A_148, %shift_right_logical3A_157 : vector<16xi32>
      %swap3A_159 = arith.constant 48 : index
      %swap3A_160 = tpu.vector_load %arg12[%swap3A_159] {strides = array<i32>} : memref<64xi32, #tpu.memory_space<vmem>>, vector<16xi32>,
      %swap3A_161 = vector.shape_cast %swap3A_160 : vector<16xi32> to vector<16xi32>
      %swap3A_162 = vector.shape_cast %shift_right_logical3A_158 : vector<16xi32> to vector<16xi32>
      tpu.vector_store %arg12[%swap3A_159], %swap3A_162 {strides = array<i32>} : memref<64xi32, #tpu.memory_space<vmem>>, vector<16xi32>,
      %dma_start3A_163 = arith.constant 0 : i32
      %dma_start3A_164 = arith.constant 0 : i32
      %dma_start3A_165 = tpu.memref_slice %arg6[%dma_start3A_163, %dma_start3A_164] : memref<10240x64xf32, #tpu.memory_space<vmem_shared>> -> memref<10240x64xf32, #tpu.memory_space<vmem_shared>>
      tpu.enqueue_indirect_dma source(%dma_start3A_165 : memref<10240x64xf32, #tpu.memory_space<vmem_shared>>) target(%arg14 : memref<64x64xf32, #tpu.memory_space<vmem>>) offsets(%arg11 : memref<64xi32, #tpu.memory_space<vmem>>) semaphore(%arg16 : memref<!tpu.dma_semaphore, #tpu.memory_space<semaphore_mem>>)
      %dma_wait3A = arith.constant 0 : i32
      %dma_wait3A_166 = arith.constant 0 : i32
      %dma_wait3A_167 = tpu.memref_slice %arg6[%dma_wait3A, %dma_wait3A_166] : memref<10240x64xf32, #tpu.memory_space<vmem_shared>> -> memref<10240x64xf32, #tpu.memory_space<vmem_shared>>
      tpu.wait_indirect_dma semaphore(%arg15 : memref<!tpu.dma_semaphore, #tpu.memory_space<semaphore_mem>>) src(%dma_wait3A_167 : memref<10240x64xf32, #tpu.memory_space<vmem_shared>>) dst(%arg13 : memref<64x64xf32, #tpu.memory_space<vmem>>)
      "tpu.region"() ({
        %run_scoped3A = tpu.sem_alloc : memref<!tpu.dma_semaphore, #tpu.memory_space<semaphore_mem>>
        %dma_start3A_175 = arith.constant 0 : i32
        %dma_start3A_176 = arith.constant 0 : i32
        %dma_start3A_177 = tpu.memref_slice %arg7[%dma_start3A_175, %dma_start3A_176] : memref<10240x64xf32, #tpu.memory_space<vmem_shared>> -> memref<10240x64xf32, #tpu.memory_space<vmem_shared>>
        tpu.enqueue_indirect_dma source(%arg13 : memref<64x64xf32, #tpu.memory_space<vmem>>) target(%dma_start3A_177 : memref<10240x64xf32, #tpu.memory_space<vmem_shared>>) offsets(%arg10 : memref<64xi32, #tpu.memory_space<vmem>>) semaphore(%run_scoped3A : memref<!tpu.dma_semaphore, #tpu.memory_space<semaphore_mem>>) {add = true}
        %dma_wait3A_178 = arith.constant 0 : i32
        %dma_wait3A_179 = arith.constant 0 : i32
        %dma_wait3A_180 = tpu.memref_slice %arg7[%dma_wait3A_178, %dma_wait3A_179] : memref<10240x64xf32, #tpu.memory_space<vmem_shared>> -> memref<10240x64xf32, #tpu.memory_space<vmem_shared>>
        tpu.wait_indirect_dma semaphore(%run_scoped3A : memref<!tpu.dma_semaphore, #tpu.memory_space<semaphore_mem>>) src(%arg13 : memref<64x64xf32, #tpu.memory_space<vmem>>) dst(%dma_wait3A_180 : memref<10240x64xf32, #tpu.memory_space<vmem_shared>>)
        tpu.yield
      }) : () -> ()
      %add3A_168 = arith.constant 1 : i32
      %add3A_169 = arith.addi %scan3A_75, %add3A_168 : i32
      %lt3A = arith.constant 157 : i32
      %lt3A_170 = arith.cmpi slt, %add3A_169, %lt3A : i32
      %convert_element_type3A = arith.extui %lt3A_170 : i1 to i32
      %cond3A = arith.constant 0 : i32
      %cond3A_171 = arith.cmpi ne, %convert_element_type3A, %cond3A : i32
      scf.if %cond3A_171 {
        %add3A_175 = arith.constant 2 : i32
        %add3A_176 = arith.addi %mul3A_77, %add3A_175 : i32
        %mul3A_177 = arith.constant 64 : i32
        %mul3A_178 = arith.muli %add3A_176, %mul3A_177 : i32
        %add3A_179 = arith.constant 0 : i32
        %add3A_180 = arith.addi %mul3A_178, %add3A_179 : i32
        %get3A_181 = arith.index_cast %add3A_180 : i32 to index
        %get3A_182 = tpu.vector_load %arg8[%get3A_181] {strides = array<i32>} : memref<20096xi32, #tpu.memory_space<vmem>>, vector<16xi32>,
        %get3A_183 = vector.shape_cast %get3A_182 : vector<16xi32> to vector<16xi32>
        %and3A_184 = arith.constant 16383 : i32
        %and3A_185 = vector.broadcast %and3A_184 : i32 to vector<16xi32>
        %and3A_186 = arith.andi %get3A_183, %and3A_185 : vector<16xi32>
        %swap3A_187 = arith.constant 0 : index
        %swap3A_188 = tpu.vector_load %arg9[%swap3A_187] {strides = array<i32>} : memref<64xi32, #tpu.memory_space<vmem>>, vector<16xi32>,
        %swap3A_189 = vector.shape_cast %swap3A_188 : vector<16xi32> to vector<16xi32>
        %swap3A_190 = vector.shape_cast %and3A_186 : vector<16xi32> to vector<16xi32>
        tpu.vector_store %arg9[%swap3A_187], %swap3A_190 {strides = array<i32>} : memref<64xi32, #tpu.memory_space<vmem>>, vector<16xi32>,
        %shift_right_logical3A_191 = arith.constant 14 : i32
        %shift_right_logical3A_192 = vector.broadcast %shift_right_logical3A_191 : i32 to vector<16xi32>
        %shift_right_logical3A_193 = arith.shrui %get3A_183, %shift_right_logical3A_192 : vector<16xi32>
        %swap3A_194 = arith.constant 0 : index
        %swap3A_195 = tpu.vector_load %arg10[%swap3A_194] {strides = array<i32>} : memref<64xi32, #tpu.memory_space<vmem>>, vector<16xi32>,
        %swap3A_196 = vector.shape_cast %swap3A_195 : vector<16xi32> to vector<16xi32>
        %swap3A_197 = vector.shape_cast %shift_right_logical3A_193 : vector<16xi32> to vector<16xi32>
        tpu.vector_store %arg10[%swap3A_194], %swap3A_197 {strides = array<i32>} : memref<64xi32, #tpu.memory_space<vmem>>, vector<16xi32>,
        %mul3A_198 = arith.constant 64 : i32
        %mul3A_199 = arith.muli %add3A_176, %mul3A_198 : i32
        %add3A_200 = arith.constant 16 : i32
        %add3A_201 = arith.addi %mul3A_199, %add3A_200 : i32
        %get3A_202 = arith.index_cast %add3A_201 : i32 to index
        %get3A_203 = tpu.vector_load %arg8[%get3A_202] {strides = array<i32>} : memref<20096xi32, #tpu.memory_space<vmem>>, vector<16xi32>,
        %get3A_204 = vector.shape_cast %get3A_203 : vector<16xi32> to vector<16xi32>
        %and3A_205 = arith.constant 16383 : i32
        %and3A_206 = vector.broadcast %and3A_205 : i32 to vector<16xi32>
        %and3A_207 = arith.andi %get3A_204, %and3A_206 : vector<16xi32>
        %swap3A_208 = arith.constant 16 : index
        %swap3A_209 = tpu.vector_load %arg9[%swap3A_208] {strides = array<i32>} : memref<64xi32, #tpu.memory_space<vmem>>, vector<16xi32>,
        %swap3A_210 = vector.shape_cast %swap3A_209 : vector<16xi32> to vector<16xi32>
        %swap3A_211 = vector.shape_cast %and3A_207 : vector<16xi32> to vector<16xi32>
        tpu.vector_store %arg9[%swap3A_208], %swap3A_211 {strides = array<i32>} : memref<64xi32, #tpu.memory_space<vmem>>, vector<16xi32>,
        %shift_right_logical3A_212 = arith.constant 14 : i32
        %shift_right_logical3A_213 = vector.broadcast %shift_right_logical3A_212 : i32 to vector<16xi32>
        %shift_right_logical3A_214 = arith.shrui %get3A_204, %shift_right_logical3A_213 : vector<16xi32>
        %swap3A_215 = arith.constant 16 : index
        %swap3A_216 = tpu.vector_load %arg10[%swap3A_215] {strides = array<i32>} : memref<64xi32, #tpu.memory_space<vmem>>, vector<16xi32>,
        %swap3A_217 = vector.shape_cast %swap3A_216 : vector<16xi32> to vector<16xi32>
        %swap3A_218 = vector.shape_cast %shift_right_logical3A_214 : vector<16xi32> to vector<16xi32>
        tpu.vector_store %arg10[%swap3A_215], %swap3A_218 {strides = array<i32>} : memref<64xi32, #tpu.memory_space<vmem>>, vector<16xi32>,
        %mul3A_219 = arith.constant 64 : i32
        %mul3A_220 = arith.muli %add3A_176, %mul3A_219 : i32
        %add3A_221 = arith.constant 32 : i32
        %add3A_222 = arith.addi %mul3A_220, %add3A_221 : i32
        %get3A_223 = arith.index_cast %add3A_222 : i32 to index
        %get3A_224 = tpu.vector_load %arg8[%get3A_223] {strides = array<i32>} : memref<20096xi32, #tpu.memory_space<vmem>>, vector<16xi32>,
        %get3A_225 = vector.shape_cast %get3A_224 : vector<16xi32> to vector<16xi32>
        %and3A_226 = arith.constant 16383 : i32
        %and3A_227 = vector.broadcast %and3A_226 : i32 to vector<16xi32>
        %and3A_228 = arith.andi %get3A_225, %and3A_227 : vector<16xi32>
        %swap3A_229 = arith.constant 32 : index
        %swap3A_230 = tpu.vector_load %arg9[%swap3A_229] {strides = array<i32>} : memref<64xi32, #tpu.memory_space<vmem>>, vector<16xi32>,
        %swap3A_231 = vector.shape_cast %swap3A_230 : vector<16xi32> to vector<16xi32>
        %swap3A_232 = vector.shape_cast %and3A_228 : vector<16xi32> to vector<16xi32>
        tpu.vector_store %arg9[%swap3A_229], %swap3A_232 {strides = array<i32>} : memref<64xi32, #tpu.memory_space<vmem>>, vector<16xi32>,
        %shift_right_logical3A_233 = arith.constant 14 : i32
        %shift_right_logical3A_234 = vector.broadcast %shift_right_logical3A_233 : i32 to vector<16xi32>
        %shift_right_logical3A_235 = arith.shrui %get3A_225, %shift_right_logical3A_234 : vector<16xi32>
        %swap3A_236 = arith.constant 32 : index
        %swap3A_237 = tpu.vector_load %arg10[%swap3A_236] {strides = array<i32>} : memref<64xi32, #tpu.memory_space<vmem>>, vector<16xi32>,
        %swap3A_238 = vector.shape_cast %swap3A_237 : vector<16xi32> to vector<16xi32>
        %swap3A_239 = vector.shape_cast %shift_right_logical3A_235 : vector<16xi32> to vector<16xi32>
        tpu.vector_store %arg10[%swap3A_236], %swap3A_239 {strides = array<i32>} : memref<64xi32, #tpu.memory_space<vmem>>, vector<16xi32>,
        %mul3A_240 = arith.constant 64 : i32
        %mul3A_241 = arith.muli %add3A_176, %mul3A_240 : i32
        %add3A_242 = arith.constant 48 : i32
        %add3A_243 = arith.addi %mul3A_241, %add3A_242 : i32
        %get3A_244 = arith.index_cast %add3A_243 : i32 to index
        %get3A_245 = tpu.vector_load %arg8[%get3A_244] {strides = array<i32>} : memref<20096xi32, #tpu.memory_space<vmem>>, vector<16xi32>,
        %get3A_246 = vector.shape_cast %get3A_245 : vector<16xi32> to vector<16xi32>
        %and3A_247 = arith.constant 16383 : i32
        %and3A_248 = vector.broadcast %and3A_247 : i32 to vector<16xi32>
        %and3A_249 = arith.andi %get3A_246, %and3A_248 : vector<16xi32>
        %swap3A_250 = arith.constant 48 : index
        %swap3A_251 = tpu.vector_load %arg9[%swap3A_250] {strides = array<i32>} : memref<64xi32, #tpu.memory_space<vmem>>, vector<16xi32>,
        %swap3A_252 = vector.shape_cast %swap3A_251 : vector<16xi32> to vector<16xi32>
        %swap3A_253 = vector.shape_cast %and3A_249 : vector<16xi32> to vector<16xi32>
        tpu.vector_store %arg9[%swap3A_250], %swap3A_253 {strides = array<i32>} : memref<64xi32, #tpu.memory_space<vmem>>, vector<16xi32>,
        %shift_right_logical3A_254 = arith.constant 14 : i32
        %shift_right_logical3A_255 = vector.broadcast %shift_right_logical3A_254 : i32 to vector<16xi32>
        %shift_right_logical3A_256 = arith.shrui %get3A_246, %shift_right_logical3A_255 : vector<16xi32>
        %swap3A_257 = arith.constant 48 : index
        %swap3A_258 = tpu.vector_load %arg10[%swap3A_257] {strides = array<i32>} : memref<64xi32, #tpu.memory_space<vmem>>, vector<16xi32>,
        %swap3A_259 = vector.shape_cast %swap3A_258 : vector<16xi32> to vector<16xi32>
        %swap3A_260 = vector.shape_cast %shift_right_logical3A_256 : vector<16xi32> to vector<16xi32>
        tpu.vector_store %arg10[%swap3A_257], %swap3A_260 {strides = array<i32>} : memref<64xi32, #tpu.memory_space<vmem>>, vector<16xi32>,
        %dma_start3A_261 = arith.constant 0 : i32
        %dma_start3A_262 = arith.constant 0 : i32
        %dma_start3A_263 = tpu.memref_slice %arg6[%dma_start3A_261, %dma_start3A_262] : memref<10240x64xf32, #tpu.memory_space<vmem_shared>> -> memref<10240x64xf32, #tpu.memory_space<vmem_shared>>
        tpu.enqueue_indirect_dma source(%dma_start3A_263 : memref<10240x64xf32, #tpu.memory_space<vmem_shared>>) target(%arg13 : memref<64x64xf32, #tpu.memory_space<vmem>>) offsets(%arg9 : memref<64xi32, #tpu.memory_space<vmem>>) semaphore(%arg15 : memref<!tpu.dma_semaphore, #tpu.memory_space<semaphore_mem>>)
      } else {
      }
      %dma_wait3A_172 = arith.constant 0 : i32
      %dma_wait3A_173 = arith.constant 0 : i32
      %dma_wait3A_174 = tpu.memref_slice %arg6[%dma_wait3A_172, %dma_wait3A_173] : memref<10240x64xf32, #tpu.memory_space<vmem_shared>> -> memref<10240x64xf32, #tpu.memory_space<vmem_shared>>
      tpu.wait_indirect_dma semaphore(%arg16 : memref<!tpu.dma_semaphore, #tpu.memory_space<semaphore_mem>>) src(%dma_wait3A_174 : memref<10240x64xf32, #tpu.memory_space<vmem_shared>>) dst(%arg14 : memref<64x64xf32, #tpu.memory_space<vmem>>)
      "tpu.region"() ({
        %run_scoped3A = tpu.sem_alloc : memref<!tpu.dma_semaphore, #tpu.memory_space<semaphore_mem>>
        %dma_start3A_175 = arith.constant 0 : i32
        %dma_start3A_176 = arith.constant 0 : i32
        %dma_start3A_177 = tpu.memref_slice %arg7[%dma_start3A_175, %dma_start3A_176] : memref<10240x64xf32, #tpu.memory_space<vmem_shared>> -> memref<10240x64xf32, #tpu.memory_space<vmem_shared>>
        tpu.enqueue_indirect_dma source(%arg14 : memref<64x64xf32, #tpu.memory_space<vmem>>) target(%dma_start3A_177 : memref<10240x64xf32, #tpu.memory_space<vmem_shared>>) offsets(%arg12 : memref<64xi32, #tpu.memory_space<vmem>>) semaphore(%run_scoped3A : memref<!tpu.dma_semaphore, #tpu.memory_space<semaphore_mem>>) {add = true}
        %dma_wait3A_178 = arith.constant 0 : i32
        %dma_wait3A_179 = arith.constant 0 : i32
        %dma_wait3A_180 = tpu.memref_slice %arg7[%dma_wait3A_178, %dma_wait3A_179] : memref<10240x64xf32, #tpu.memory_space<vmem_shared>> -> memref<10240x64xf32, #tpu.memory_space<vmem_shared>>
        tpu.wait_indirect_dma semaphore(%run_scoped3A : memref<!tpu.dma_semaphore, #tpu.memory_space<semaphore_mem>>) src(%arg14 : memref<64x64xf32, #tpu.memory_space<vmem>>) dst(%dma_wait3A_180 : memref<10240x64xf32, #tpu.memory_space<vmem_shared>>)
        tpu.yield
      }) : () -> ()
    }
    %scan3A_73 = arith.constant 157 : i32
    %barrier3A_74 = arith.constant 0 : index
    tpu.barrier barrier_id(%barrier3A_74)
    "tpu.region"() ({
      %run_scoped3A = tpu.sem_alloc : memref<!tpu.dma_semaphore, #tpu.memory_space<semaphore_mem>>
      %dma_start3A_75 = tpu.memref_slice %arg5[%mul3A_0, %mul3A_2] : memref<10240x128xf32, #tpu.memory_space<hbm>> -> memref<640x64xf32, #tpu.memory_space<hbm>>
      %dma_start3A_76 = arith.constant 0 : i32
      %dma_start3A_77 = tpu.memref_slice %arg7[%mul3A_0, %dma_start3A_76] : memref<10240x64xf32, #tpu.memory_space<vmem_shared>> -> memref<640x64xf32, #tpu.memory_space<vmem_shared>>
      tpu.enqueue_dma source(%dma_start3A_77 : memref<640x64xf32, #tpu.memory_space<vmem_shared>>) target(%dma_start3A_75 : memref<640x64xf32, #tpu.memory_space<hbm>>) target_semaphore(%run_scoped3A : memref<!tpu.dma_semaphore, #tpu.memory_space<semaphore_mem>>)
      %dma_wait3A = tpu.memref_slice %arg5[%mul3A_0, %mul3A_2] : memref<10240x128xf32, #tpu.memory_space<hbm>> -> memref<640x64xf32, #tpu.memory_space<hbm>>
      %dma_wait3A_78 = arith.constant 0 : i32
      %dma_wait3A_79 = tpu.memref_slice %arg7[%mul3A_0, %dma_wait3A_78] : memref<10240x64xf32, #tpu.memory_space<vmem_shared>> -> memref<640x64xf32, #tpu.memory_space<vmem_shared>>
      tpu.wait_dma2 semaphore(%run_scoped3A : memref<!tpu.dma_semaphore, #tpu.memory_space<semaphore_mem>>) src(%dma_wait3A_79 : memref<640x64xf32, #tpu.memory_space<vmem_shared>>) dst(%dma_wait3A : memref<640x64xf32, #tpu.memory_space<hbm>>)
      tpu.yield
    }) : () -> ()
    return
  }
}

#map = affine_map<(d0, d1) -> (0, 0)>
#map1 = affine_map<(d0, d1) -> (0, 0, 0)>
module attributes {stable_mosaic.version = 14 : i64} {
  func.func @k(%arg0: i32, %arg1: i32, %arg2: memref<32x10048xi32, #tpu.memory_space<hbm>>, %arg3: memref<5x128xi32, #tpu.memory_space<hbm>>, %arg4: memref<640x128xf32, #tpu.memory_space<hbm>>, %arg5: memref<2x640x128xf32, #tpu.memory_space<hbm>>, %arg6: memref<640x128xf32, #tpu.memory_space<vmem_shared>>, %arg7: memref<640x128xf32, #tpu.memory_space<vmem>>, %arg8: memref<10048xi32, #tpu.memory_space<vmem>>, %arg9: memref<5x128xi32, #tpu.memory_space<vmem>>) attributes {dimension_semantics = [#tpu.dimension_semantics<core_parallel>, #tpu.dimension_semantics<subcore_parallel>], iteration_bounds = array<i64: 2, 16>, scalar_prefetch = 0 : i64, scratch_operands = 4 : i64, tpu.core_type = #tpu.core_type<sc_vector_subcore>, window_params = [{transform_indices = #map}, {transform_indices = #map}, {transform_indices = #map}, {transform_indices = #map1}]} {
    %mul3A = arith.constant 16 : i32
    %mul3A_0 = arith.muli %arg0, %mul3A : i32
    %add3A = arith.addi %mul3A_0, %arg1 : i32
    %mul3A_1 = arith.constant 40 : i32
    %mul3A_2 = arith.muli %arg1, %mul3A_1 : i32
    "tpu.region"() ({
      %run_scoped3A = tpu.sem_alloc : memref<!tpu.dma_semaphore, #tpu.memory_space<semaphore_mem>>
      %dma_start3A = arith.constant 0 : i32
      %dma_start3A_16 = tpu.memref_slice %arg6[%mul3A_2, %dma_start3A] : memref<640x128xf32, #tpu.memory_space<vmem_shared>> -> memref<40x128xf32, #tpu.memory_space<vmem_shared>>
      %dma_start3A_17 = arith.constant 0 : i32
      %dma_start3A_18 = arith.constant 0 : i32
      %dma_start3A_19 = tpu.memref_slice %arg4[%dma_start3A_17, %dma_start3A_18] : memref<640x128xf32, #tpu.memory_space<hbm>> -> memref<40x128xf32, #tpu.memory_space<hbm>>
      tpu.enqueue_dma source(%dma_start3A_19 : memref<40x128xf32, #tpu.memory_space<hbm>>) target(%dma_start3A_16 : memref<40x128xf32, #tpu.memory_space<vmem_shared>>) target_semaphore(%run_scoped3A : memref<!tpu.dma_semaphore, #tpu.memory_space<semaphore_mem>>)
      %dma_wait3A = arith.constant 0 : i32
      %dma_wait3A_20 = tpu.memref_slice %arg6[%mul3A_2, %dma_wait3A] : memref<640x128xf32, #tpu.memory_space<vmem_shared>> -> memref<40x128xf32, #tpu.memory_space<vmem_shared>>
      %dma_wait3A_21 = arith.constant 0 : i32
      %dma_wait3A_22 = arith.constant 0 : i32
      %dma_wait3A_23 = tpu.memref_slice %arg4[%dma_wait3A_21, %dma_wait3A_22] : memref<640x128xf32, #tpu.memory_space<hbm>> -> memref<40x128xf32, #tpu.memory_space<hbm>>
      tpu.wait_dma2 semaphore(%run_scoped3A : memref<!tpu.dma_semaphore, #tpu.memory_space<semaphore_mem>>) src(%dma_wait3A_23 : memref<40x128xf32, #tpu.memory_space<hbm>>) dst(%dma_wait3A_20 : memref<40x128xf32, #tpu.memory_space<vmem_shared>>)
      tpu.yield
    }) : () -> ()
    "tpu.region"() ({
      %run_scoped3A = tpu.sem_alloc : memref<!tpu.dma_semaphore, #tpu.memory_space<semaphore_mem>>
      tpu.enqueue_dma source(%arg4 : memref<640x128xf32, #tpu.memory_space<hbm>>) target(%arg7 : memref<640x128xf32, #tpu.memory_space<vmem>>) target_semaphore(%run_scoped3A : memref<!tpu.dma_semaphore, #tpu.memory_space<semaphore_mem>>)
      tpu.wait_dma2 semaphore(%run_scoped3A : memref<!tpu.dma_semaphore, #tpu.memory_space<semaphore_mem>>) src(%arg4 : memref<640x128xf32, #tpu.memory_space<hbm>>) dst(%arg7 : memref<640x128xf32, #tpu.memory_space<vmem>>)
      tpu.yield
    }) : () -> ()
    "tpu.region"() ({
      %run_scoped3A = tpu.sem_alloc : memref<!tpu.dma_semaphore, #tpu.memory_space<semaphore_mem>>
      %dma_start3A = arith.constant 0 : i32
      %dma_start3A_16 = tpu.memref_slice %arg2[%add3A, %dma_start3A] : memref<32x10048xi32, #tpu.memory_space<hbm>> -> memref<1x10048xi32, #tpu.memory_space<hbm>>
      %dma_start3A_17 = tpu.memref_squeeze %dma_start3A_16 : memref<1x10048xi32, #tpu.memory_space<hbm>> -> memref<10048xi32, #tpu.memory_space<hbm>>
      %dma_start3A_18 = arith.constant 0 : i32
      %dma_start3A_19 = tpu.memref_slice %arg2[%add3A, %dma_start3A_18] : memref<32x10048xi32, #tpu.memory_space<hbm>> -> memref<1x10048xi32, #tpu.memory_space<hbm>>
      %dma_start3A_20 = tpu.memref_squeeze %dma_start3A_19 : memref<1x10048xi32, #tpu.memory_space<hbm>> -> memref<10048xi32, #tpu.memory_space<hbm>>
      tpu.enqueue_dma source(%dma_start3A_20 : memref<10048xi32, #tpu.memory_space<hbm>>) target(%arg8 : memref<10048xi32, #tpu.memory_space<vmem>>) target_semaphore(%run_scoped3A : memref<!tpu.dma_semaphore, #tpu.memory_space<semaphore_mem>>)
      %dma_wait3A = arith.constant 0 : i32
      %dma_wait3A_21 = tpu.memref_slice %arg2[%add3A, %dma_wait3A] : memref<32x10048xi32, #tpu.memory_space<hbm>> -> memref<1x10048xi32, #tpu.memory_space<hbm>>
      %dma_wait3A_22 = tpu.memref_squeeze %dma_wait3A_21 : memref<1x10048xi32, #tpu.memory_space<hbm>> -> memref<10048xi32, #tpu.memory_space<hbm>>
      %dma_wait3A_23 = arith.constant 0 : i32
      %dma_wait3A_24 = tpu.memref_slice %arg2[%add3A, %dma_wait3A_23] : memref<32x10048xi32, #tpu.memory_space<hbm>> -> memref<1x10048xi32, #tpu.memory_space<hbm>>
      %dma_wait3A_25 = tpu.memref_squeeze %dma_wait3A_24 : memref<1x10048xi32, #tpu.memory_space<hbm>> -> memref<10048xi32, #tpu.memory_space<hbm>>
      tpu.wait_dma2 semaphore(%run_scoped3A : memref<!tpu.dma_semaphore, #tpu.memory_space<semaphore_mem>>) src(%dma_wait3A_25 : memref<10048xi32, #tpu.memory_space<hbm>>) dst(%arg8 : memref<10048xi32, #tpu.memory_space<vmem>>)
      tpu.yield
    }) : () -> ()
    "tpu.region"() ({
      %run_scoped3A = tpu.sem_alloc : memref<!tpu.dma_semaphore, #tpu.memory_space<semaphore_mem>>
      tpu.enqueue_dma source(%arg3 : memref<5x128xi32, #tpu.memory_space<hbm>>) target(%arg9 : memref<5x128xi32, #tpu.memory_space<vmem>>) target_semaphore(%run_scoped3A : memref<!tpu.dma_semaphore, #tpu.memory_space<semaphore_mem>>)
      tpu.wait_dma2 semaphore(%run_scoped3A : memref<!tpu.dma_semaphore, #tpu.memory_space<semaphore_mem>>) src(%arg3 : memref<5x128xi32, #tpu.memory_space<hbm>>) dst(%arg9 : memref<5x128xi32, #tpu.memory_space<vmem>>)
      tpu.yield
    }) : () -> ()
    %broadcast_in_dim3A = arith.constant 1.000000e+00 : f32
    %broadcast_in_dim3A_3 = vector.broadcast %broadcast_in_dim3A : f32 to vector<16xf32>
    %scan3A = arith.constant 0 : i32
    %scan3A_4 = arith.constant 0 : i32
    %scan3A_5 = arith.constant 628 : i32
    %scan3A_6 = arith.addi %scan3A_4, %scan3A_5 : i32
    %scan3A_7 = arith.constant 1 : i32
    scf.for %scan3A_16 = %scan3A_4 to %scan3A_6 step %scan3A_7  : i32 {
      %mul3A_17 = arith.constant 16 : i32
      %mul3A_18 = arith.muli %scan3A_16, %mul3A_17 : i32
      %get3A = arith.index_cast %mul3A_18 : i32 to index
      %get3A_19 = tpu.vector_load %arg8[%get3A] {strides = array<i32>} : memref<10048xi32, #tpu.memory_space<vmem>>, vector<16xi32>,
      %shift_right_logical3A = arith.constant 14 : i32
      %shift_right_logical3A_20 = vector.broadcast %shift_right_logical3A : i32 to vector<16xi32>
      %shift_right_logical3A_21 = arith.shrui %get3A_19, %shift_right_logical3A_20 : vector<16xi32>
      %mul3A_22 = arith.constant 8 : i32
      %mul3A_23 = vector.broadcast %mul3A_22 : i32 to vector<16xi32>
      %mul3A_24 = arith.muli %shift_right_logical3A_21, %mul3A_23 : vector<16xi32>
      %shift_right_logical3A_25 = arith.constant 7 : i32
      %shift_right_logical3A_26 = vector.broadcast %shift_right_logical3A_25 : i32 to vector<16xi32>
      %shift_right_logical3A_27 = arith.shrui %mul3A_24, %shift_right_logical3A_26 : vector<16xi32>
      %and3A = arith.constant 127 : i32
      %and3A_28 = vector.broadcast %and3A : i32 to vector<16xi32>
      %and3A_29 = arith.andi %mul3A_24, %and3A_28 : vector<16xi32>
      tpu.vector_store_idx %arg7[%shift_right_logical3A_27, %and3A_29], %broadcast_in_dim3A_3 {add = true} : memref<640x128xf32, #tpu.memory_space<vmem>>[vector<16xi32>, vector<16xi32>], vector<16xf32>,
    }
    %scan3A_8 = arith.constant 628 : i32
    %barrier3A = arith.constant 0 : index
    tpu.barrier barrier_id(%barrier3A)
    %scan3A_9 = arith.constant 0 : i32
    %scan3A_10 = arith.constant 0 : i32
    %scan3A_11 = arith.constant 5 : i32
    %scan3A_12 = arith.addi %scan3A_10, %scan3A_11 : i32
    %scan3A_13 = arith.constant 1 : i32
    scf.for %scan3A_16 = %scan3A_10 to %scan3A_12 step %scan3A_13  : i32 {
      %mul3A_17 = arith.constant 128 : i32
      %mul3A_18 = arith.muli %scan3A_16, %mul3A_17 : i32
      "tpu.region"() ({
        %run_scoped3A = tpu.sem_alloc : memref<!tpu.dma_semaphore, #tpu.memory_space<semaphore_mem>>
        %dma_start3A = arith.constant 0 : i32
        %dma_start3A_19 = tpu.memref_slice %arg7[%mul3A_18, %dma_start3A] : memref<640x128xf32, #tpu.memory_space<vmem>> -> memref<128x128xf32, #tpu.memory_space<vmem>>
        %dma_start3A_20 = arith.constant 0 : i32
        %dma_start3A_21 = tpu.memref_slice %arg9[%scan3A_16, %dma_start3A_20] : memref<5x128xi32, #tpu.memory_space<vmem>> -> memref<1x128xi32, #tpu.memory_space<vmem>>
        %dma_start3A_22 = tpu.memref_squeeze %dma_start3A_21 : memref<1x128xi32, #tpu.memory_space<vmem>> -> memref<128xi32, #tpu.memory_space<vmem>>
        %dma_start3A_23 = arith.constant 0 : i32
        %dma_start3A_24 = arith.constant 0 : i32
        %dma_start3A_25 = tpu.memref_slice %arg6[%dma_start3A_23, %dma_start3A_24] : memref<640x128xf32, #tpu.memory_space<vmem_shared>> -> memref<640x128xf32, #tpu.memory_space<vmem_shared>>
        tpu.enqueue_indirect_dma source(%dma_start3A_19 : memref<128x128xf32, #tpu.memory_space<vmem>>) target(%dma_start3A_25 : memref<640x128xf32, #tpu.memory_space<vmem_shared>>) offsets(%dma_start3A_22 : memref<128xi32, #tpu.memory_space<vmem>>) semaphore(%run_scoped3A : memref<!tpu.dma_semaphore, #tpu.memory_space<semaphore_mem>>) {add = true}
        %dma_wait3A = arith.constant 0 : i32
        %dma_wait3A_26 = tpu.memref_slice %arg7[%mul3A_18, %dma_wait3A] : memref<640x128xf32, #tpu.memory_space<vmem>> -> memref<128x128xf32, #tpu.memory_space<vmem>>
        %dma_wait3A_27 = arith.constant 0 : i32
        %dma_wait3A_28 = tpu.memref_slice %arg9[%scan3A_16, %dma_wait3A_27] : memref<5x128xi32, #tpu.memory_space<vmem>> -> memref<1x128xi32, #tpu.memory_space<vmem>>
        %dma_wait3A_29 = tpu.memref_squeeze %dma_wait3A_28 : memref<1x128xi32, #tpu.memory_space<vmem>> -> memref<128xi32, #tpu.memory_space<vmem>>
        %dma_wait3A_30 = arith.constant 0 : i32
        %dma_wait3A_31 = arith.constant 0 : i32
        %dma_wait3A_32 = tpu.memref_slice %arg6[%dma_wait3A_30, %dma_wait3A_31] : memref<640x128xf32, #tpu.memory_space<vmem_shared>> -> memref<640x128xf32, #tpu.memory_space<vmem_shared>>
        tpu.wait_indirect_dma semaphore(%run_scoped3A : memref<!tpu.dma_semaphore, #tpu.memory_space<semaphore_mem>>) src(%dma_wait3A_26 : memref<128x128xf32, #tpu.memory_space<vmem>>) dst(%dma_wait3A_32 : memref<640x128xf32, #tpu.memory_space<vmem_shared>>)
        tpu.yield
      }) : () -> ()
    }
    %scan3A_14 = arith.constant 5 : i32
    %barrier3A_15 = arith.constant 0 : index
    tpu.barrier barrier_id(%barrier3A_15)
    "tpu.region"() ({
      %run_scoped3A = tpu.sem_alloc : memref<!tpu.dma_semaphore, #tpu.memory_space<semaphore_mem>>
      %dma_start3A = arith.constant 0 : i32
      %dma_start3A_16 = tpu.memref_slice %arg5[%arg0, %mul3A_2, %dma_start3A] : memref<2x640x128xf32, #tpu.memory_space<hbm>> -> memref<1x40x128xf32, #tpu.memory_space<hbm>>
      %dma_start3A_17 = tpu.memref_squeeze %dma_start3A_16 : memref<1x40x128xf32, #tpu.memory_space<hbm>> -> memref<40x128xf32, #tpu.memory_space<hbm>>
      %dma_start3A_18 = arith.constant 0 : i32
      %dma_start3A_19 = tpu.memref_slice %arg6[%mul3A_2, %dma_start3A_18] : memref<640x128xf32, #tpu.memory_space<vmem_shared>> -> memref<40x128xf32, #tpu.memory_space<vmem_shared>>
      tpu.enqueue_dma source(%dma_start3A_19 : memref<40x128xf32, #tpu.memory_space<vmem_shared>>) target(%dma_start3A_17 : memref<40x128xf32, #tpu.memory_space<hbm>>) target_semaphore(%run_scoped3A : memref<!tpu.dma_semaphore, #tpu.memory_space<semaphore_mem>>)
      %dma_wait3A = arith.constant 0 : i32
      %dma_wait3A_20 = tpu.memref_slice %arg5[%arg0, %mul3A_2, %dma_wait3A] : memref<2x640x128xf32, #tpu.memory_space<hbm>> -> memref<1x40x128xf32, #tpu.memory_space<hbm>>
      %dma_wait3A_21 = tpu.memref_squeeze %dma_wait3A_20 : memref<1x40x128xf32, #tpu.memory_space<hbm>> -> memref<40x128xf32, #tpu.memory_space<hbm>>
      %dma_wait3A_22 = arith.constant 0 : i32
      %dma_wait3A_23 = tpu.memref_slice %arg6[%mul3A_2, %dma_wait3A_22] : memref<640x128xf32, #tpu.memory_space<vmem_shared>> -> memref<40x128xf32, #tpu.memory_space<vmem_shared>>
      tpu.wait_dma2 semaphore(%run_scoped3A : memref<!tpu.dma_semaphore, #tpu.memory_space<semaphore_mem>>) src(%dma_wait3A_23 : memref<40x128xf32, #tpu.memory_space<vmem_shared>>) dst(%dma_wait3A_21 : memref<40x128xf32, #tpu.memory_space<hbm>>)
      tpu.yield
    }) : () -> ()
    return
  }
}

#map = affine_map<(d0, d1) -> (0, 0)>
module attributes {stable_mosaic.version = 14 : i64} {
  func.func @k(%arg0: i32, %arg1: i32, %arg2: memref<10240x64xf32, #tpu.memory_space<hbm>>, %arg3: memref<16x20096xi32, #tpu.memory_space<hbm>>, %arg4: memref<640x32xf32, #tpu.memory_space<hbm>>, %arg5: memref<10240x64xf32, #tpu.memory_space<hbm>>, %arg6: memref<10240x32xf32, #tpu.memory_space<vmem_shared>>, %arg7: memref<10240x32xf32, #tpu.memory_space<vmem_shared>>, %arg8: memref<20096xi32, #tpu.memory_space<vmem>>, %arg9: memref<64xi32, #tpu.memory_space<vmem>>, %arg10: memref<64xi32, #tpu.memory_space<vmem>>, %arg11: memref<64xi32, #tpu.memory_space<vmem>>, %arg12: memref<64xi32, #tpu.memory_space<vmem>>, %arg13: memref<64x32xf32, #tpu.memory_space<vmem>>, %arg14: memref<64x32xf32, #tpu.memory_space<vmem>>, %arg15: memref<!tpu.dma_semaphore, #tpu.memory_space<semaphore_mem>>, %arg16: memref<!tpu.dma_semaphore, #tpu.memory_space<semaphore_mem>>) attributes {dimension_semantics = [#tpu.dimension_semantics<core_parallel>, #tpu.dimension_semantics<subcore_parallel>], iteration_bounds = array<i64: 2, 16>, scalar_prefetch = 0 : i64, scratch_operands = 11 : i64, tpu.core_type = #tpu.core_type<sc_vector_subcore>, window_params = [{transform_indices = #map}, {transform_indices = #map}, {transform_indices = #map}, {transform_indices = #map}]} {
    %mul3A = arith.constant 640 : i32
    %mul3A_0 = arith.muli %arg1, %mul3A : i32
    %mul3A_1 = arith.constant 32 : i32
    %mul3A_2 = arith.muli %arg0, %mul3A_1 : i32
    "tpu.region"() ({
      %run_scoped3A = tpu.sem_alloc : memref<!tpu.dma_semaphore, #tpu.memory_space<semaphore_mem>>
      %dma_start3A_75 = arith.constant 0 : i32
      %dma_start3A_76 = tpu.memref_slice %arg6[%mul3A_0, %dma_start3A_75] : memref<10240x32xf32, #tpu.memory_space<vmem_shared>> -> memref<640x32xf32, #tpu.memory_space<vmem_shared>>
      %dma_start3A_77 = tpu.memref_slice %arg2[%mul3A_0, %mul3A_2] : memref<10240x64xf32, #tpu.memory_space<hbm>> -> memref<640x32xf32, #tpu.memory_space<hbm>>
      tpu.enqueue_dma source(%dma_start3A_77 : memref<640x32xf32, #tpu.memory_space<hbm>>) target(%dma_start3A_76 : memref<640x32xf32, #tpu.memory_space<vmem_shared>>) target_semaphore(%run_scoped3A : memref<!tpu.dma_semaphore, #tpu.memory_space<semaphore_mem>>)
      %dma_wait3A = arith.constant 0 : i32
      %dma_wait3A_78 = tpu.memref_slice %arg6[%mul3A_0, %dma_wait3A] : memref<10240x32xf32, #tpu.memory_space<vmem_shared>> -> memref<640x32xf32, #tpu.memory_space<vmem_shared>>
      %dma_wait3A_79 = tpu.memref_slice %arg2[%mul3A_0, %mul3A_2] : memref<10240x64xf32, #tpu.memory_space<hbm>> -> memref<640x32xf32, #tpu.memory_space<hbm>>
      tpu.wait_dma2 semaphore(%run_scoped3A : memref<!tpu.dma_semaphore, #tpu.memory_space<semaphore_mem>>) src(%dma_wait3A_79 : memref<640x32xf32, #tpu.memory_space<hbm>>) dst(%dma_wait3A_78 : memref<640x32xf32, #tpu.memory_space<vmem_shared>>)
      tpu.yield
    }) : () -> ()
    "tpu.region"() ({
      %run_scoped3A = tpu.sem_alloc : memref<!tpu.dma_semaphore, #tpu.memory_space<semaphore_mem>>
      %dma_start3A_75 = arith.constant 0 : i32
      %dma_start3A_76 = tpu.memref_slice %arg7[%mul3A_0, %dma_start3A_75] : memref<10240x32xf32, #tpu.memory_space<vmem_shared>> -> memref<640x32xf32, #tpu.memory_space<vmem_shared>>
      tpu.enqueue_dma source(%arg4 : memref<640x32xf32, #tpu.memory_space<hbm>>) target(%dma_start3A_76 : memref<640x32xf32, #tpu.memory_space<vmem_shared>>) target_semaphore(%run_scoped3A : memref<!tpu.dma_semaphore, #tpu.memory_space<semaphore_mem>>)
      %dma_wait3A = arith.constant 0 : i32
      %dma_wait3A_77 = tpu.memref_slice %arg7[%mul3A_0, %dma_wait3A] : memref<10240x32xf32, #tpu.memory_space<vmem_shared>> -> memref<640x32xf32, #tpu.memory_space<vmem_shared>>
      tpu.wait_dma2 semaphore(%run_scoped3A : memref<!tpu.dma_semaphore, #tpu.memory_space<semaphore_mem>>) src(%arg4 : memref<640x32xf32, #tpu.memory_space<hbm>>) dst(%dma_wait3A_77 : memref<640x32xf32, #tpu.memory_space<vmem_shared>>)
      tpu.yield
    }) : () -> ()
    "tpu.region"() ({
      %run_scoped3A = tpu.sem_alloc : memref<!tpu.dma_semaphore, #tpu.memory_space<semaphore_mem>>
      %dma_start3A_75 = arith.constant 0 : i32
      %dma_start3A_76 = tpu.memref_slice %arg3[%arg1, %dma_start3A_75] : memref<16x20096xi32, #tpu.memory_space<hbm>> -> memref<1x20096xi32, #tpu.memory_space<hbm>>
      %dma_start3A_77 = tpu.memref_squeeze %dma_start3A_76 : memref<1x20096xi32, #tpu.memory_space<hbm>> -> memref<20096xi32, #tpu.memory_space<hbm>>
      %dma_start3A_78 = arith.constant 0 : i32
      %dma_start3A_79 = tpu.memref_slice %arg3[%arg1, %dma_start3A_78] : memref<16x20096xi32, #tpu.memory_space<hbm>> -> memref<1x20096xi32, #tpu.memory_space<hbm>>
      %dma_start3A_80 = tpu.memref_squeeze %dma_start3A_79 : memref<1x20096xi32, #tpu.memory_space<hbm>> -> memref<20096xi32, #tpu.memory_space<hbm>>
      tpu.enqueue_dma source(%dma_start3A_80 : memref<20096xi32, #tpu.memory_space<hbm>>) target(%arg8 : memref<20096xi32, #tpu.memory_space<vmem>>) target_semaphore(%run_scoped3A : memref<!tpu.dma_semaphore, #tpu.memory_space<semaphore_mem>>)
      %dma_wait3A = arith.constant 0 : i32
      %dma_wait3A_81 = tpu.memref_slice %arg3[%arg1, %dma_wait3A] : memref<16x20096xi32, #tpu.memory_space<hbm>> -> memref<1x20096xi32, #tpu.memory_space<hbm>>
      %dma_wait3A_82 = tpu.memref_squeeze %dma_wait3A_81 : memref<1x20096xi32, #tpu.memory_space<hbm>> -> memref<20096xi32, #tpu.memory_space<hbm>>
      %dma_wait3A_83 = arith.constant 0 : i32
      %dma_wait3A_84 = tpu.memref_slice %arg3[%arg1, %dma_wait3A_83] : memref<16x20096xi32, #tpu.memory_space<hbm>> -> memref<1x20096xi32, #tpu.memory_space<hbm>>
      %dma_wait3A_85 = tpu.memref_squeeze %dma_wait3A_84 : memref<1x20096xi32, #tpu.memory_space<hbm>> -> memref<20096xi32, #tpu.memory_space<hbm>>
      tpu.wait_dma2 semaphore(%run_scoped3A : memref<!tpu.dma_semaphore, #tpu.memory_space<semaphore_mem>>) src(%dma_wait3A_85 : memref<20096xi32, #tpu.memory_space<hbm>>) dst(%arg8 : memref<20096xi32, #tpu.memory_space<vmem>>)
      tpu.yield
    }) : () -> ()
    %barrier3A = arith.constant 0 : index
    tpu.barrier barrier_id(%barrier3A)
    %get3A = arith.constant 0 : index
    %get3A_3 = tpu.vector_load %arg8[%get3A] {strides = array<i32>} : memref<20096xi32, #tpu.memory_space<vmem>>, vector<16xi32>,
    %get3A_4 = vector.shape_cast %get3A_3 : vector<16xi32> to vector<16xi32>
    %and3A = arith.constant 16383 : i32
    %and3A_5 = vector.broadcast %and3A : i32 to vector<16xi32>
    %and3A_6 = arith.andi %get3A_4, %and3A_5 : vector<16xi32>
    %swap3A = arith.constant 0 : index
    %swap3A_7 = tpu.vector_load %arg9[%swap3A] {strides = array<i32>} : memref<64xi32, #tpu.memory_space<vmem>>, vector<16xi32>,
    %swap3A_8 = vector.shape_cast %swap3A_7 : vector<16xi32> to vector<16xi32>
    %swap3A_9 = vector.shape_cast %and3A_6 : vector<16xi32> to vector<16xi32>
    tpu.vector_store %arg9[%swap3A], %swap3A_9 {strides = array<i32>} : memref<64xi32, #tpu.memory_space<vmem>>, vector<16xi32>,
    %shift_right_logical3A = arith.constant 14 : i32
    %shift_right_logical3A_10 = vector.broadcast %shift_right_logical3A : i32 to vector<16xi32>
    %shift_right_logical3A_11 = arith.shrui %get3A_4, %shift_right_logical3A_10 : vector<16xi32>
    %swap3A_12 = arith.constant 0 : index
    %swap3A_13 = tpu.vector_load %arg10[%swap3A_12] {strides = array<i32>} : memref<64xi32, #tpu.memory_space<vmem>>, vector<16xi32>,
    %swap3A_14 = vector.shape_cast %swap3A_13 : vector<16xi32> to vector<16xi32>
    %swap3A_15 = vector.shape_cast %shift_right_logical3A_11 : vector<16xi32> to vector<16xi32>
    tpu.vector_store %arg10[%swap3A_12], %swap3A_15 {strides = array<i32>} : memref<64xi32, #tpu.memory_space<vmem>>, vector<16xi32>,
    %get3A_16 = arith.constant 16 : index
    %get3A_17 = tpu.vector_load %arg8[%get3A_16] {strides = array<i32>} : memref<20096xi32, #tpu.memory_space<vmem>>, vector<16xi32>,
    %get3A_18 = vector.shape_cast %get3A_17 : vector<16xi32> to vector<16xi32>
    %and3A_19 = arith.constant 16383 : i32
    %and3A_20 = vector.broadcast %and3A_19 : i32 to vector<16xi32>
    %and3A_21 = arith.andi %get3A_18, %and3A_20 : vector<16xi32>
    %swap3A_22 = arith.constant 16 : index
    %swap3A_23 = tpu.vector_load %arg9[%swap3A_22] {strides = array<i32>} : memref<64xi32, #tpu.memory_space<vmem>>, vector<16xi32>,
    %swap3A_24 = vector.shape_cast %swap3A_23 : vector<16xi32> to vector<16xi32>
    %swap3A_25 = vector.shape_cast %and3A_21 : vector<16xi32> to vector<16xi32>
    tpu.vector_store %arg9[%swap3A_22], %swap3A_25 {strides = array<i32>} : memref<64xi32, #tpu.memory_space<vmem>>, vector<16xi32>,
    %shift_right_logical3A_26 = arith.constant 14 : i32
    %shift_right_logical3A_27 = vector.broadcast %shift_right_logical3A_26 : i32 to vector<16xi32>
    %shift_right_logical3A_28 = arith.shrui %get3A_18, %shift_right_logical3A_27 : vector<16xi32>
    %swap3A_29 = arith.constant 16 : index
    %swap3A_30 = tpu.vector_load %arg10[%swap3A_29] {strides = array<i32>} : memref<64xi32, #tpu.memory_space<vmem>>, vector<16xi32>,
    %swap3A_31 = vector.shape_cast %swap3A_30 : vector<16xi32> to vector<16xi32>
    %swap3A_32 = vector.shape_cast %shift_right_logical3A_28 : vector<16xi32> to vector<16xi32>
    tpu.vector_store %arg10[%swap3A_29], %swap3A_32 {strides = array<i32>} : memref<64xi32, #tpu.memory_space<vmem>>, vector<16xi32>,
    %get3A_33 = arith.constant 32 : index
    %get3A_34 = tpu.vector_load %arg8[%get3A_33] {strides = array<i32>} : memref<20096xi32, #tpu.memory_space<vmem>>, vector<16xi32>,
    %get3A_35 = vector.shape_cast %get3A_34 : vector<16xi32> to vector<16xi32>
    %and3A_36 = arith.constant 16383 : i32
    %and3A_37 = vector.broadcast %and3A_36 : i32 to vector<16xi32>
    %and3A_38 = arith.andi %get3A_35, %and3A_37 : vector<16xi32>
    %swap3A_39 = arith.constant 32 : index
    %swap3A_40 = tpu.vector_load %arg9[%swap3A_39] {strides = array<i32>} : memref<64xi32, #tpu.memory_space<vmem>>, vector<16xi32>,
    %swap3A_41 = vector.shape_cast %swap3A_40 : vector<16xi32> to vector<16xi32>
    %swap3A_42 = vector.shape_cast %and3A_38 : vector<16xi32> to vector<16xi32>
    tpu.vector_store %arg9[%swap3A_39], %swap3A_42 {strides = array<i32>} : memref<64xi32, #tpu.memory_space<vmem>>, vector<16xi32>,
    %shift_right_logical3A_43 = arith.constant 14 : i32
    %shift_right_logical3A_44 = vector.broadcast %shift_right_logical3A_43 : i32 to vector<16xi32>
    %shift_right_logical3A_45 = arith.shrui %get3A_35, %shift_right_logical3A_44 : vector<16xi32>
    %swap3A_46 = arith.constant 32 : index
    %swap3A_47 = tpu.vector_load %arg10[%swap3A_46] {strides = array<i32>} : memref<64xi32, #tpu.memory_space<vmem>>, vector<16xi32>,
    %swap3A_48 = vector.shape_cast %swap3A_47 : vector<16xi32> to vector<16xi32>
    %swap3A_49 = vector.shape_cast %shift_right_logical3A_45 : vector<16xi32> to vector<16xi32>
    tpu.vector_store %arg10[%swap3A_46], %swap3A_49 {strides = array<i32>} : memref<64xi32, #tpu.memory_space<vmem>>, vector<16xi32>,
    %get3A_50 = arith.constant 48 : index
    %get3A_51 = tpu.vector_load %arg8[%get3A_50] {strides = array<i32>} : memref<20096xi32, #tpu.memory_space<vmem>>, vector<16xi32>,
    %get3A_52 = vector.shape_cast %get3A_51 : vector<16xi32> to vector<16xi32>
    %and3A_53 = arith.constant 16383 : i32
    %and3A_54 = vector.broadcast %and3A_53 : i32 to vector<16xi32>
    %and3A_55 = arith.andi %get3A_52, %and3A_54 : vector<16xi32>
    %swap3A_56 = arith.constant 48 : index
    %swap3A_57 = tpu.vector_load %arg9[%swap3A_56] {strides = array<i32>} : memref<64xi32, #tpu.memory_space<vmem>>, vector<16xi32>,
    %swap3A_58 = vector.shape_cast %swap3A_57 : vector<16xi32> to vector<16xi32>
    %swap3A_59 = vector.shape_cast %and3A_55 : vector<16xi32> to vector<16xi32>
    tpu.vector_store %arg9[%swap3A_56], %swap3A_59 {strides = array<i32>} : memref<64xi32, #tpu.memory_space<vmem>>, vector<16xi32>,
    %shift_right_logical3A_60 = arith.constant 14 : i32
    %shift_right_logical3A_61 = vector.broadcast %shift_right_logical3A_60 : i32 to vector<16xi32>
    %shift_right_logical3A_62 = arith.shrui %get3A_52, %shift_right_logical3A_61 : vector<16xi32>
    %swap3A_63 = arith.constant 48 : index
    %swap3A_64 = tpu.vector_load %arg10[%swap3A_63] {strides = array<i32>} : memref<64xi32, #tpu.memory_space<vmem>>, vector<16xi32>,
    %swap3A_65 = vector.shape_cast %swap3A_64 : vector<16xi32> to vector<16xi32>
    %swap3A_66 = vector.shape_cast %shift_right_logical3A_62 : vector<16xi32> to vector<16xi32>
    tpu.vector_store %arg10[%swap3A_63], %swap3A_66 {strides = array<i32>} : memref<64xi32, #tpu.memory_space<vmem>>, vector<16xi32>,
    %dma_start3A = arith.constant 0 : i32
    %dma_start3A_67 = arith.constant 0 : i32
    %dma_start3A_68 = tpu.memref_slice %arg6[%dma_start3A, %dma_start3A_67] : memref<10240x32xf32, #tpu.memory_space<vmem_shared>> -> memref<10240x32xf32, #tpu.memory_space<vmem_shared>>
    tpu.enqueue_indirect_dma source(%dma_start3A_68 : memref<10240x32xf32, #tpu.memory_space<vmem_shared>>) target(%arg13 : memref<64x32xf32, #tpu.memory_space<vmem>>) offsets(%arg9 : memref<64xi32, #tpu.memory_space<vmem>>) semaphore(%arg15 : memref<!tpu.dma_semaphore, #tpu.memory_space<semaphore_mem>>)
    %scan3A = arith.constant 0 : i32
    %scan3A_69 = arith.constant 0 : i32
    %scan3A_70 = arith.constant 157 : i32
    %scan3A_71 = arith.addi %scan3A_69, %scan3A_70 : i32
    %scan3A_72 = arith.constant 1 : i32
    scf.for %scan3A_75 = %scan3A_69 to %scan3A_71 step %scan3A_72  : i32 {
      %mul3A_76 = arith.constant 2 : i32
      %mul3A_77 = arith.muli %mul3A_76, %scan3A_75 : i32
      %add3A = arith.constant 1 : i32
      %add3A_78 = arith.addi %mul3A_77, %add3A : i32
      %mul3A_79 = arith.constant 64 : i32
      %mul3A_80 = arith.muli %add3A_78, %mul3A_79 : i32
      %add3A_81 = arith.constant 0 : i32
      %add3A_82 = arith.addi %mul3A_80, %add3A_81 : i32
      %get3A_83 = arith.index_cast %add3A_82 : i32 to index
      %get3A_84 = tpu.vector_load %arg8[%get3A_83] {strides = array<i32>} : memref<20096xi32, #tpu.memory_space<vmem>>, vector<16xi32>,
      %get3A_85 = vector.shape_cast %get3A_84 : vector<16xi32> to vector<16xi32>
      %and3A_86 = arith.constant 16383 : i32
      %and3A_87 = vector.broadcast %and3A_86 : i32 to vector<16xi32>
      %and3A_88 = arith.andi %get3A_85, %and3A_87 : vector<16xi32>
      %swap3A_89 = arith.constant 0 : index
      %swap3A_90 = tpu.vector_load %arg11[%swap3A_89] {strides = array<i32>} : memref<64xi32, #tpu.memory_space<vmem>>, vector<16xi32>,
      %swap3A_91 = vector.shape_cast %swap3A_90 : vector<16xi32> to vector<16xi32>
      %swap3A_92 = vector.shape_cast %and3A_88 : vector<16xi32> to vector<16xi32>
      tpu.vector_store %arg11[%swap3A_89], %swap3A_92 {strides = array<i32>} : memref<64xi32, #tpu.memory_space<vmem>>, vector<16xi32>,
      %shift_right_logical3A_93 = arith.constant 14 : i32
      %shift_right_logical3A_94 = vector.broadcast %shift_right_logical3A_93 : i32 to vector<16xi32>
      %shift_right_logical3A_95 = arith.shrui %get3A_85, %shift_right_logical3A_94 : vector<16xi32>
      %swap3A_96 = arith.constant 0 : index
      %swap3A_97 = tpu.vector_load %arg12[%swap3A_96] {strides = array<i32>} : memref<64xi32, #tpu.memory_space<vmem>>, vector<16xi32>,
      %swap3A_98 = vector.shape_cast %swap3A_97 : vector<16xi32> to vector<16xi32>
      %swap3A_99 = vector.shape_cast %shift_right_logical3A_95 : vector<16xi32> to vector<16xi32>
      tpu.vector_store %arg12[%swap3A_96], %swap3A_99 {strides = array<i32>} : memref<64xi32, #tpu.memory_space<vmem>>, vector<16xi32>,
      %mul3A_100 = arith.constant 64 : i32
      %mul3A_101 = arith.muli %add3A_78, %mul3A_100 : i32
      %add3A_102 = arith.constant 16 : i32
      %add3A_103 = arith.addi %mul3A_101, %add3A_102 : i32
      %get3A_104 = arith.index_cast %add3A_103 : i32 to index
      %get3A_105 = tpu.vector_load %arg8[%get3A_104] {strides = array<i32>} : memref<20096xi32, #tpu.memory_space<vmem>>, vector<16xi32>,
      %get3A_106 = vector.shape_cast %get3A_105 : vector<16xi32> to vector<16xi32>
      %and3A_107 = arith.constant 16383 : i32
      %and3A_108 = vector.broadcast %and3A_107 : i32 to vector<16xi32>
      %and3A_109 = arith.andi %get3A_106, %and3A_108 : vector<16xi32>
      %swap3A_110 = arith.constant 16 : index
      %swap3A_111 = tpu.vector_load %arg11[%swap3A_110] {strides = array<i32>} : memref<64xi32, #tpu.memory_space<vmem>>, vector<16xi32>,
      %swap3A_112 = vector.shape_cast %swap3A_111 : vector<16xi32> to vector<16xi32>
      %swap3A_113 = vector.shape_cast %and3A_109 : vector<16xi32> to vector<16xi32>
      tpu.vector_store %arg11[%swap3A_110], %swap3A_113 {strides = array<i32>} : memref<64xi32, #tpu.memory_space<vmem>>, vector<16xi32>,
      %shift_right_logical3A_114 = arith.constant 14 : i32
      %shift_right_logical3A_115 = vector.broadcast %shift_right_logical3A_114 : i32 to vector<16xi32>
      %shift_right_logical3A_116 = arith.shrui %get3A_106, %shift_right_logical3A_115 : vector<16xi32>
      %swap3A_117 = arith.constant 16 : index
      %swap3A_118 = tpu.vector_load %arg12[%swap3A_117] {strides = array<i32>} : memref<64xi32, #tpu.memory_space<vmem>>, vector<16xi32>,
      %swap3A_119 = vector.shape_cast %swap3A_118 : vector<16xi32> to vector<16xi32>
      %swap3A_120 = vector.shape_cast %shift_right_logical3A_116 : vector<16xi32> to vector<16xi32>
      tpu.vector_store %arg12[%swap3A_117], %swap3A_120 {strides = array<i32>} : memref<64xi32, #tpu.memory_space<vmem>>, vector<16xi32>,
      %mul3A_121 = arith.constant 64 : i32
      %mul3A_122 = arith.muli %add3A_78, %mul3A_121 : i32
      %add3A_123 = arith.constant 32 : i32
      %add3A_124 = arith.addi %mul3A_122, %add3A_123 : i32
      %get3A_125 = arith.index_cast %add3A_124 : i32 to index
      %get3A_126 = tpu.vector_load %arg8[%get3A_125] {strides = array<i32>} : memref<20096xi32, #tpu.memory_space<vmem>>, vector<16xi32>,
      %get3A_127 = vector.shape_cast %get3A_126 : vector<16xi32> to vector<16xi32>
      %and3A_128 = arith.constant 16383 : i32
      %and3A_129 = vector.broadcast %and3A_128 : i32 to vector<16xi32>
      %and3A_130 = arith.andi %get3A_127, %and3A_129 : vector<16xi32>
      %swap3A_131 = arith.constant 32 : index
      %swap3A_132 = tpu.vector_load %arg11[%swap3A_131] {strides = array<i32>} : memref<64xi32, #tpu.memory_space<vmem>>, vector<16xi32>,
      %swap3A_133 = vector.shape_cast %swap3A_132 : vector<16xi32> to vector<16xi32>
      %swap3A_134 = vector.shape_cast %and3A_130 : vector<16xi32> to vector<16xi32>
      tpu.vector_store %arg11[%swap3A_131], %swap3A_134 {strides = array<i32>} : memref<64xi32, #tpu.memory_space<vmem>>, vector<16xi32>,
      %shift_right_logical3A_135 = arith.constant 14 : i32
      %shift_right_logical3A_136 = vector.broadcast %shift_right_logical3A_135 : i32 to vector<16xi32>
      %shift_right_logical3A_137 = arith.shrui %get3A_127, %shift_right_logical3A_136 : vector<16xi32>
      %swap3A_138 = arith.constant 32 : index
      %swap3A_139 = tpu.vector_load %arg12[%swap3A_138] {strides = array<i32>} : memref<64xi32, #tpu.memory_space<vmem>>, vector<16xi32>,
      %swap3A_140 = vector.shape_cast %swap3A_139 : vector<16xi32> to vector<16xi32>
      %swap3A_141 = vector.shape_cast %shift_right_logical3A_137 : vector<16xi32> to vector<16xi32>
      tpu.vector_store %arg12[%swap3A_138], %swap3A_141 {strides = array<i32>} : memref<64xi32, #tpu.memory_space<vmem>>, vector<16xi32>,
      %mul3A_142 = arith.constant 64 : i32
      %mul3A_143 = arith.muli %add3A_78, %mul3A_142 : i32
      %add3A_144 = arith.constant 48 : i32
      %add3A_145 = arith.addi %mul3A_143, %add3A_144 : i32
      %get3A_146 = arith.index_cast %add3A_145 : i32 to index
      %get3A_147 = tpu.vector_load %arg8[%get3A_146] {strides = array<i32>} : memref<20096xi32, #tpu.memory_space<vmem>>, vector<16xi32>,
      %get3A_148 = vector.shape_cast %get3A_147 : vector<16xi32> to vector<16xi32>
      %and3A_149 = arith.constant 16383 : i32
      %and3A_150 = vector.broadcast %and3A_149 : i32 to vector<16xi32>
      %and3A_151 = arith.andi %get3A_148, %and3A_150 : vector<16xi32>
      %swap3A_152 = arith.constant 48 : index
      %swap3A_153 = tpu.vector_load %arg11[%swap3A_152] {strides = array<i32>} : memref<64xi32, #tpu.memory_space<vmem>>, vector<16xi32>,
      %swap3A_154 = vector.shape_cast %swap3A_153 : vector<16xi32> to vector<16xi32>
      %swap3A_155 = vector.shape_cast %and3A_151 : vector<16xi32> to vector<16xi32>
      tpu.vector_store %arg11[%swap3A_152], %swap3A_155 {strides = array<i32>} : memref<64xi32, #tpu.memory_space<vmem>>, vector<16xi32>,
      %shift_right_logical3A_156 = arith.constant 14 : i32
      %shift_right_logical3A_157 = vector.broadcast %shift_right_logical3A_156 : i32 to vector<16xi32>
      %shift_right_logical3A_158 = arith.shrui %get3A_148, %shift_right_logical3A_157 : vector<16xi32>
      %swap3A_159 = arith.constant 48 : index
      %swap3A_160 = tpu.vector_load %arg12[%swap3A_159] {strides = array<i32>} : memref<64xi32, #tpu.memory_space<vmem>>, vector<16xi32>,
      %swap3A_161 = vector.shape_cast %swap3A_160 : vector<16xi32> to vector<16xi32>
      %swap3A_162 = vector.shape_cast %shift_right_logical3A_158 : vector<16xi32> to vector<16xi32>
      tpu.vector_store %arg12[%swap3A_159], %swap3A_162 {strides = array<i32>} : memref<64xi32, #tpu.memory_space<vmem>>, vector<16xi32>,
      %dma_start3A_163 = arith.constant 0 : i32
      %dma_start3A_164 = arith.constant 0 : i32
      %dma_start3A_165 = tpu.memref_slice %arg6[%dma_start3A_163, %dma_start3A_164] : memref<10240x32xf32, #tpu.memory_space<vmem_shared>> -> memref<10240x32xf32, #tpu.memory_space<vmem_shared>>
      tpu.enqueue_indirect_dma source(%dma_start3A_165 : memref<10240x32xf32, #tpu.memory_space<vmem_shared>>) target(%arg14 : memref<64x32xf32, #tpu.memory_space<vmem>>) offsets(%arg11 : memref<64xi32, #tpu.memory_space<vmem>>) semaphore(%arg16 : memref<!tpu.dma_semaphore, #tpu.memory_space<semaphore_mem>>)
      %dma_wait3A = arith.constant 0 : i32
      %dma_wait3A_166 = arith.constant 0 : i32
      %dma_wait3A_167 = tpu.memref_slice %arg6[%dma_wait3A, %dma_wait3A_166] : memref<10240x32xf32, #tpu.memory_space<vmem_shared>> -> memref<10240x32xf32, #tpu.memory_space<vmem_shared>>
      tpu.wait_indirect_dma semaphore(%arg15 : memref<!tpu.dma_semaphore, #tpu.memory_space<semaphore_mem>>) src(%dma_wait3A_167 : memref<10240x32xf32, #tpu.memory_space<vmem_shared>>) dst(%arg13 : memref<64x32xf32, #tpu.memory_space<vmem>>)
      "tpu.region"() ({
        %run_scoped3A = tpu.sem_alloc : memref<!tpu.dma_semaphore, #tpu.memory_space<semaphore_mem>>
        %dma_start3A_175 = arith.constant 0 : i32
        %dma_start3A_176 = arith.constant 0 : i32
        %dma_start3A_177 = tpu.memref_slice %arg7[%dma_start3A_175, %dma_start3A_176] : memref<10240x32xf32, #tpu.memory_space<vmem_shared>> -> memref<10240x32xf32, #tpu.memory_space<vmem_shared>>
        tpu.enqueue_indirect_dma source(%arg13 : memref<64x32xf32, #tpu.memory_space<vmem>>) target(%dma_start3A_177 : memref<10240x32xf32, #tpu.memory_space<vmem_shared>>) offsets(%arg10 : memref<64xi32, #tpu.memory_space<vmem>>) semaphore(%run_scoped3A : memref<!tpu.dma_semaphore, #tpu.memory_space<semaphore_mem>>) {add = true}
        %dma_wait3A_178 = arith.constant 0 : i32
        %dma_wait3A_179 = arith.constant 0 : i32
        %dma_wait3A_180 = tpu.memref_slice %arg7[%dma_wait3A_178, %dma_wait3A_179] : memref<10240x32xf32, #tpu.memory_space<vmem_shared>> -> memref<10240x32xf32, #tpu.memory_space<vmem_shared>>
        tpu.wait_indirect_dma semaphore(%run_scoped3A : memref<!tpu.dma_semaphore, #tpu.memory_space<semaphore_mem>>) src(%arg13 : memref<64x32xf32, #tpu.memory_space<vmem>>) dst(%dma_wait3A_180 : memref<10240x32xf32, #tpu.memory_space<vmem_shared>>)
        tpu.yield
      }) : () -> ()
      %add3A_168 = arith.constant 1 : i32
      %add3A_169 = arith.addi %scan3A_75, %add3A_168 : i32
      %lt3A = arith.constant 157 : i32
      %lt3A_170 = arith.cmpi slt, %add3A_169, %lt3A : i32
      %convert_element_type3A = arith.extui %lt3A_170 : i1 to i32
      %cond3A = arith.constant 0 : i32
      %cond3A_171 = arith.cmpi ne, %convert_element_type3A, %cond3A : i32
      scf.if %cond3A_171 {
        %add3A_175 = arith.constant 2 : i32
        %add3A_176 = arith.addi %mul3A_77, %add3A_175 : i32
        %mul3A_177 = arith.constant 64 : i32
        %mul3A_178 = arith.muli %add3A_176, %mul3A_177 : i32
        %add3A_179 = arith.constant 0 : i32
        %add3A_180 = arith.addi %mul3A_178, %add3A_179 : i32
        %get3A_181 = arith.index_cast %add3A_180 : i32 to index
        %get3A_182 = tpu.vector_load %arg8[%get3A_181] {strides = array<i32>} : memref<20096xi32, #tpu.memory_space<vmem>>, vector<16xi32>,
        %get3A_183 = vector.shape_cast %get3A_182 : vector<16xi32> to vector<16xi32>
        %and3A_184 = arith.constant 16383 : i32
        %and3A_185 = vector.broadcast %and3A_184 : i32 to vector<16xi32>
        %and3A_186 = arith.andi %get3A_183, %and3A_185 : vector<16xi32>
        %swap3A_187 = arith.constant 0 : index
        %swap3A_188 = tpu.vector_load %arg9[%swap3A_187] {strides = array<i32>} : memref<64xi32, #tpu.memory_space<vmem>>, vector<16xi32>,
        %swap3A_189 = vector.shape_cast %swap3A_188 : vector<16xi32> to vector<16xi32>
        %swap3A_190 = vector.shape_cast %and3A_186 : vector<16xi32> to vector<16xi32>
        tpu.vector_store %arg9[%swap3A_187], %swap3A_190 {strides = array<i32>} : memref<64xi32, #tpu.memory_space<vmem>>, vector<16xi32>,
        %shift_right_logical3A_191 = arith.constant 14 : i32
        %shift_right_logical3A_192 = vector.broadcast %shift_right_logical3A_191 : i32 to vector<16xi32>
        %shift_right_logical3A_193 = arith.shrui %get3A_183, %shift_right_logical3A_192 : vector<16xi32>
        %swap3A_194 = arith.constant 0 : index
        %swap3A_195 = tpu.vector_load %arg10[%swap3A_194] {strides = array<i32>} : memref<64xi32, #tpu.memory_space<vmem>>, vector<16xi32>,
        %swap3A_196 = vector.shape_cast %swap3A_195 : vector<16xi32> to vector<16xi32>
        %swap3A_197 = vector.shape_cast %shift_right_logical3A_193 : vector<16xi32> to vector<16xi32>
        tpu.vector_store %arg10[%swap3A_194], %swap3A_197 {strides = array<i32>} : memref<64xi32, #tpu.memory_space<vmem>>, vector<16xi32>,
        %mul3A_198 = arith.constant 64 : i32
        %mul3A_199 = arith.muli %add3A_176, %mul3A_198 : i32
        %add3A_200 = arith.constant 16 : i32
        %add3A_201 = arith.addi %mul3A_199, %add3A_200 : i32
        %get3A_202 = arith.index_cast %add3A_201 : i32 to index
        %get3A_203 = tpu.vector_load %arg8[%get3A_202] {strides = array<i32>} : memref<20096xi32, #tpu.memory_space<vmem>>, vector<16xi32>,
        %get3A_204 = vector.shape_cast %get3A_203 : vector<16xi32> to vector<16xi32>
        %and3A_205 = arith.constant 16383 : i32
        %and3A_206 = vector.broadcast %and3A_205 : i32 to vector<16xi32>
        %and3A_207 = arith.andi %get3A_204, %and3A_206 : vector<16xi32>
        %swap3A_208 = arith.constant 16 : index
        %swap3A_209 = tpu.vector_load %arg9[%swap3A_208] {strides = array<i32>} : memref<64xi32, #tpu.memory_space<vmem>>, vector<16xi32>,
        %swap3A_210 = vector.shape_cast %swap3A_209 : vector<16xi32> to vector<16xi32>
        %swap3A_211 = vector.shape_cast %and3A_207 : vector<16xi32> to vector<16xi32>
        tpu.vector_store %arg9[%swap3A_208], %swap3A_211 {strides = array<i32>} : memref<64xi32, #tpu.memory_space<vmem>>, vector<16xi32>,
        %shift_right_logical3A_212 = arith.constant 14 : i32
        %shift_right_logical3A_213 = vector.broadcast %shift_right_logical3A_212 : i32 to vector<16xi32>
        %shift_right_logical3A_214 = arith.shrui %get3A_204, %shift_right_logical3A_213 : vector<16xi32>
        %swap3A_215 = arith.constant 16 : index
        %swap3A_216 = tpu.vector_load %arg10[%swap3A_215] {strides = array<i32>} : memref<64xi32, #tpu.memory_space<vmem>>, vector<16xi32>,
        %swap3A_217 = vector.shape_cast %swap3A_216 : vector<16xi32> to vector<16xi32>
        %swap3A_218 = vector.shape_cast %shift_right_logical3A_214 : vector<16xi32> to vector<16xi32>
        tpu.vector_store %arg10[%swap3A_215], %swap3A_218 {strides = array<i32>} : memref<64xi32, #tpu.memory_space<vmem>>, vector<16xi32>,
        %mul3A_219 = arith.constant 64 : i32
        %mul3A_220 = arith.muli %add3A_176, %mul3A_219 : i32
        %add3A_221 = arith.constant 32 : i32
        %add3A_222 = arith.addi %mul3A_220, %add3A_221 : i32
        %get3A_223 = arith.index_cast %add3A_222 : i32 to index
        %get3A_224 = tpu.vector_load %arg8[%get3A_223] {strides = array<i32>} : memref<20096xi32, #tpu.memory_space<vmem>>, vector<16xi32>,
        %get3A_225 = vector.shape_cast %get3A_224 : vector<16xi32> to vector<16xi32>
        %and3A_226 = arith.constant 16383 : i32
        %and3A_227 = vector.broadcast %and3A_226 : i32 to vector<16xi32>
        %and3A_228 = arith.andi %get3A_225, %and3A_227 : vector<16xi32>
        %swap3A_229 = arith.constant 32 : index
        %swap3A_230 = tpu.vector_load %arg9[%swap3A_229] {strides = array<i32>} : memref<64xi32, #tpu.memory_space<vmem>>, vector<16xi32>,
        %swap3A_231 = vector.shape_cast %swap3A_230 : vector<16xi32> to vector<16xi32>
        %swap3A_232 = vector.shape_cast %and3A_228 : vector<16xi32> to vector<16xi32>
        tpu.vector_store %arg9[%swap3A_229], %swap3A_232 {strides = array<i32>} : memref<64xi32, #tpu.memory_space<vmem>>, vector<16xi32>,
        %shift_right_logical3A_233 = arith.constant 14 : i32
        %shift_right_logical3A_234 = vector.broadcast %shift_right_logical3A_233 : i32 to vector<16xi32>
        %shift_right_logical3A_235 = arith.shrui %get3A_225, %shift_right_logical3A_234 : vector<16xi32>
        %swap3A_236 = arith.constant 32 : index
        %swap3A_237 = tpu.vector_load %arg10[%swap3A_236] {strides = array<i32>} : memref<64xi32, #tpu.memory_space<vmem>>, vector<16xi32>,
        %swap3A_238 = vector.shape_cast %swap3A_237 : vector<16xi32> to vector<16xi32>
        %swap3A_239 = vector.shape_cast %shift_right_logical3A_235 : vector<16xi32> to vector<16xi32>
        tpu.vector_store %arg10[%swap3A_236], %swap3A_239 {strides = array<i32>} : memref<64xi32, #tpu.memory_space<vmem>>, vector<16xi32>,
        %mul3A_240 = arith.constant 64 : i32
        %mul3A_241 = arith.muli %add3A_176, %mul3A_240 : i32
        %add3A_242 = arith.constant 48 : i32
        %add3A_243 = arith.addi %mul3A_241, %add3A_242 : i32
        %get3A_244 = arith.index_cast %add3A_243 : i32 to index
        %get3A_245 = tpu.vector_load %arg8[%get3A_244] {strides = array<i32>} : memref<20096xi32, #tpu.memory_space<vmem>>, vector<16xi32>,
        %get3A_246 = vector.shape_cast %get3A_245 : vector<16xi32> to vector<16xi32>
        %and3A_247 = arith.constant 16383 : i32
        %and3A_248 = vector.broadcast %and3A_247 : i32 to vector<16xi32>
        %and3A_249 = arith.andi %get3A_246, %and3A_248 : vector<16xi32>
        %swap3A_250 = arith.constant 48 : index
        %swap3A_251 = tpu.vector_load %arg9[%swap3A_250] {strides = array<i32>} : memref<64xi32, #tpu.memory_space<vmem>>, vector<16xi32>,
        %swap3A_252 = vector.shape_cast %swap3A_251 : vector<16xi32> to vector<16xi32>
        %swap3A_253 = vector.shape_cast %and3A_249 : vector<16xi32> to vector<16xi32>
        tpu.vector_store %arg9[%swap3A_250], %swap3A_253 {strides = array<i32>} : memref<64xi32, #tpu.memory_space<vmem>>, vector<16xi32>,
        %shift_right_logical3A_254 = arith.constant 14 : i32
        %shift_right_logical3A_255 = vector.broadcast %shift_right_logical3A_254 : i32 to vector<16xi32>
        %shift_right_logical3A_256 = arith.shrui %get3A_246, %shift_right_logical3A_255 : vector<16xi32>
        %swap3A_257 = arith.constant 48 : index
        %swap3A_258 = tpu.vector_load %arg10[%swap3A_257] {strides = array<i32>} : memref<64xi32, #tpu.memory_space<vmem>>, vector<16xi32>,
        %swap3A_259 = vector.shape_cast %swap3A_258 : vector<16xi32> to vector<16xi32>
        %swap3A_260 = vector.shape_cast %shift_right_logical3A_256 : vector<16xi32> to vector<16xi32>
        tpu.vector_store %arg10[%swap3A_257], %swap3A_260 {strides = array<i32>} : memref<64xi32, #tpu.memory_space<vmem>>, vector<16xi32>,
        %dma_start3A_261 = arith.constant 0 : i32
        %dma_start3A_262 = arith.constant 0 : i32
        %dma_start3A_263 = tpu.memref_slice %arg6[%dma_start3A_261, %dma_start3A_262] : memref<10240x32xf32, #tpu.memory_space<vmem_shared>> -> memref<10240x32xf32, #tpu.memory_space<vmem_shared>>
        tpu.enqueue_indirect_dma source(%dma_start3A_263 : memref<10240x32xf32, #tpu.memory_space<vmem_shared>>) target(%arg13 : memref<64x32xf32, #tpu.memory_space<vmem>>) offsets(%arg9 : memref<64xi32, #tpu.memory_space<vmem>>) semaphore(%arg15 : memref<!tpu.dma_semaphore, #tpu.memory_space<semaphore_mem>>)
      } else {
      }
      %dma_wait3A_172 = arith.constant 0 : i32
      %dma_wait3A_173 = arith.constant 0 : i32
      %dma_wait3A_174 = tpu.memref_slice %arg6[%dma_wait3A_172, %dma_wait3A_173] : memref<10240x32xf32, #tpu.memory_space<vmem_shared>> -> memref<10240x32xf32, #tpu.memory_space<vmem_shared>>
      tpu.wait_indirect_dma semaphore(%arg16 : memref<!tpu.dma_semaphore, #tpu.memory_space<semaphore_mem>>) src(%dma_wait3A_174 : memref<10240x32xf32, #tpu.memory_space<vmem_shared>>) dst(%arg14 : memref<64x32xf32, #tpu.memory_space<vmem>>)
      "tpu.region"() ({
        %run_scoped3A = tpu.sem_alloc : memref<!tpu.dma_semaphore, #tpu.memory_space<semaphore_mem>>
        %dma_start3A_175 = arith.constant 0 : i32
        %dma_start3A_176 = arith.constant 0 : i32
        %dma_start3A_177 = tpu.memref_slice %arg7[%dma_start3A_175, %dma_start3A_176] : memref<10240x32xf32, #tpu.memory_space<vmem_shared>> -> memref<10240x32xf32, #tpu.memory_space<vmem_shared>>
        tpu.enqueue_indirect_dma source(%arg14 : memref<64x32xf32, #tpu.memory_space<vmem>>) target(%dma_start3A_177 : memref<10240x32xf32, #tpu.memory_space<vmem_shared>>) offsets(%arg12 : memref<64xi32, #tpu.memory_space<vmem>>) semaphore(%run_scoped3A : memref<!tpu.dma_semaphore, #tpu.memory_space<semaphore_mem>>) {add = true}
        %dma_wait3A_178 = arith.constant 0 : i32
        %dma_wait3A_179 = arith.constant 0 : i32
        %dma_wait3A_180 = tpu.memref_slice %arg7[%dma_wait3A_178, %dma_wait3A_179] : memref<10240x32xf32, #tpu.memory_space<vmem_shared>> -> memref<10240x32xf32, #tpu.memory_space<vmem_shared>>
        tpu.wait_indirect_dma semaphore(%run_scoped3A : memref<!tpu.dma_semaphore, #tpu.memory_space<semaphore_mem>>) src(%arg14 : memref<64x32xf32, #tpu.memory_space<vmem>>) dst(%dma_wait3A_180 : memref<10240x32xf32, #tpu.memory_space<vmem_shared>>)
        tpu.yield
      }) : () -> ()
    }
    %scan3A_73 = arith.constant 157 : i32
    %barrier3A_74 = arith.constant 0 : index
    tpu.barrier barrier_id(%barrier3A_74)
    "tpu.region"() ({
      %run_scoped3A = tpu.sem_alloc : memref<!tpu.dma_semaphore, #tpu.memory_space<semaphore_mem>>
      %dma_start3A_75 = tpu.memref_slice %arg5[%mul3A_0, %mul3A_2] : memref<10240x64xf32, #tpu.memory_space<hbm>> -> memref<640x32xf32, #tpu.memory_space<hbm>>
      %dma_start3A_76 = arith.constant 0 : i32
      %dma_start3A_77 = tpu.memref_slice %arg7[%mul3A_0, %dma_start3A_76] : memref<10240x32xf32, #tpu.memory_space<vmem_shared>> -> memref<640x32xf32, #tpu.memory_space<vmem_shared>>
      tpu.enqueue_dma source(%dma_start3A_77 : memref<640x32xf32, #tpu.memory_space<vmem_shared>>) target(%dma_start3A_75 : memref<640x32xf32, #tpu.memory_space<hbm>>) target_semaphore(%run_scoped3A : memref<!tpu.dma_semaphore, #tpu.memory_space<semaphore_mem>>)
      %dma_wait3A = tpu.memref_slice %arg5[%mul3A_0, %mul3A_2] : memref<10240x64xf32, #tpu.memory_space<hbm>> -> memref<640x32xf32, #tpu.memory_space<hbm>>
      %dma_wait3A_78 = arith.constant 0 : i32
      %dma_wait3A_79 = tpu.memref_slice %arg7[%mul3A_0, %dma_wait3A_78] : memref<10240x32xf32, #tpu.memory_space<vmem_shared>> -> memref<640x32xf32, #tpu.memory_space<vmem_shared>>
      tpu.wait_dma2 semaphore(%run_scoped3A : memref<!tpu.dma_semaphore, #tpu.memory_space<semaphore_mem>>) src(%dma_wait3A_79 : memref<640x32xf32, #tpu.memory_space<vmem_shared>>) dst(%dma_wait3A : memref<640x32xf32, #tpu.memory_space<hbm>>)
      tpu.yield
    }) : () -> ()
    return
  }
}

#map = affine_map<(d0, d1) -> (0, 0)>
module attributes {stable_mosaic.version = 14 : i64} {
  func.func @k(%arg0: i32, %arg1: i32, %arg2: memref<10240x128xf32, #tpu.memory_space<hbm>>, %arg3: memref<16x20096xi32, #tpu.memory_space<hbm>>, %arg4: memref<640x64xf32, #tpu.memory_space<hbm>>, %arg5: memref<10240x128xf32, #tpu.memory_space<hbm>>, %arg6: memref<10240x64xf32, #tpu.memory_space<vmem_shared>>, %arg7: memref<10240x64xf32, #tpu.memory_space<vmem_shared>>, %arg8: memref<20096xi32, #tpu.memory_space<vmem>>, %arg9: memref<64xi32, #tpu.memory_space<vmem>>, %arg10: memref<64xi32, #tpu.memory_space<vmem>>, %arg11: memref<64xi32, #tpu.memory_space<vmem>>, %arg12: memref<64xi32, #tpu.memory_space<vmem>>, %arg13: memref<64x64xf32, #tpu.memory_space<vmem>>, %arg14: memref<64x64xf32, #tpu.memory_space<vmem>>, %arg15: memref<!tpu.dma_semaphore, #tpu.memory_space<semaphore_mem>>, %arg16: memref<!tpu.dma_semaphore, #tpu.memory_space<semaphore_mem>>) attributes {dimension_semantics = [#tpu.dimension_semantics<core_parallel>, #tpu.dimension_semantics<subcore_parallel>], iteration_bounds = array<i64: 2, 16>, scalar_prefetch = 0 : i64, scratch_operands = 11 : i64, tpu.core_type = #tpu.core_type<sc_vector_subcore>, window_params = [{transform_indices = #map}, {transform_indices = #map}, {transform_indices = #map}, {transform_indices = #map}]} {
    %mul3A = arith.constant 640 : i32
    %mul3A_0 = arith.muli %arg1, %mul3A : i32
    %mul3A_1 = arith.constant 64 : i32
    %mul3A_2 = arith.muli %arg0, %mul3A_1 : i32
    "tpu.region"() ({
      %run_scoped3A = tpu.sem_alloc : memref<!tpu.dma_semaphore, #tpu.memory_space<semaphore_mem>>
      %dma_start3A_75 = arith.constant 0 : i32
      %dma_start3A_76 = tpu.memref_slice %arg6[%mul3A_0, %dma_start3A_75] : memref<10240x64xf32, #tpu.memory_space<vmem_shared>> -> memref<640x64xf32, #tpu.memory_space<vmem_shared>>
      %dma_start3A_77 = tpu.memref_slice %arg2[%mul3A_0, %mul3A_2] : memref<10240x128xf32, #tpu.memory_space<hbm>> -> memref<640x64xf32, #tpu.memory_space<hbm>>
      tpu.enqueue_dma source(%dma_start3A_77 : memref<640x64xf32, #tpu.memory_space<hbm>>) target(%dma_start3A_76 : memref<640x64xf32, #tpu.memory_space<vmem_shared>>) target_semaphore(%run_scoped3A : memref<!tpu.dma_semaphore, #tpu.memory_space<semaphore_mem>>)
      %dma_wait3A = arith.constant 0 : i32
      %dma_wait3A_78 = tpu.memref_slice %arg6[%mul3A_0, %dma_wait3A] : memref<10240x64xf32, #tpu.memory_space<vmem_shared>> -> memref<640x64xf32, #tpu.memory_space<vmem_shared>>
      %dma_wait3A_79 = tpu.memref_slice %arg2[%mul3A_0, %mul3A_2] : memref<10240x128xf32, #tpu.memory_space<hbm>> -> memref<640x64xf32, #tpu.memory_space<hbm>>
      tpu.wait_dma2 semaphore(%run_scoped3A : memref<!tpu.dma_semaphore, #tpu.memory_space<semaphore_mem>>) src(%dma_wait3A_79 : memref<640x64xf32, #tpu.memory_space<hbm>>) dst(%dma_wait3A_78 : memref<640x64xf32, #tpu.memory_space<vmem_shared>>)
      tpu.yield
    }) : () -> ()
    "tpu.region"() ({
      %run_scoped3A = tpu.sem_alloc : memref<!tpu.dma_semaphore, #tpu.memory_space<semaphore_mem>>
      %dma_start3A_75 = arith.constant 0 : i32
      %dma_start3A_76 = tpu.memref_slice %arg7[%mul3A_0, %dma_start3A_75] : memref<10240x64xf32, #tpu.memory_space<vmem_shared>> -> memref<640x64xf32, #tpu.memory_space<vmem_shared>>
      tpu.enqueue_dma source(%arg4 : memref<640x64xf32, #tpu.memory_space<hbm>>) target(%dma_start3A_76 : memref<640x64xf32, #tpu.memory_space<vmem_shared>>) target_semaphore(%run_scoped3A : memref<!tpu.dma_semaphore, #tpu.memory_space<semaphore_mem>>)
      %dma_wait3A = arith.constant 0 : i32
      %dma_wait3A_77 = tpu.memref_slice %arg7[%mul3A_0, %dma_wait3A] : memref<10240x64xf32, #tpu.memory_space<vmem_shared>> -> memref<640x64xf32, #tpu.memory_space<vmem_shared>>
      tpu.wait_dma2 semaphore(%run_scoped3A : memref<!tpu.dma_semaphore, #tpu.memory_space<semaphore_mem>>) src(%arg4 : memref<640x64xf32, #tpu.memory_space<hbm>>) dst(%dma_wait3A_77 : memref<640x64xf32, #tpu.memory_space<vmem_shared>>)
      tpu.yield
    }) : () -> ()
    "tpu.region"() ({
      %run_scoped3A = tpu.sem_alloc : memref<!tpu.dma_semaphore, #tpu.memory_space<semaphore_mem>>
      %dma_start3A_75 = arith.constant 0 : i32
      %dma_start3A_76 = tpu.memref_slice %arg3[%arg1, %dma_start3A_75] : memref<16x20096xi32, #tpu.memory_space<hbm>> -> memref<1x20096xi32, #tpu.memory_space<hbm>>
      %dma_start3A_77 = tpu.memref_squeeze %dma_start3A_76 : memref<1x20096xi32, #tpu.memory_space<hbm>> -> memref<20096xi32, #tpu.memory_space<hbm>>
      %dma_start3A_78 = arith.constant 0 : i32
      %dma_start3A_79 = tpu.memref_slice %arg3[%arg1, %dma_start3A_78] : memref<16x20096xi32, #tpu.memory_space<hbm>> -> memref<1x20096xi32, #tpu.memory_space<hbm>>
      %dma_start3A_80 = tpu.memref_squeeze %dma_start3A_79 : memref<1x20096xi32, #tpu.memory_space<hbm>> -> memref<20096xi32, #tpu.memory_space<hbm>>
      tpu.enqueue_dma source(%dma_start3A_80 : memref<20096xi32, #tpu.memory_space<hbm>>) target(%arg8 : memref<20096xi32, #tpu.memory_space<vmem>>) target_semaphore(%run_scoped3A : memref<!tpu.dma_semaphore, #tpu.memory_space<semaphore_mem>>)
      %dma_wait3A = arith.constant 0 : i32
      %dma_wait3A_81 = tpu.memref_slice %arg3[%arg1, %dma_wait3A] : memref<16x20096xi32, #tpu.memory_space<hbm>> -> memref<1x20096xi32, #tpu.memory_space<hbm>>
      %dma_wait3A_82 = tpu.memref_squeeze %dma_wait3A_81 : memref<1x20096xi32, #tpu.memory_space<hbm>> -> memref<20096xi32, #tpu.memory_space<hbm>>
      %dma_wait3A_83 = arith.constant 0 : i32
      %dma_wait3A_84 = tpu.memref_slice %arg3[%arg1, %dma_wait3A_83] : memref<16x20096xi32, #tpu.memory_space<hbm>> -> memref<1x20096xi32, #tpu.memory_space<hbm>>
      %dma_wait3A_85 = tpu.memref_squeeze %dma_wait3A_84 : memref<1x20096xi32, #tpu.memory_space<hbm>> -> memref<20096xi32, #tpu.memory_space<hbm>>
      tpu.wait_dma2 semaphore(%run_scoped3A : memref<!tpu.dma_semaphore, #tpu.memory_space<semaphore_mem>>) src(%dma_wait3A_85 : memref<20096xi32, #tpu.memory_space<hbm>>) dst(%arg8 : memref<20096xi32, #tpu.memory_space<vmem>>)
      tpu.yield
    }) : () -> ()
    %barrier3A = arith.constant 0 : index
    tpu.barrier barrier_id(%barrier3A)
    %get3A = arith.constant 0 : index
    %get3A_3 = tpu.vector_load %arg8[%get3A] {strides = array<i32>} : memref<20096xi32, #tpu.memory_space<vmem>>, vector<16xi32>,
    %get3A_4 = vector.shape_cast %get3A_3 : vector<16xi32> to vector<16xi32>
    %and3A = arith.constant 16383 : i32
    %and3A_5 = vector.broadcast %and3A : i32 to vector<16xi32>
    %and3A_6 = arith.andi %get3A_4, %and3A_5 : vector<16xi32>
    %swap3A = arith.constant 0 : index
    %swap3A_7 = tpu.vector_load %arg9[%swap3A] {strides = array<i32>} : memref<64xi32, #tpu.memory_space<vmem>>, vector<16xi32>,
    %swap3A_8 = vector.shape_cast %swap3A_7 : vector<16xi32> to vector<16xi32>
    %swap3A_9 = vector.shape_cast %and3A_6 : vector<16xi32> to vector<16xi32>
    tpu.vector_store %arg9[%swap3A], %swap3A_9 {strides = array<i32>} : memref<64xi32, #tpu.memory_space<vmem>>, vector<16xi32>,
    %shift_right_logical3A = arith.constant 14 : i32
    %shift_right_logical3A_10 = vector.broadcast %shift_right_logical3A : i32 to vector<16xi32>
    %shift_right_logical3A_11 = arith.shrui %get3A_4, %shift_right_logical3A_10 : vector<16xi32>
    %swap3A_12 = arith.constant 0 : index
    %swap3A_13 = tpu.vector_load %arg10[%swap3A_12] {strides = array<i32>} : memref<64xi32, #tpu.memory_space<vmem>>, vector<16xi32>,
    %swap3A_14 = vector.shape_cast %swap3A_13 : vector<16xi32> to vector<16xi32>
    %swap3A_15 = vector.shape_cast %shift_right_logical3A_11 : vector<16xi32> to vector<16xi32>
    tpu.vector_store %arg10[%swap3A_12], %swap3A_15 {strides = array<i32>} : memref<64xi32, #tpu.memory_space<vmem>>, vector<16xi32>,
    %get3A_16 = arith.constant 16 : index
    %get3A_17 = tpu.vector_load %arg8[%get3A_16] {strides = array<i32>} : memref<20096xi32, #tpu.memory_space<vmem>>, vector<16xi32>,
    %get3A_18 = vector.shape_cast %get3A_17 : vector<16xi32> to vector<16xi32>
    %and3A_19 = arith.constant 16383 : i32
    %and3A_20 = vector.broadcast %and3A_19 : i32 to vector<16xi32>
    %and3A_21 = arith.andi %get3A_18, %and3A_20 : vector<16xi32>
    %swap3A_22 = arith.constant 16 : index
    %swap3A_23 = tpu.vector_load %arg9[%swap3A_22] {strides = array<i32>} : memref<64xi32, #tpu.memory_space<vmem>>, vector<16xi32>,
    %swap3A_24 = vector.shape_cast %swap3A_23 : vector<16xi32> to vector<16xi32>
    %swap3A_25 = vector.shape_cast %and3A_21 : vector<16xi32> to vector<16xi32>
    tpu.vector_store %arg9[%swap3A_22], %swap3A_25 {strides = array<i32>} : memref<64xi32, #tpu.memory_space<vmem>>, vector<16xi32>,
    %shift_right_logical3A_26 = arith.constant 14 : i32
    %shift_right_logical3A_27 = vector.broadcast %shift_right_logical3A_26 : i32 to vector<16xi32>
    %shift_right_logical3A_28 = arith.shrui %get3A_18, %shift_right_logical3A_27 : vector<16xi32>
    %swap3A_29 = arith.constant 16 : index
    %swap3A_30 = tpu.vector_load %arg10[%swap3A_29] {strides = array<i32>} : memref<64xi32, #tpu.memory_space<vmem>>, vector<16xi32>,
    %swap3A_31 = vector.shape_cast %swap3A_30 : vector<16xi32> to vector<16xi32>
    %swap3A_32 = vector.shape_cast %shift_right_logical3A_28 : vector<16xi32> to vector<16xi32>
    tpu.vector_store %arg10[%swap3A_29], %swap3A_32 {strides = array<i32>} : memref<64xi32, #tpu.memory_space<vmem>>, vector<16xi32>,
    %get3A_33 = arith.constant 32 : index
    %get3A_34 = tpu.vector_load %arg8[%get3A_33] {strides = array<i32>} : memref<20096xi32, #tpu.memory_space<vmem>>, vector<16xi32>,
    %get3A_35 = vector.shape_cast %get3A_34 : vector<16xi32> to vector<16xi32>
    %and3A_36 = arith.constant 16383 : i32
    %and3A_37 = vector.broadcast %and3A_36 : i32 to vector<16xi32>
    %and3A_38 = arith.andi %get3A_35, %and3A_37 : vector<16xi32>
    %swap3A_39 = arith.constant 32 : index
    %swap3A_40 = tpu.vector_load %arg9[%swap3A_39] {strides = array<i32>} : memref<64xi32, #tpu.memory_space<vmem>>, vector<16xi32>,
    %swap3A_41 = vector.shape_cast %swap3A_40 : vector<16xi32> to vector<16xi32>
    %swap3A_42 = vector.shape_cast %and3A_38 : vector<16xi32> to vector<16xi32>
    tpu.vector_store %arg9[%swap3A_39], %swap3A_42 {strides = array<i32>} : memref<64xi32, #tpu.memory_space<vmem>>, vector<16xi32>,
    %shift_right_logical3A_43 = arith.constant 14 : i32
    %shift_right_logical3A_44 = vector.broadcast %shift_right_logical3A_43 : i32 to vector<16xi32>
    %shift_right_logical3A_45 = arith.shrui %get3A_35, %shift_right_logical3A_44 : vector<16xi32>
    %swap3A_46 = arith.constant 32 : index
    %swap3A_47 = tpu.vector_load %arg10[%swap3A_46] {strides = array<i32>} : memref<64xi32, #tpu.memory_space<vmem>>, vector<16xi32>,
    %swap3A_48 = vector.shape_cast %swap3A_47 : vector<16xi32> to vector<16xi32>
    %swap3A_49 = vector.shape_cast %shift_right_logical3A_45 : vector<16xi32> to vector<16xi32>
    tpu.vector_store %arg10[%swap3A_46], %swap3A_49 {strides = array<i32>} : memref<64xi32, #tpu.memory_space<vmem>>, vector<16xi32>,
    %get3A_50 = arith.constant 48 : index
    %get3A_51 = tpu.vector_load %arg8[%get3A_50] {strides = array<i32>} : memref<20096xi32, #tpu.memory_space<vmem>>, vector<16xi32>,
    %get3A_52 = vector.shape_cast %get3A_51 : vector<16xi32> to vector<16xi32>
    %and3A_53 = arith.constant 16383 : i32
    %and3A_54 = vector.broadcast %and3A_53 : i32 to vector<16xi32>
    %and3A_55 = arith.andi %get3A_52, %and3A_54 : vector<16xi32>
    %swap3A_56 = arith.constant 48 : index
    %swap3A_57 = tpu.vector_load %arg9[%swap3A_56] {strides = array<i32>} : memref<64xi32, #tpu.memory_space<vmem>>, vector<16xi32>,
    %swap3A_58 = vector.shape_cast %swap3A_57 : vector<16xi32> to vector<16xi32>
    %swap3A_59 = vector.shape_cast %and3A_55 : vector<16xi32> to vector<16xi32>
    tpu.vector_store %arg9[%swap3A_56], %swap3A_59 {strides = array<i32>} : memref<64xi32, #tpu.memory_space<vmem>>, vector<16xi32>,
    %shift_right_logical3A_60 = arith.constant 14 : i32
    %shift_right_logical3A_61 = vector.broadcast %shift_right_logical3A_60 : i32 to vector<16xi32>
    %shift_right_logical3A_62 = arith.shrui %get3A_52, %shift_right_logical3A_61 : vector<16xi32>
    %swap3A_63 = arith.constant 48 : index
    %swap3A_64 = tpu.vector_load %arg10[%swap3A_63] {strides = array<i32>} : memref<64xi32, #tpu.memory_space<vmem>>, vector<16xi32>,
    %swap3A_65 = vector.shape_cast %swap3A_64 : vector<16xi32> to vector<16xi32>
    %swap3A_66 = vector.shape_cast %shift_right_logical3A_62 : vector<16xi32> to vector<16xi32>
    tpu.vector_store %arg10[%swap3A_63], %swap3A_66 {strides = array<i32>} : memref<64xi32, #tpu.memory_space<vmem>>, vector<16xi32>,
    %dma_start3A = arith.constant 0 : i32
    %dma_start3A_67 = arith.constant 0 : i32
    %dma_start3A_68 = tpu.memref_slice %arg6[%dma_start3A, %dma_start3A_67] : memref<10240x64xf32, #tpu.memory_space<vmem_shared>> -> memref<10240x64xf32, #tpu.memory_space<vmem_shared>>
    tpu.enqueue_indirect_dma source(%dma_start3A_68 : memref<10240x64xf32, #tpu.memory_space<vmem_shared>>) target(%arg13 : memref<64x64xf32, #tpu.memory_space<vmem>>) offsets(%arg9 : memref<64xi32, #tpu.memory_space<vmem>>) semaphore(%arg15 : memref<!tpu.dma_semaphore, #tpu.memory_space<semaphore_mem>>)
    %scan3A = arith.constant 0 : i32
    %scan3A_69 = arith.constant 0 : i32
    %scan3A_70 = arith.constant 157 : i32
    %scan3A_71 = arith.addi %scan3A_69, %scan3A_70 : i32
    %scan3A_72 = arith.constant 1 : i32
    scf.for %scan3A_75 = %scan3A_69 to %scan3A_71 step %scan3A_72  : i32 {
      %mul3A_76 = arith.constant 2 : i32
      %mul3A_77 = arith.muli %mul3A_76, %scan3A_75 : i32
      %add3A = arith.constant 1 : i32
      %add3A_78 = arith.addi %mul3A_77, %add3A : i32
      %mul3A_79 = arith.constant 64 : i32
      %mul3A_80 = arith.muli %add3A_78, %mul3A_79 : i32
      %add3A_81 = arith.constant 0 : i32
      %add3A_82 = arith.addi %mul3A_80, %add3A_81 : i32
      %get3A_83 = arith.index_cast %add3A_82 : i32 to index
      %get3A_84 = tpu.vector_load %arg8[%get3A_83] {strides = array<i32>} : memref<20096xi32, #tpu.memory_space<vmem>>, vector<16xi32>,
      %get3A_85 = vector.shape_cast %get3A_84 : vector<16xi32> to vector<16xi32>
      %and3A_86 = arith.constant 16383 : i32
      %and3A_87 = vector.broadcast %and3A_86 : i32 to vector<16xi32>
      %and3A_88 = arith.andi %get3A_85, %and3A_87 : vector<16xi32>
      %swap3A_89 = arith.constant 0 : index
      %swap3A_90 = tpu.vector_load %arg11[%swap3A_89] {strides = array<i32>} : memref<64xi32, #tpu.memory_space<vmem>>, vector<16xi32>,
      %swap3A_91 = vector.shape_cast %swap3A_90 : vector<16xi32> to vector<16xi32>
      %swap3A_92 = vector.shape_cast %and3A_88 : vector<16xi32> to vector<16xi32>
      tpu.vector_store %arg11[%swap3A_89], %swap3A_92 {strides = array<i32>} : memref<64xi32, #tpu.memory_space<vmem>>, vector<16xi32>,
      %shift_right_logical3A_93 = arith.constant 14 : i32
      %shift_right_logical3A_94 = vector.broadcast %shift_right_logical3A_93 : i32 to vector<16xi32>
      %shift_right_logical3A_95 = arith.shrui %get3A_85, %shift_right_logical3A_94 : vector<16xi32>
      %swap3A_96 = arith.constant 0 : index
      %swap3A_97 = tpu.vector_load %arg12[%swap3A_96] {strides = array<i32>} : memref<64xi32, #tpu.memory_space<vmem>>, vector<16xi32>,
      %swap3A_98 = vector.shape_cast %swap3A_97 : vector<16xi32> to vector<16xi32>
      %swap3A_99 = vector.shape_cast %shift_right_logical3A_95 : vector<16xi32> to vector<16xi32>
      tpu.vector_store %arg12[%swap3A_96], %swap3A_99 {strides = array<i32>} : memref<64xi32, #tpu.memory_space<vmem>>, vector<16xi32>,
      %mul3A_100 = arith.constant 64 : i32
      %mul3A_101 = arith.muli %add3A_78, %mul3A_100 : i32
      %add3A_102 = arith.constant 16 : i32
      %add3A_103 = arith.addi %mul3A_101, %add3A_102 : i32
      %get3A_104 = arith.index_cast %add3A_103 : i32 to index
      %get3A_105 = tpu.vector_load %arg8[%get3A_104] {strides = array<i32>} : memref<20096xi32, #tpu.memory_space<vmem>>, vector<16xi32>,
      %get3A_106 = vector.shape_cast %get3A_105 : vector<16xi32> to vector<16xi32>
      %and3A_107 = arith.constant 16383 : i32
      %and3A_108 = vector.broadcast %and3A_107 : i32 to vector<16xi32>
      %and3A_109 = arith.andi %get3A_106, %and3A_108 : vector<16xi32>
      %swap3A_110 = arith.constant 16 : index
      %swap3A_111 = tpu.vector_load %arg11[%swap3A_110] {strides = array<i32>} : memref<64xi32, #tpu.memory_space<vmem>>, vector<16xi32>,
      %swap3A_112 = vector.shape_cast %swap3A_111 : vector<16xi32> to vector<16xi32>
      %swap3A_113 = vector.shape_cast %and3A_109 : vector<16xi32> to vector<16xi32>
      tpu.vector_store %arg11[%swap3A_110], %swap3A_113 {strides = array<i32>} : memref<64xi32, #tpu.memory_space<vmem>>, vector<16xi32>,
      %shift_right_logical3A_114 = arith.constant 14 : i32
      %shift_right_logical3A_115 = vector.broadcast %shift_right_logical3A_114 : i32 to vector<16xi32>
      %shift_right_logical3A_116 = arith.shrui %get3A_106, %shift_right_logical3A_115 : vector<16xi32>
      %swap3A_117 = arith.constant 16 : index
      %swap3A_118 = tpu.vector_load %arg12[%swap3A_117] {strides = array<i32>} : memref<64xi32, #tpu.memory_space<vmem>>, vector<16xi32>,
      %swap3A_119 = vector.shape_cast %swap3A_118 : vector<16xi32> to vector<16xi32>
      %swap3A_120 = vector.shape_cast %shift_right_logical3A_116 : vector<16xi32> to vector<16xi32>
      tpu.vector_store %arg12[%swap3A_117], %swap3A_120 {strides = array<i32>} : memref<64xi32, #tpu.memory_space<vmem>>, vector<16xi32>,
      %mul3A_121 = arith.constant 64 : i32
      %mul3A_122 = arith.muli %add3A_78, %mul3A_121 : i32
      %add3A_123 = arith.constant 32 : i32
      %add3A_124 = arith.addi %mul3A_122, %add3A_123 : i32
      %get3A_125 = arith.index_cast %add3A_124 : i32 to index
      %get3A_126 = tpu.vector_load %arg8[%get3A_125] {strides = array<i32>} : memref<20096xi32, #tpu.memory_space<vmem>>, vector<16xi32>,
      %get3A_127 = vector.shape_cast %get3A_126 : vector<16xi32> to vector<16xi32>
      %and3A_128 = arith.constant 16383 : i32
      %and3A_129 = vector.broadcast %and3A_128 : i32 to vector<16xi32>
      %and3A_130 = arith.andi %get3A_127, %and3A_129 : vector<16xi32>
      %swap3A_131 = arith.constant 32 : index
      %swap3A_132 = tpu.vector_load %arg11[%swap3A_131] {strides = array<i32>} : memref<64xi32, #tpu.memory_space<vmem>>, vector<16xi32>,
      %swap3A_133 = vector.shape_cast %swap3A_132 : vector<16xi32> to vector<16xi32>
      %swap3A_134 = vector.shape_cast %and3A_130 : vector<16xi32> to vector<16xi32>
      tpu.vector_store %arg11[%swap3A_131], %swap3A_134 {strides = array<i32>} : memref<64xi32, #tpu.memory_space<vmem>>, vector<16xi32>,
      %shift_right_logical3A_135 = arith.constant 14 : i32
      %shift_right_logical3A_136 = vector.broadcast %shift_right_logical3A_135 : i32 to vector<16xi32>
      %shift_right_logical3A_137 = arith.shrui %get3A_127, %shift_right_logical3A_136 : vector<16xi32>
      %swap3A_138 = arith.constant 32 : index
      %swap3A_139 = tpu.vector_load %arg12[%swap3A_138] {strides = array<i32>} : memref<64xi32, #tpu.memory_space<vmem>>, vector<16xi32>,
      %swap3A_140 = vector.shape_cast %swap3A_139 : vector<16xi32> to vector<16xi32>
      %swap3A_141 = vector.shape_cast %shift_right_logical3A_137 : vector<16xi32> to vector<16xi32>
      tpu.vector_store %arg12[%swap3A_138], %swap3A_141 {strides = array<i32>} : memref<64xi32, #tpu.memory_space<vmem>>, vector<16xi32>,
      %mul3A_142 = arith.constant 64 : i32
      %mul3A_143 = arith.muli %add3A_78, %mul3A_142 : i32
      %add3A_144 = arith.constant 48 : i32
      %add3A_145 = arith.addi %mul3A_143, %add3A_144 : i32
      %get3A_146 = arith.index_cast %add3A_145 : i32 to index
      %get3A_147 = tpu.vector_load %arg8[%get3A_146] {strides = array<i32>} : memref<20096xi32, #tpu.memory_space<vmem>>, vector<16xi32>,
      %get3A_148 = vector.shape_cast %get3A_147 : vector<16xi32> to vector<16xi32>
      %and3A_149 = arith.constant 16383 : i32
      %and3A_150 = vector.broadcast %and3A_149 : i32 to vector<16xi32>
      %and3A_151 = arith.andi %get3A_148, %and3A_150 : vector<16xi32>
      %swap3A_152 = arith.constant 48 : index
      %swap3A_153 = tpu.vector_load %arg11[%swap3A_152] {strides = array<i32>} : memref<64xi32, #tpu.memory_space<vmem>>, vector<16xi32>,
      %swap3A_154 = vector.shape_cast %swap3A_153 : vector<16xi32> to vector<16xi32>
      %swap3A_155 = vector.shape_cast %and3A_151 : vector<16xi32> to vector<16xi32>
      tpu.vector_store %arg11[%swap3A_152], %swap3A_155 {strides = array<i32>} : memref<64xi32, #tpu.memory_space<vmem>>, vector<16xi32>,
      %shift_right_logical3A_156 = arith.constant 14 : i32
      %shift_right_logical3A_157 = vector.broadcast %shift_right_logical3A_156 : i32 to vector<16xi32>
      %shift_right_logical3A_158 = arith.shrui %get3A_148, %shift_right_logical3A_157 : vector<16xi32>
      %swap3A_159 = arith.constant 48 : index
      %swap3A_160 = tpu.vector_load %arg12[%swap3A_159] {strides = array<i32>} : memref<64xi32, #tpu.memory_space<vmem>>, vector<16xi32>,
      %swap3A_161 = vector.shape_cast %swap3A_160 : vector<16xi32> to vector<16xi32>
      %swap3A_162 = vector.shape_cast %shift_right_logical3A_158 : vector<16xi32> to vector<16xi32>
      tpu.vector_store %arg12[%swap3A_159], %swap3A_162 {strides = array<i32>} : memref<64xi32, #tpu.memory_space<vmem>>, vector<16xi32>,
      %dma_start3A_163 = arith.constant 0 : i32
      %dma_start3A_164 = arith.constant 0 : i32
      %dma_start3A_165 = tpu.memref_slice %arg6[%dma_start3A_163, %dma_start3A_164] : memref<10240x64xf32, #tpu.memory_space<vmem_shared>> -> memref<10240x64xf32, #tpu.memory_space<vmem_shared>>
      tpu.enqueue_indirect_dma source(%dma_start3A_165 : memref<10240x64xf32, #tpu.memory_space<vmem_shared>>) target(%arg14 : memref<64x64xf32, #tpu.memory_space<vmem>>) offsets(%arg11 : memref<64xi32, #tpu.memory_space<vmem>>) semaphore(%arg16 : memref<!tpu.dma_semaphore, #tpu.memory_space<semaphore_mem>>)
      %dma_wait3A = arith.constant 0 : i32
      %dma_wait3A_166 = arith.constant 0 : i32
      %dma_wait3A_167 = tpu.memref_slice %arg6[%dma_wait3A, %dma_wait3A_166] : memref<10240x64xf32, #tpu.memory_space<vmem_shared>> -> memref<10240x64xf32, #tpu.memory_space<vmem_shared>>
      tpu.wait_indirect_dma semaphore(%arg15 : memref<!tpu.dma_semaphore, #tpu.memory_space<semaphore_mem>>) src(%dma_wait3A_167 : memref<10240x64xf32, #tpu.memory_space<vmem_shared>>) dst(%arg13 : memref<64x64xf32, #tpu.memory_space<vmem>>)
      "tpu.region"() ({
        %run_scoped3A = tpu.sem_alloc : memref<!tpu.dma_semaphore, #tpu.memory_space<semaphore_mem>>
        %dma_start3A_175 = arith.constant 0 : i32
        %dma_start3A_176 = arith.constant 0 : i32
        %dma_start3A_177 = tpu.memref_slice %arg7[%dma_start3A_175, %dma_start3A_176] : memref<10240x64xf32, #tpu.memory_space<vmem_shared>> -> memref<10240x64xf32, #tpu.memory_space<vmem_shared>>
        tpu.enqueue_indirect_dma source(%arg13 : memref<64x64xf32, #tpu.memory_space<vmem>>) target(%dma_start3A_177 : memref<10240x64xf32, #tpu.memory_space<vmem_shared>>) offsets(%arg10 : memref<64xi32, #tpu.memory_space<vmem>>) semaphore(%run_scoped3A : memref<!tpu.dma_semaphore, #tpu.memory_space<semaphore_mem>>) {add = true}
        %dma_wait3A_178 = arith.constant 0 : i32
        %dma_wait3A_179 = arith.constant 0 : i32
        %dma_wait3A_180 = tpu.memref_slice %arg7[%dma_wait3A_178, %dma_wait3A_179] : memref<10240x64xf32, #tpu.memory_space<vmem_shared>> -> memref<10240x64xf32, #tpu.memory_space<vmem_shared>>
        tpu.wait_indirect_dma semaphore(%run_scoped3A : memref<!tpu.dma_semaphore, #tpu.memory_space<semaphore_mem>>) src(%arg13 : memref<64x64xf32, #tpu.memory_space<vmem>>) dst(%dma_wait3A_180 : memref<10240x64xf32, #tpu.memory_space<vmem_shared>>)
        tpu.yield
      }) : () -> ()
      %add3A_168 = arith.constant 1 : i32
      %add3A_169 = arith.addi %scan3A_75, %add3A_168 : i32
      %lt3A = arith.constant 157 : i32
      %lt3A_170 = arith.cmpi slt, %add3A_169, %lt3A : i32
      %convert_element_type3A = arith.extui %lt3A_170 : i1 to i32
      %cond3A = arith.constant 0 : i32
      %cond3A_171 = arith.cmpi ne, %convert_element_type3A, %cond3A : i32
      scf.if %cond3A_171 {
        %add3A_175 = arith.constant 2 : i32
        %add3A_176 = arith.addi %mul3A_77, %add3A_175 : i32
        %mul3A_177 = arith.constant 64 : i32
        %mul3A_178 = arith.muli %add3A_176, %mul3A_177 : i32
        %add3A_179 = arith.constant 0 : i32
        %add3A_180 = arith.addi %mul3A_178, %add3A_179 : i32
        %get3A_181 = arith.index_cast %add3A_180 : i32 to index
        %get3A_182 = tpu.vector_load %arg8[%get3A_181] {strides = array<i32>} : memref<20096xi32, #tpu.memory_space<vmem>>, vector<16xi32>,
        %get3A_183 = vector.shape_cast %get3A_182 : vector<16xi32> to vector<16xi32>
        %and3A_184 = arith.constant 16383 : i32
        %and3A_185 = vector.broadcast %and3A_184 : i32 to vector<16xi32>
        %and3A_186 = arith.andi %get3A_183, %and3A_185 : vector<16xi32>
        %swap3A_187 = arith.constant 0 : index
        %swap3A_188 = tpu.vector_load %arg9[%swap3A_187] {strides = array<i32>} : memref<64xi32, #tpu.memory_space<vmem>>, vector<16xi32>,
        %swap3A_189 = vector.shape_cast %swap3A_188 : vector<16xi32> to vector<16xi32>
        %swap3A_190 = vector.shape_cast %and3A_186 : vector<16xi32> to vector<16xi32>
        tpu.vector_store %arg9[%swap3A_187], %swap3A_190 {strides = array<i32>} : memref<64xi32, #tpu.memory_space<vmem>>, vector<16xi32>,
        %shift_right_logical3A_191 = arith.constant 14 : i32
        %shift_right_logical3A_192 = vector.broadcast %shift_right_logical3A_191 : i32 to vector<16xi32>
        %shift_right_logical3A_193 = arith.shrui %get3A_183, %shift_right_logical3A_192 : vector<16xi32>
        %swap3A_194 = arith.constant 0 : index
        %swap3A_195 = tpu.vector_load %arg10[%swap3A_194] {strides = array<i32>} : memref<64xi32, #tpu.memory_space<vmem>>, vector<16xi32>,
        %swap3A_196 = vector.shape_cast %swap3A_195 : vector<16xi32> to vector<16xi32>
        %swap3A_197 = vector.shape_cast %shift_right_logical3A_193 : vector<16xi32> to vector<16xi32>
        tpu.vector_store %arg10[%swap3A_194], %swap3A_197 {strides = array<i32>} : memref<64xi32, #tpu.memory_space<vmem>>, vector<16xi32>,
        %mul3A_198 = arith.constant 64 : i32
        %mul3A_199 = arith.muli %add3A_176, %mul3A_198 : i32
        %add3A_200 = arith.constant 16 : i32
        %add3A_201 = arith.addi %mul3A_199, %add3A_200 : i32
        %get3A_202 = arith.index_cast %add3A_201 : i32 to index
        %get3A_203 = tpu.vector_load %arg8[%get3A_202] {strides = array<i32>} : memref<20096xi32, #tpu.memory_space<vmem>>, vector<16xi32>,
        %get3A_204 = vector.shape_cast %get3A_203 : vector<16xi32> to vector<16xi32>
        %and3A_205 = arith.constant 16383 : i32
        %and3A_206 = vector.broadcast %and3A_205 : i32 to vector<16xi32>
        %and3A_207 = arith.andi %get3A_204, %and3A_206 : vector<16xi32>
        %swap3A_208 = arith.constant 16 : index
        %swap3A_209 = tpu.vector_load %arg9[%swap3A_208] {strides = array<i32>} : memref<64xi32, #tpu.memory_space<vmem>>, vector<16xi32>,
        %swap3A_210 = vector.shape_cast %swap3A_209 : vector<16xi32> to vector<16xi32>
        %swap3A_211 = vector.shape_cast %and3A_207 : vector<16xi32> to vector<16xi32>
        tpu.vector_store %arg9[%swap3A_208], %swap3A_211 {strides = array<i32>} : memref<64xi32, #tpu.memory_space<vmem>>, vector<16xi32>,
        %shift_right_logical3A_212 = arith.constant 14 : i32
        %shift_right_logical3A_213 = vector.broadcast %shift_right_logical3A_212 : i32 to vector<16xi32>
        %shift_right_logical3A_214 = arith.shrui %get3A_204, %shift_right_logical3A_213 : vector<16xi32>
        %swap3A_215 = arith.constant 16 : index
        %swap3A_216 = tpu.vector_load %arg10[%swap3A_215] {strides = array<i32>} : memref<64xi32, #tpu.memory_space<vmem>>, vector<16xi32>,
        %swap3A_217 = vector.shape_cast %swap3A_216 : vector<16xi32> to vector<16xi32>
        %swap3A_218 = vector.shape_cast %shift_right_logical3A_214 : vector<16xi32> to vector<16xi32>
        tpu.vector_store %arg10[%swap3A_215], %swap3A_218 {strides = array<i32>} : memref<64xi32, #tpu.memory_space<vmem>>, vector<16xi32>,
        %mul3A_219 = arith.constant 64 : i32
        %mul3A_220 = arith.muli %add3A_176, %mul3A_219 : i32
        %add3A_221 = arith.constant 32 : i32
        %add3A_222 = arith.addi %mul3A_220, %add3A_221 : i32
        %get3A_223 = arith.index_cast %add3A_222 : i32 to index
        %get3A_224 = tpu.vector_load %arg8[%get3A_223] {strides = array<i32>} : memref<20096xi32, #tpu.memory_space<vmem>>, vector<16xi32>,
        %get3A_225 = vector.shape_cast %get3A_224 : vector<16xi32> to vector<16xi32>
        %and3A_226 = arith.constant 16383 : i32
        %and3A_227 = vector.broadcast %and3A_226 : i32 to vector<16xi32>
        %and3A_228 = arith.andi %get3A_225, %and3A_227 : vector<16xi32>
        %swap3A_229 = arith.constant 32 : index
        %swap3A_230 = tpu.vector_load %arg9[%swap3A_229] {strides = array<i32>} : memref<64xi32, #tpu.memory_space<vmem>>, vector<16xi32>,
        %swap3A_231 = vector.shape_cast %swap3A_230 : vector<16xi32> to vector<16xi32>
        %swap3A_232 = vector.shape_cast %and3A_228 : vector<16xi32> to vector<16xi32>
        tpu.vector_store %arg9[%swap3A_229], %swap3A_232 {strides = array<i32>} : memref<64xi32, #tpu.memory_space<vmem>>, vector<16xi32>,
        %shift_right_logical3A_233 = arith.constant 14 : i32
        %shift_right_logical3A_234 = vector.broadcast %shift_right_logical3A_233 : i32 to vector<16xi32>
        %shift_right_logical3A_235 = arith.shrui %get3A_225, %shift_right_logical3A_234 : vector<16xi32>
        %swap3A_236 = arith.constant 32 : index
        %swap3A_237 = tpu.vector_load %arg10[%swap3A_236] {strides = array<i32>} : memref<64xi32, #tpu.memory_space<vmem>>, vector<16xi32>,
        %swap3A_238 = vector.shape_cast %swap3A_237 : vector<16xi32> to vector<16xi32>
        %swap3A_239 = vector.shape_cast %shift_right_logical3A_235 : vector<16xi32> to vector<16xi32>
        tpu.vector_store %arg10[%swap3A_236], %swap3A_239 {strides = array<i32>} : memref<64xi32, #tpu.memory_space<vmem>>, vector<16xi32>,
        %mul3A_240 = arith.constant 64 : i32
        %mul3A_241 = arith.muli %add3A_176, %mul3A_240 : i32
        %add3A_242 = arith.constant 48 : i32
        %add3A_243 = arith.addi %mul3A_241, %add3A_242 : i32
        %get3A_244 = arith.index_cast %add3A_243 : i32 to index
        %get3A_245 = tpu.vector_load %arg8[%get3A_244] {strides = array<i32>} : memref<20096xi32, #tpu.memory_space<vmem>>, vector<16xi32>,
        %get3A_246 = vector.shape_cast %get3A_245 : vector<16xi32> to vector<16xi32>
        %and3A_247 = arith.constant 16383 : i32
        %and3A_248 = vector.broadcast %and3A_247 : i32 to vector<16xi32>
        %and3A_249 = arith.andi %get3A_246, %and3A_248 : vector<16xi32>
        %swap3A_250 = arith.constant 48 : index
        %swap3A_251 = tpu.vector_load %arg9[%swap3A_250] {strides = array<i32>} : memref<64xi32, #tpu.memory_space<vmem>>, vector<16xi32>,
        %swap3A_252 = vector.shape_cast %swap3A_251 : vector<16xi32> to vector<16xi32>
        %swap3A_253 = vector.shape_cast %and3A_249 : vector<16xi32> to vector<16xi32>
        tpu.vector_store %arg9[%swap3A_250], %swap3A_253 {strides = array<i32>} : memref<64xi32, #tpu.memory_space<vmem>>, vector<16xi32>,
        %shift_right_logical3A_254 = arith.constant 14 : i32
        %shift_right_logical3A_255 = vector.broadcast %shift_right_logical3A_254 : i32 to vector<16xi32>
        %shift_right_logical3A_256 = arith.shrui %get3A_246, %shift_right_logical3A_255 : vector<16xi32>
        %swap3A_257 = arith.constant 48 : index
        %swap3A_258 = tpu.vector_load %arg10[%swap3A_257] {strides = array<i32>} : memref<64xi32, #tpu.memory_space<vmem>>, vector<16xi32>,
        %swap3A_259 = vector.shape_cast %swap3A_258 : vector<16xi32> to vector<16xi32>
        %swap3A_260 = vector.shape_cast %shift_right_logical3A_256 : vector<16xi32> to vector<16xi32>
        tpu.vector_store %arg10[%swap3A_257], %swap3A_260 {strides = array<i32>} : memref<64xi32, #tpu.memory_space<vmem>>, vector<16xi32>,
        %dma_start3A_261 = arith.constant 0 : i32
        %dma_start3A_262 = arith.constant 0 : i32
        %dma_start3A_263 = tpu.memref_slice %arg6[%dma_start3A_261, %dma_start3A_262] : memref<10240x64xf32, #tpu.memory_space<vmem_shared>> -> memref<10240x64xf32, #tpu.memory_space<vmem_shared>>
        tpu.enqueue_indirect_dma source(%dma_start3A_263 : memref<10240x64xf32, #tpu.memory_space<vmem_shared>>) target(%arg13 : memref<64x64xf32, #tpu.memory_space<vmem>>) offsets(%arg9 : memref<64xi32, #tpu.memory_space<vmem>>) semaphore(%arg15 : memref<!tpu.dma_semaphore, #tpu.memory_space<semaphore_mem>>)
      } else {
      }
      %dma_wait3A_172 = arith.constant 0 : i32
      %dma_wait3A_173 = arith.constant 0 : i32
      %dma_wait3A_174 = tpu.memref_slice %arg6[%dma_wait3A_172, %dma_wait3A_173] : memref<10240x64xf32, #tpu.memory_space<vmem_shared>> -> memref<10240x64xf32, #tpu.memory_space<vmem_shared>>
      tpu.wait_indirect_dma semaphore(%arg16 : memref<!tpu.dma_semaphore, #tpu.memory_space<semaphore_mem>>) src(%dma_wait3A_174 : memref<10240x64xf32, #tpu.memory_space<vmem_shared>>) dst(%arg14 : memref<64x64xf32, #tpu.memory_space<vmem>>)
      "tpu.region"() ({
        %run_scoped3A = tpu.sem_alloc : memref<!tpu.dma_semaphore, #tpu.memory_space<semaphore_mem>>
        %dma_start3A_175 = arith.constant 0 : i32
        %dma_start3A_176 = arith.constant 0 : i32
        %dma_start3A_177 = tpu.memref_slice %arg7[%dma_start3A_175, %dma_start3A_176] : memref<10240x64xf32, #tpu.memory_space<vmem_shared>> -> memref<10240x64xf32, #tpu.memory_space<vmem_shared>>
        tpu.enqueue_indirect_dma source(%arg14 : memref<64x64xf32, #tpu.memory_space<vmem>>) target(%dma_start3A_177 : memref<10240x64xf32, #tpu.memory_space<vmem_shared>>) offsets(%arg12 : memref<64xi32, #tpu.memory_space<vmem>>) semaphore(%run_scoped3A : memref<!tpu.dma_semaphore, #tpu.memory_space<semaphore_mem>>) {add = true}
        %dma_wait3A_178 = arith.constant 0 : i32
        %dma_wait3A_179 = arith.constant 0 : i32
        %dma_wait3A_180 = tpu.memref_slice %arg7[%dma_wait3A_178, %dma_wait3A_179] : memref<10240x64xf32, #tpu.memory_space<vmem_shared>> -> memref<10240x64xf32, #tpu.memory_space<vmem_shared>>
        tpu.wait_indirect_dma semaphore(%run_scoped3A : memref<!tpu.dma_semaphore, #tpu.memory_space<semaphore_mem>>) src(%arg14 : memref<64x64xf32, #tpu.memory_space<vmem>>) dst(%dma_wait3A_180 : memref<10240x64xf32, #tpu.memory_space<vmem_shared>>)
        tpu.yield
      }) : () -> ()
    }
    %scan3A_73 = arith.constant 157 : i32
    %barrier3A_74 = arith.constant 0 : index
    tpu.barrier barrier_id(%barrier3A_74)
    "tpu.region"() ({
      %run_scoped3A = tpu.sem_alloc : memref<!tpu.dma_semaphore, #tpu.memory_space<semaphore_mem>>
      %dma_start3A_75 = tpu.memref_slice %arg5[%mul3A_0, %mul3A_2] : memref<10240x128xf32, #tpu.memory_space<hbm>> -> memref<640x64xf32, #tpu.memory_space<hbm>>
      %dma_start3A_76 = arith.constant 0 : i32
      %dma_start3A_77 = tpu.memref_slice %arg7[%mul3A_0, %dma_start3A_76] : memref<10240x64xf32, #tpu.memory_space<vmem_shared>> -> memref<640x64xf32, #tpu.memory_space<vmem_shared>>
      tpu.enqueue_dma source(%dma_start3A_77 : memref<640x64xf32, #tpu.memory_space<vmem_shared>>) target(%dma_start3A_75 : memref<640x64xf32, #tpu.memory_space<hbm>>) target_semaphore(%run_scoped3A : memref<!tpu.dma_semaphore, #tpu.memory_space<semaphore_mem>>)
      %dma_wait3A = tpu.memref_slice %arg5[%mul3A_0, %mul3A_2] : memref<10240x128xf32, #tpu.memory_space<hbm>> -> memref<640x64xf32, #tpu.memory_space<hbm>>
      %dma_wait3A_78 = arith.constant 0 : i32
      %dma_wait3A_79 = tpu.memref_slice %arg7[%mul3A_0, %dma_wait3A_78] : memref<10240x64xf32, #tpu.memory_space<vmem_shared>> -> memref<640x64xf32, #tpu.memory_space<vmem_shared>>
      tpu.wait_dma2 semaphore(%run_scoped3A : memref<!tpu.dma_semaphore, #tpu.memory_space<semaphore_mem>>) src(%dma_wait3A_79 : memref<640x64xf32, #tpu.memory_space<vmem_shared>>) dst(%dma_wait3A : memref<640x64xf32, #tpu.memory_space<hbm>>)
      tpu.yield
    }) : () -> ()
    return
  }
}

module attributes {stable_mosaic.version = 14 : i64} {
  func.func @body(%arg0: i32, %arg1: memref<512x128xf32, #tpu.memory_space<vmem>>, %arg2: memref<128x128xf32, #tpu.memory_space<vmem>>, %arg3: memref<2x512x8xf32, #tpu.memory_space<vmem>>, %arg4: memref<512x128xf32, #tpu.memory_space<vmem>>) attributes {dimension_semantics = [#tpu.dimension_semantics<arbitrary>], iteration_bounds = array<i64: 20>, scalar_prefetch = 0 : i64, scratch_operands = 0 : i64, tpu.core_type = #tpu.core_type<tc>, window_params = [{transform_indices = @transform_0, window_bounds = array<i64: 512, 128>}, {pipeline_mode = #tpu.pipeline_mode<synchronous>, transform_indices = @transform_1, window_bounds = array<i64: 128, 128>}, {transform_indices = @transform_2, window_bounds = array<i64: 2, 512, 8>}, {transform_indices = @transform_3, window_bounds = array<i64: 512, 128>}]} {
    %get3A = arith.constant 0 : index
    %get3A_0 = arith.constant 0 : index
    %get3A_1 = arith.constant 0 : index
    %get3A_2 = vector.load %arg3[%get3A, %get3A_0, %get3A_1] : memref<2x512x8xf32, #tpu.memory_space<vmem>>, vector<1x512x1xf32>
    %get3A_3 = vector.shape_cast %get3A_2 : vector<1x512x1xf32> to vector<512x1xf32>
    %get3A_4 = arith.constant 1 : index
    %get3A_5 = arith.constant 0 : index
    %get3A_6 = arith.constant 0 : index
    %get3A_7 = vector.load %arg3[%get3A_4, %get3A_5, %get3A_6] : memref<2x512x8xf32, #tpu.memory_space<vmem>>, vector<1x512x1xf32>
    %get3A_8 = vector.shape_cast %get3A_7 : vector<1x512x1xf32> to vector<512x1xf32>
    %add3A = arith.addf %get3A_3, %get3A_8 : vector<512x1xf32>
    %add3A_9 = arith.constant 1.000000e+00 : f32
    %add3A_10 = vector.broadcast %add3A_9 : f32 to vector<512x1xf32>
    %add3A_11 = arith.addf %add3A, %add3A_10 : vector<512x1xf32>
    %rsqrt3A = math.rsqrt %add3A_11 : vector<512x1xf32>
    %get3A_12 = arith.constant 0 : index
    %get3A_13 = arith.constant 0 : index
    %get3A_14 = vector.load %arg1[%get3A_12, %get3A_13] : memref<512x128xf32, #tpu.memory_space<vmem>>, vector<512x128xf32>
    %get3A_15 = arith.constant 0 : index
    %get3A_16 = arith.constant 0 : index
    %get3A_17 = vector.load %arg2[%get3A_15, %get3A_16] : memref<128x128xf32, #tpu.memory_space<vmem>>, vector<128x128xf32>
    %dot_general3A = arith.constant dense<0.000000e+00> : vector<512x128xf32>
    %dot_general3A_18 = tpu.matmul %get3A_14, %get3A_17, %dot_general3A {dimension_numbers = #tpu.dot_dimension_numbers<[1], [0], [0], [1], [0, 0, 1, 1], [], []>, transpose_lhs_hint = false} : vector<512x128xf32>, vector<128x128xf32>, vector<512x128xf32> -> vector<512x128xf32>
    %mul3A = vector.broadcast %rsqrt3A : vector<512x1xf32> to vector<512x128xf32>
    %mul3A_19 = arith.mulf %dot_general3A_18, %mul3A : vector<512x128xf32>
    %swap3A = arith.constant 0 : index
    %swap3A_20 = arith.constant 0 : index
    %swap3A_21 = vector.load %arg4[%swap3A, %swap3A_20] : memref<512x128xf32, #tpu.memory_space<vmem>>, vector<512x128xf32>
    tpu.vector_store %arg4[%swap3A, %swap3A_20], %mul3A_19 {strides = array<i32>} : memref<512x128xf32, #tpu.memory_space<vmem>>, vector<512x128xf32>,
    return
  }
  func.func @transform_0(%arg0: i32) -> (i32, i32) {
    %c0_i32 = arith.constant 0 : i32
    %c0_i32_0 = arith.constant 0 : i32
    return %arg0, %c0_i32 : i32, i32
  }
  func.func @transform_1(%arg0: i32) -> (i32, i32) {
    %c0_i32 = arith.constant 0 : i32
    %c0_i32_0 = arith.constant 0 : i32
    %c0_i32_1 = arith.constant 0 : i32
    return %c0_i32, %c0_i32_0 : i32, i32
  }
  func.func @transform_2(%arg0: i32) -> (i32, i32, i32) {
    %c0_i32 = arith.constant 0 : i32
    %c0_i32_0 = arith.constant 0 : i32
    %c0_i32_1 = arith.constant 0 : i32
    return %c0_i32, %arg0, %c0_i32_0 : i32, i32, i32
  }
  func.func @transform_3(%arg0: i32) -> (i32, i32) {
    %c0_i32 = arith.constant 0 : i32
    %c0_i32_0 = arith.constant 0 : i32
    return %arg0, %c0_i32 : i32, i32
  }
}

module attributes {stable_mosaic.version = 14 : i64} {
  func.func @body(%arg0: i32, %arg1: memref<512x128xf32, #tpu.memory_space<vmem>>, %arg2: memref<512x128xf32, #tpu.memory_space<vmem>>, %arg3: memref<2x512x8xf32, #tpu.memory_space<vmem>>, %arg4: memref<128xf32, #tpu.memory_space<vmem>>, %arg5: memref<128xf32, #tpu.memory_space<vmem>>, %arg6: memref<128xf32, #tpu.memory_space<vmem>>, %arg7: memref<128x128xf32, #tpu.memory_space<vmem>>, %arg8: memref<512x128xf32, #tpu.memory_space<vmem>>) attributes {dimension_semantics = [#tpu.dimension_semantics<arbitrary>], iteration_bounds = array<i64: 20>, scalar_prefetch = 0 : i64, scratch_operands = 0 : i64, tpu.core_type = #tpu.core_type<tc>, window_params = [{transform_indices = @transform_0, window_bounds = array<i64: 512, 128>}, {transform_indices = @transform_1, window_bounds = array<i64: 512, 128>}, {transform_indices = @transform_2, window_bounds = array<i64: 2, 512, 8>}, {pipeline_mode = #tpu.pipeline_mode<synchronous>, transform_indices = @transform_3, window_bounds = array<i64: 128>}, {pipeline_mode = #tpu.pipeline_mode<synchronous>, transform_indices = @transform_4, window_bounds = array<i64: 128>}, {pipeline_mode = #tpu.pipeline_mode<synchronous>, transform_indices = @transform_5, window_bounds = array<i64: 128>}, {pipeline_mode = #tpu.pipeline_mode<synchronous>, transform_indices = @transform_6, window_bounds = array<i64: 128, 128>}, {transform_indices = @transform_7, window_bounds = array<i64: 512, 128>}]} {
    %get3A = arith.constant 0 : index
    %get3A_0 = arith.constant 0 : index
    %get3A_1 = arith.constant 0 : index
    %get3A_2 = vector.load %arg3[%get3A, %get3A_0, %get3A_1] : memref<2x512x8xf32, #tpu.memory_space<vmem>>, vector<1x512x1xf32>
    %get3A_3 = vector.shape_cast %get3A_2 : vector<1x512x1xf32> to vector<512x1xf32>
    %get3A_4 = arith.constant 1 : index
    %get3A_5 = arith.constant 0 : index
    %get3A_6 = arith.constant 0 : index
    %get3A_7 = vector.load %arg3[%get3A_4, %get3A_5, %get3A_6] : memref<2x512x8xf32, #tpu.memory_space<vmem>>, vector<1x512x1xf32>
    %get3A_8 = vector.shape_cast %get3A_7 : vector<1x512x1xf32> to vector<512x1xf32>
    %add3A = arith.addf %get3A_3, %get3A_8 : vector<512x1xf32>
    %add3A_9 = arith.constant 1.000000e+00 : f32
    %add3A_10 = vector.broadcast %add3A_9 : f32 to vector<512x1xf32>
    %add3A_11 = arith.addf %add3A, %add3A_10 : vector<512x1xf32>
    %rsqrt3A = math.rsqrt %add3A_11 : vector<512x1xf32>
    %get3A_12 = arith.constant 0 : index
    %get3A_13 = arith.constant 0 : index
    %get3A_14 = vector.load %arg1[%get3A_12, %get3A_13] : memref<512x128xf32, #tpu.memory_space<vmem>>, vector<512x128xf32>
    %get3A_15 = arith.constant 0 : index
    %get3A_16 = arith.constant 0 : index
    %get3A_17 = vector.load %arg2[%get3A_15, %get3A_16] : memref<512x128xf32, #tpu.memory_space<vmem>>, vector<512x128xf32>
    %add3A_18 = arith.addf %get3A_14, %get3A_17 : vector<512x128xf32>
    %mul3A = vector.broadcast %rsqrt3A : vector<512x1xf32> to vector<512x128xf32>
    %mul3A_19 = arith.mulf %mul3A, %add3A_18 : vector<512x128xf32>
    %get3A_20 = arith.constant 0 : index
    %get3A_21 = vector.load %arg4[%get3A_20] : memref<128xf32, #tpu.memory_space<vmem>>, vector<128xf32>
    %broadcast_in_dim3A = vector.shape_cast %get3A_21 : vector<128xf32> to vector<1x128xf32>
    %add3A_22 = vector.broadcast %broadcast_in_dim3A : vector<1x128xf32> to vector<512x128xf32>
    %add3A_23 = arith.addf %mul3A_19, %add3A_22 : vector<512x128xf32>
    %get3A_24 = arith.constant 0 : index
    %get3A_25 = vector.load %arg5[%get3A_24] : memref<128xf32, #tpu.memory_space<vmem>>, vector<128xf32>
    %mul3A_26 = arith.constant 0.999994993 : f32
    %mul3A_27 = vector.broadcast %mul3A_26 : f32 to vector<128xf32>
    %mul3A_28 = arith.mulf %get3A_25, %mul3A_27 : vector<128xf32>
    %broadcast_in_dim3A_29 = vector.shape_cast %mul3A_28 : vector<128xf32> to vector<1x128xf32>
    %mul3A_30 = vector.broadcast %broadcast_in_dim3A_29 : vector<1x128xf32> to vector<512x128xf32>
    %mul3A_31 = arith.mulf %add3A_23, %mul3A_30 : vector<512x128xf32>
    %get3A_32 = arith.constant 0 : index
    %get3A_33 = vector.load %arg6[%get3A_32] : memref<128xf32, #tpu.memory_space<vmem>>, vector<128xf32>
    %broadcast_in_dim3A_34 = vector.shape_cast %get3A_33 : vector<128xf32> to vector<1x128xf32>
    %add3A_35 = vector.broadcast %broadcast_in_dim3A_34 : vector<1x128xf32> to vector<512x128xf32>
    %add3A_36 = arith.addf %mul3A_31, %add3A_35 : vector<512x128xf32>
    %max3A = arith.constant 0.000000e+00 : f32
    %max3A_37 = vector.broadcast %max3A : f32 to vector<512x128xf32>
    %max3A_38 = arith.maximumf %add3A_36, %max3A_37 : vector<512x128xf32>
    %get3A_39 = arith.constant 0 : index
    %get3A_40 = arith.constant 0 : index
    %get3A_41 = vector.load %arg7[%get3A_39, %get3A_40] : memref<128x128xf32, #tpu.memory_space<vmem>>, vector<128x128xf32>
    %dot_general3A = arith.constant dense<0.000000e+00> : vector<512x128xf32>
    %dot_general3A_42 = tpu.matmul %max3A_38, %get3A_41, %dot_general3A {dimension_numbers = #tpu.dot_dimension_numbers<[1], [0], [0], [1], [0, 0, 1, 1], [], []>, transpose_lhs_hint = false} : vector<512x128xf32>, vector<128x128xf32>, vector<512x128xf32> -> vector<512x128xf32>
    %mul3A_43 = vector.broadcast %rsqrt3A : vector<512x1xf32> to vector<512x128xf32>
    %mul3A_44 = arith.mulf %dot_general3A_42, %mul3A_43 : vector<512x128xf32>
    %swap3A = arith.constant 0 : index
    %swap3A_45 = arith.constant 0 : index
    %swap3A_46 = vector.load %arg8[%swap3A, %swap3A_45] : memref<512x128xf32, #tpu.memory_space<vmem>>, vector<512x128xf32>
    tpu.vector_store %arg8[%swap3A, %swap3A_45], %mul3A_44 {strides = array<i32>} : memref<512x128xf32, #tpu.memory_space<vmem>>, vector<512x128xf32>,
    return
  }
  func.func @transform_0(%arg0: i32) -> (i32, i32) {
    %c0_i32 = arith.constant 0 : i32
    %c0_i32_0 = arith.constant 0 : i32
    return %arg0, %c0_i32 : i32, i32
  }
  func.func @transform_1(%arg0: i32) -> (i32, i32) {
    %c0_i32 = arith.constant 0 : i32
    %c0_i32_0 = arith.constant 0 : i32
    return %arg0, %c0_i32 : i32, i32
  }
  func.func @transform_2(%arg0: i32) -> (i32, i32, i32) {
    %c0_i32 = arith.constant 0 : i32
    %c0_i32_0 = arith.constant 0 : i32
    %c0_i32_1 = arith.constant 0 : i32
    return %c0_i32, %arg0, %c0_i32_0 : i32, i32, i32
  }
  func.func @transform_3(%arg0: i32) -> i32 {
    %c0_i32 = arith.constant 0 : i32
    %c0_i32_0 = arith.constant 0 : i32
    return %c0_i32 : i32
  }
  func.func @transform_4(%arg0: i32) -> i32 {
    %c0_i32 = arith.constant 0 : i32
    %c0_i32_0 = arith.constant 0 : i32
    return %c0_i32 : i32
  }
  func.func @transform_5(%arg0: i32) -> i32 {
    %c0_i32 = arith.constant 0 : i32
    %c0_i32_0 = arith.constant 0 : i32
    return %c0_i32 : i32
  }
  func.func @transform_6(%arg0: i32) -> (i32, i32) {
    %c0_i32 = arith.constant 0 : i32
    %c0_i32_0 = arith.constant 0 : i32
    %c0_i32_1 = arith.constant 0 : i32
    return %c0_i32, %c0_i32_0 : i32, i32
  }
  func.func @transform_7(%arg0: i32) -> (i32, i32) {
    %c0_i32 = arith.constant 0 : i32
    %c0_i32_0 = arith.constant 0 : i32
    return %arg0, %c0_i32 : i32, i32
  }
}

module attributes {stable_mosaic.version = 14 : i64} {
  func.func @body(%arg0: i32, %arg1: memref<512x128xf32, #tpu.memory_space<vmem>>, %arg2: memref<512x128xf32, #tpu.memory_space<vmem>>, %arg3: memref<2x512x8xf32, #tpu.memory_space<vmem>>, %arg4: memref<128xf32, #tpu.memory_space<vmem>>, %arg5: memref<128xf32, #tpu.memory_space<vmem>>, %arg6: memref<128xf32, #tpu.memory_space<vmem>>, %arg7: memref<128x64xf32, #tpu.memory_space<vmem>>, %arg8: memref<512x64xf32, #tpu.memory_space<vmem>>) attributes {dimension_semantics = [#tpu.dimension_semantics<arbitrary>], iteration_bounds = array<i64: 20>, scalar_prefetch = 0 : i64, scratch_operands = 0 : i64, tpu.core_type = #tpu.core_type<tc>, window_params = [{transform_indices = @transform_0, window_bounds = array<i64: 512, 128>}, {transform_indices = @transform_1, window_bounds = array<i64: 512, 128>}, {transform_indices = @transform_2, window_bounds = array<i64: 2, 512, 8>}, {pipeline_mode = #tpu.pipeline_mode<synchronous>, transform_indices = @transform_3, window_bounds = array<i64: 128>}, {pipeline_mode = #tpu.pipeline_mode<synchronous>, transform_indices = @transform_4, window_bounds = array<i64: 128>}, {pipeline_mode = #tpu.pipeline_mode<synchronous>, transform_indices = @transform_5, window_bounds = array<i64: 128>}, {pipeline_mode = #tpu.pipeline_mode<synchronous>, transform_indices = @transform_6, window_bounds = array<i64: 128, 64>}, {transform_indices = @transform_7, window_bounds = array<i64: 512, 64>}]} {
    %get3A = arith.constant 0 : index
    %get3A_0 = arith.constant 0 : index
    %get3A_1 = arith.constant 0 : index
    %get3A_2 = vector.load %arg3[%get3A, %get3A_0, %get3A_1] : memref<2x512x8xf32, #tpu.memory_space<vmem>>, vector<1x512x1xf32>
    %get3A_3 = vector.shape_cast %get3A_2 : vector<1x512x1xf32> to vector<512x1xf32>
    %get3A_4 = arith.constant 1 : index
    %get3A_5 = arith.constant 0 : index
    %get3A_6 = arith.constant 0 : index
    %get3A_7 = vector.load %arg3[%get3A_4, %get3A_5, %get3A_6] : memref<2x512x8xf32, #tpu.memory_space<vmem>>, vector<1x512x1xf32>
    %get3A_8 = vector.shape_cast %get3A_7 : vector<1x512x1xf32> to vector<512x1xf32>
    %add3A = arith.addf %get3A_3, %get3A_8 : vector<512x1xf32>
    %add3A_9 = arith.constant 1.000000e+00 : f32
    %add3A_10 = vector.broadcast %add3A_9 : f32 to vector<512x1xf32>
    %add3A_11 = arith.addf %add3A, %add3A_10 : vector<512x1xf32>
    %rsqrt3A = math.rsqrt %add3A_11 : vector<512x1xf32>
    %get3A_12 = arith.constant 0 : index
    %get3A_13 = arith.constant 0 : index
    %get3A_14 = vector.load %arg1[%get3A_12, %get3A_13] : memref<512x128xf32, #tpu.memory_space<vmem>>, vector<512x128xf32>
    %get3A_15 = arith.constant 0 : index
    %get3A_16 = arith.constant 0 : index
    %get3A_17 = vector.load %arg2[%get3A_15, %get3A_16] : memref<512x128xf32, #tpu.memory_space<vmem>>, vector<512x128xf32>
    %add3A_18 = arith.addf %get3A_14, %get3A_17 : vector<512x128xf32>
    %mul3A = vector.broadcast %rsqrt3A : vector<512x1xf32> to vector<512x128xf32>
    %mul3A_19 = arith.mulf %mul3A, %add3A_18 : vector<512x128xf32>
    %get3A_20 = arith.constant 0 : index
    %get3A_21 = vector.load %arg4[%get3A_20] : memref<128xf32, #tpu.memory_space<vmem>>, vector<128xf32>
    %broadcast_in_dim3A = vector.shape_cast %get3A_21 : vector<128xf32> to vector<1x128xf32>
    %add3A_22 = vector.broadcast %broadcast_in_dim3A : vector<1x128xf32> to vector<512x128xf32>
    %add3A_23 = arith.addf %mul3A_19, %add3A_22 : vector<512x128xf32>
    %get3A_24 = arith.constant 0 : index
    %get3A_25 = vector.load %arg5[%get3A_24] : memref<128xf32, #tpu.memory_space<vmem>>, vector<128xf32>
    %mul3A_26 = arith.constant 0.999994993 : f32
    %mul3A_27 = vector.broadcast %mul3A_26 : f32 to vector<128xf32>
    %mul3A_28 = arith.mulf %get3A_25, %mul3A_27 : vector<128xf32>
    %broadcast_in_dim3A_29 = vector.shape_cast %mul3A_28 : vector<128xf32> to vector<1x128xf32>
    %mul3A_30 = vector.broadcast %broadcast_in_dim3A_29 : vector<1x128xf32> to vector<512x128xf32>
    %mul3A_31 = arith.mulf %add3A_23, %mul3A_30 : vector<512x128xf32>
    %get3A_32 = arith.constant 0 : index
    %get3A_33 = vector.load %arg6[%get3A_32] : memref<128xf32, #tpu.memory_space<vmem>>, vector<128xf32>
    %broadcast_in_dim3A_34 = vector.shape_cast %get3A_33 : vector<128xf32> to vector<1x128xf32>
    %add3A_35 = vector.broadcast %broadcast_in_dim3A_34 : vector<1x128xf32> to vector<512x128xf32>
    %add3A_36 = arith.addf %mul3A_31, %add3A_35 : vector<512x128xf32>
    %max3A = arith.constant 0.000000e+00 : f32
    %max3A_37 = vector.broadcast %max3A : f32 to vector<512x128xf32>
    %max3A_38 = arith.maximumf %add3A_36, %max3A_37 : vector<512x128xf32>
    %get3A_39 = arith.constant 0 : index
    %get3A_40 = arith.constant 0 : index
    %get3A_41 = vector.load %arg7[%get3A_39, %get3A_40] : memref<128x64xf32, #tpu.memory_space<vmem>>, vector<128x64xf32>
    %dot_general3A = arith.constant dense<0.000000e+00> : vector<512x64xf32>
    %dot_general3A_42 = tpu.matmul %max3A_38, %get3A_41, %dot_general3A {dimension_numbers = #tpu.dot_dimension_numbers<[1], [0], [0], [1], [0, 0, 1, 1], [], []>, transpose_lhs_hint = false} : vector<512x128xf32>, vector<128x64xf32>, vector<512x64xf32> -> vector<512x64xf32>
    %mul3A_43 = vector.broadcast %rsqrt3A : vector<512x1xf32> to vector<512x64xf32>
    %mul3A_44 = arith.mulf %dot_general3A_42, %mul3A_43 : vector<512x64xf32>
    %swap3A = arith.constant 0 : index
    %swap3A_45 = arith.constant 0 : index
    %swap3A_46 = vector.load %arg8[%swap3A, %swap3A_45] : memref<512x64xf32, #tpu.memory_space<vmem>>, vector<512x64xf32>
    tpu.vector_store %arg8[%swap3A, %swap3A_45], %mul3A_44 {strides = array<i32>} : memref<512x64xf32, #tpu.memory_space<vmem>>, vector<512x64xf32>,
    return
  }
  func.func @transform_0(%arg0: i32) -> (i32, i32) {
    %c0_i32 = arith.constant 0 : i32
    %c0_i32_0 = arith.constant 0 : i32
    return %arg0, %c0_i32 : i32, i32
  }
  func.func @transform_1(%arg0: i32) -> (i32, i32) {
    %c0_i32 = arith.constant 0 : i32
    %c0_i32_0 = arith.constant 0 : i32
    return %arg0, %c0_i32 : i32, i32
  }
  func.func @transform_2(%arg0: i32) -> (i32, i32, i32) {
    %c0_i32 = arith.constant 0 : i32
    %c0_i32_0 = arith.constant 0 : i32
    %c0_i32_1 = arith.constant 0 : i32
    return %c0_i32, %arg0, %c0_i32_0 : i32, i32, i32
  }
  func.func @transform_3(%arg0: i32) -> i32 {
    %c0_i32 = arith.constant 0 : i32
    %c0_i32_0 = arith.constant 0 : i32
    return %c0_i32 : i32
  }
  func.func @transform_4(%arg0: i32) -> i32 {
    %c0_i32 = arith.constant 0 : i32
    %c0_i32_0 = arith.constant 0 : i32
    return %c0_i32 : i32
  }
  func.func @transform_5(%arg0: i32) -> i32 {
    %c0_i32 = arith.constant 0 : i32
    %c0_i32_0 = arith.constant 0 : i32
    return %c0_i32 : i32
  }
  func.func @transform_6(%arg0: i32) -> (i32, i32) {
    %c0_i32 = arith.constant 0 : i32
    %c0_i32_0 = arith.constant 0 : i32
    %c0_i32_1 = arith.constant 0 : i32
    return %c0_i32, %c0_i32_0 : i32, i32
  }
  func.func @transform_7(%arg0: i32) -> (i32, i32) {
    %c0_i32 = arith.constant 0 : i32
    %c0_i32_0 = arith.constant 0 : i32
    return %arg0, %c0_i32 : i32, i32
  }
}

module attributes {stable_mosaic.version = 14 : i64} {
  func.func @body(%arg0: i32, %arg1: memref<400x64xf32, #tpu.memory_space<vmem>>, %arg2: memref<400x64xf32, #tpu.memory_space<vmem>>, %arg3: memref<2x400x8xf32, #tpu.memory_space<vmem>>, %arg4: memref<64xf32, #tpu.memory_space<vmem>>, %arg5: memref<400x64xf32, #tpu.memory_space<vmem>>) attributes {dimension_semantics = [#tpu.dimension_semantics<arbitrary>], iteration_bounds = array<i64: 25>, scalar_prefetch = 0 : i64, scratch_operands = 0 : i64, tpu.core_type = #tpu.core_type<tc>, window_params = [{transform_indices = @transform_0, window_bounds = array<i64: 400, 64>}, {transform_indices = @transform_1, window_bounds = array<i64: 400, 64>}, {transform_indices = @transform_2, window_bounds = array<i64: 2, 400, 8>}, {pipeline_mode = #tpu.pipeline_mode<synchronous>, transform_indices = @transform_3, window_bounds = array<i64: 64>}, {transform_indices = @transform_4, window_bounds = array<i64: 400, 64>}]} {
    %get3A = arith.constant 0 : index
    %get3A_0 = arith.constant 0 : index
    %get3A_1 = arith.constant 0 : index
    %get3A_2 = vector.load %arg3[%get3A, %get3A_0, %get3A_1] : memref<2x400x8xf32, #tpu.memory_space<vmem>>, vector<1x400x1xf32>
    %get3A_3 = vector.shape_cast %get3A_2 : vector<1x400x1xf32> to vector<400x1xf32>
    %get3A_4 = arith.constant 1 : index
    %get3A_5 = arith.constant 0 : index
    %get3A_6 = arith.constant 0 : index
    %get3A_7 = vector.load %arg3[%get3A_4, %get3A_5, %get3A_6] : memref<2x400x8xf32, #tpu.memory_space<vmem>>, vector<1x400x1xf32>
    %get3A_8 = vector.shape_cast %get3A_7 : vector<1x400x1xf32> to vector<400x1xf32>
    %add3A = arith.addf %get3A_3, %get3A_8 : vector<400x1xf32>
    %add3A_9 = arith.constant 1.000000e+00 : f32
    %add3A_10 = vector.broadcast %add3A_9 : f32 to vector<400x1xf32>
    %add3A_11 = arith.addf %add3A, %add3A_10 : vector<400x1xf32>
    %rsqrt3A = math.rsqrt %add3A_11 : vector<400x1xf32>
    %get3A_12 = arith.constant 0 : index
    %get3A_13 = arith.constant 0 : index
    %get3A_14 = vector.load %arg1[%get3A_12, %get3A_13] : memref<400x64xf32, #tpu.memory_space<vmem>>, vector<400x64xf32>
    %get3A_15 = arith.constant 0 : index
    %get3A_16 = arith.constant 0 : index
    %get3A_17 = vector.load %arg2[%get3A_15, %get3A_16] : memref<400x64xf32, #tpu.memory_space<vmem>>, vector<400x64xf32>
    %add3A_18 = arith.addf %get3A_14, %get3A_17 : vector<400x64xf32>
    %mul3A = vector.broadcast %rsqrt3A : vector<400x1xf32> to vector<400x64xf32>
    %mul3A_19 = arith.mulf %mul3A, %add3A_18 : vector<400x64xf32>
    %get3A_20 = arith.constant 0 : index
    %get3A_21 = vector.load %arg4[%get3A_20] : memref<64xf32, #tpu.memory_space<vmem>>, vector<64xf32>
    %broadcast_in_dim3A = vector.shape_cast %get3A_21 : vector<64xf32> to vector<1x64xf32>
    %add3A_22 = vector.broadcast %broadcast_in_dim3A : vector<1x64xf32> to vector<400x64xf32>
    %add3A_23 = arith.addf %mul3A_19, %add3A_22 : vector<400x64xf32>
    %reduce_max3A = arith.constant dense<0xFF800000> : vector<400xf32>
    %reduce_max3A_24 = vector.multi_reduction <maximumf>, %add3A_23, %reduce_max3A [1] : vector<400x64xf32> to vector<400xf32>
    %broadcast_in_dim3A_25 = vector.shape_cast %reduce_max3A_24 : vector<400xf32> to vector<400x1xf32>
    %sub3A = vector.broadcast %broadcast_in_dim3A_25 : vector<400x1xf32> to vector<400x64xf32>
    %sub3A_26 = arith.subf %add3A_23, %sub3A : vector<400x64xf32>
    %exp3A = math.exp %sub3A_26 : vector<400x64xf32>
    %reduce_sum3A = arith.constant dense<0.000000e+00> : vector<400xf32>
    %reduce_sum3A_27 = vector.multi_reduction <add>, %exp3A, %reduce_sum3A [1] : vector<400x64xf32> to vector<400xf32>
    %broadcast_in_dim3A_28 = vector.shape_cast %reduce_sum3A_27 : vector<400xf32> to vector<400x1xf32>
    %log3A = math.log %broadcast_in_dim3A_28 : vector<400x1xf32>
    %sub3A_29 = vector.broadcast %log3A : vector<400x1xf32> to vector<400x64xf32>
    %sub3A_30 = arith.subf %sub3A_26, %sub3A_29 : vector<400x64xf32>
    %swap3A = arith.constant 0 : index
    %swap3A_31 = arith.constant 0 : index
    %swap3A_32 = vector.load %arg5[%swap3A, %swap3A_31] : memref<400x64xf32, #tpu.memory_space<vmem>>, vector<400x64xf32>
    tpu.vector_store %arg5[%swap3A, %swap3A_31], %sub3A_30 {strides = array<i32>} : memref<400x64xf32, #tpu.memory_space<vmem>>, vector<400x64xf32>,
    return
  }
  func.func @transform_0(%arg0: i32) -> (i32, i32) {
    %c0_i32 = arith.constant 0 : i32
    %c0_i32_0 = arith.constant 0 : i32
    return %arg0, %c0_i32 : i32, i32
  }
  func.func @transform_1(%arg0: i32) -> (i32, i32) {
    %c0_i32 = arith.constant 0 : i32
    %c0_i32_0 = arith.constant 0 : i32
    return %arg0, %c0_i32 : i32, i32
  }
  func.func @transform_2(%arg0: i32) -> (i32, i32, i32) {
    %c0_i32 = arith.constant 0 : i32
    %c0_i32_0 = arith.constant 0 : i32
    %c0_i32_1 = arith.constant 0 : i32
    return %c0_i32, %arg0, %c0_i32_0 : i32, i32, i32
  }
  func.func @transform_3(%arg0: i32) -> i32 {
    %c0_i32 = arith.constant 0 : i32
    %c0_i32_0 = arith.constant 0 : i32
    return %c0_i32 : i32
  }
  func.func @transform_4(%arg0: i32) -> (i32, i32) {
    %c0_i32 = arith.constant 0 : i32
    %c0_i32_0 = arith.constant 0 : i32
    return %arg0, %c0_i32 : i32, i32
  }
}

</mosaic_0001>

<sc_bundles>
// kernel: kernel.10.cloned.1.call-start
scs
__scs_entry_jumppad:
0x0: {  	(pc) =	sbr.rel $0x88, $3  }
0x1: {  	(tag) =	ssettag $0x0;
	lr =	simm.s32 $0x1  }
0x2: {  	[smem:$0x3F95] =	sst lr;
	_ =	strace $0xD0000000  }
0x3: {  	_ = 	snop  }
0x4: {  	_ = 	snop  }
0x5: {  	_ = 	snop  }
0x6: {  	_ = 	snop  }
0x7: {  	_ = 	snop  }
__scs_overlays_trampoline_lowered:
0x8: {  	[smem:$0x3FA4] =	sst s0  }
0x9: {  	[smem:$0x3FA5] =	sst s1  }
0xa: {  	[smem:$0x3FA6] =	sst s2  }
0xb: {  	[smem:$0x3FA7] =	sst s3  }
0xc: {  	[smem:$0x3FA8] =	sst s4  }
0xd: {  	[smem:$0x3FA9] =	sst s5  }
0xe: {  	[smem:$0x3FAA] =	sst s6  }
0xf: {  	[smem:$0x3FAB] =	sst s7  }
0x10: {  	[smem:$0x3FAC] =	sst s8  }
0x11: {  	[smem:$0x3FAD] =	sst s9;
	s0 =	simm.s32 @!p0 $0x0  }
0x12: {  	s1 =	sld [smem:$0x3F93];
	s0 =	simm.s32 @p0 $0x1  }
0x13: {  	[smem:$0x3FAE] =	sst s0;
	s0 =	simm.s32 @!p1 $0x0  }
0x14: {  	s2 =	sld [smem:$0x3F92];
	s0 =	simm.s32 @p1 $0x1  }
0x15: {  	[smem:$0x3FAF] =	sst s0;
	s0 =	simm.s32 @!p2 $0x0  }
0x16: {  	s3 =	sld [smem:$0x3FDB];
	s0 =	simm.s32 @p2 $0x1  }
0x17: {  	s4 =	simm.s32 $0x1BF5;
	[smem:$0x3FB1] =	sst s0  }
0x18: {  	s0 =	sld [smem:$0x3F94];
	_ =	swait.ge [sflag:s4], $0x0  }
0x19: {  	s7 =	sld [smem:$0x3F95]  }
0x1a: {  	s8 =	sadd.s32 $0xFFFFE003, lr  }
0x1b: {  	s9 =	sadd.s32 $0xFFFFFEF7, lr;
	s5 =	simm.s32 $0xFFFFFFFF;
	p2 =	slt.u32 s8, $0xFFFFF086  }
0x1c: {  	p1 =	slt.u32 s9, $0xF7A;
	s5 =	simm.s32 @!p2 $0x0  }
0x1d: {  	s5 =	simm.s32 @p1 $0x1;
	p0 =	seq.s32 s7, s2  }
0x1e: {  	s7 =	smul.u32 @!p0 $0xF7A, s2;
	p2 =	seq.s32 @!p0 s5, $0x0  }
0x1f: {  	s9 =	smul.u32 $0xF7A, s1;
	s8 =	simm.s32 @!p0 $0x1BF5;
	p2 =	por !p2, p0  }
0x20: {  	[sflag:s8] =	ssyncset.s32 @!p0 $0xFFFFF086;
	s6 =	sadd.s32 @!p0 s3, s7;
	s7 =	simm.s32 @!p0 $0x108  }
0x21: {  	s3 =	sadd.s32 s3, s9;
	s6 =	sadd.s32 @!p0 $0x88, s6;
	s7 =	simm.s32 @p2 $0x1082  }
0x22: {  	[simem:s7], [sflag:s8] =	dma.local @!p0 [hbm:s6], $0xF7A  }
0x23: {  	s9 =	sor.u32 $0xD0000000, s2;
	s6 =	simm.s32 $0x108;
	_ =	swait.ge @!p0 [sflag:s8], $0x0  }
0x24: {  	s3 =	sadd.s32 $0x88, s3;
	s6 =	simm.s32 @!p1 $0x1082;
	[sflag:s4] =	ssyncset.s32 $0xFFFFF086  }
0x25: {  	[simem:s6], [sflag:s4] =	dma.local [hbm:s3], $0xF7A  }
0x26: {  	[smem:$0x3F95] =	sst s1;
	(tag) =	ssettag s2;
	_ =	strace s9  }
0x27: {  	s1 =	sld [smem:$0x3FA5]  }
0x28: {  	s2 =	sld [smem:$0x3FA6]  }
0x29: {  	s4 =	sld [smem:$0x3FA8]  }
0x2a: {  	p0 =	seq.s32 s5, $0x0;
	s5 =	sld [smem:$0x3FA9]  }
0x2b: {  	s6 =	sld [smem:$0x3FAA]  }
0x2c: {  	s7 =	sld [smem:$0x3FAB]  }
0x2d: {  	s3 =	simm.s32 $0x108;
	s8 =	sld [smem:$0x3FAC]  }
0x2e: {  	s3 =	simm.s32 @!p0 $0x1082;
	s9 =	sld [smem:$0x3FAD]  }
0x2f: {  	lr =	sadd.s32 s0, s3;
	s0 =	sld [smem:$0x3FA4]  }
0x30: {  	s3 =	sld [smem:$0x3FA7]  }
0x31: {  	[smem:$0x3FB0] =	sst s10  }
0x32: {  	s10 =	sld [smem:$0x3FAE];
	_ =	sdelay $0x3  }
0x33: {  	p0 =	seq.s32 s10, $0x1;
	s10 =	sld [smem:$0x3FB0];
	_ =	sdelay $0x3  }
0x34: {  	[smem:$0x3FB0] =	sst s10  }
0x35: {  	s10 =	sld [smem:$0x3FAF];
	_ =	sdelay $0x3  }
0x36: {  	p1 =	seq.s32 s10, $0x1;
	s10 =	sld [smem:$0x3FB0];
	_ =	sdelay $0x3  }
0x37: {  	[smem:$0x3FB0] =	sst s10  }
0x38: {  	s10 =	sld [smem:$0x3FB1]  }
0x39: {  	_ = 	snop;
	(pc) =	sbr.ind lr, $3  }
0x3a: {  	_ = 	snop  }
0x3b: {  	_ = 	snop  }
0x3c: {  	p2 =	seq.s32 s10, $0x1;
	s10 =	sld [smem:$0x3FB0]  }
0x3d: {  	_ =	shalt  }
0x3e: {  	_ =	shalt  }
0x3f: {  	_ =	shalt  }
0x40: {  	_ =	shalt  }
0x41: {  	_ =	shalt  }
0x42: {  	_ =	shalt  }
0x43: {  	_ =	shalt  }
0x44: {  	_ =	shalt  }
0x45: {  	_ =	shalt  }
0x46: {  	_ =	shalt  }
0x47: {  	_ =	shalt  }
0x48: {  	_ =	shalt  }
0x49: {  	_ =	shalt  }
0x4a: {  	_ =	shalt  }
0x4b: {  	_ =	shalt  }
0x4c: {  	_ =	shalt  }
0x4d: {  	_ =	shalt  }
0x4e: {  	_ =	shalt  }
0x4f: {  	_ =	shalt  }
0x50: {  	_ =	shalt  }
0x51: {  	_ =	shalt  }
0x52: {  	_ =	shalt  }
0x53: {  	_ =	shalt  }
0x54: {  	_ =	shalt  }
0x55: {  	_ =	shalt  }
0x56: {  	_ =	shalt  }
0x57: {  	_ =	shalt  }
0x58: {  	_ =	shalt  }
0x59: {  	_ =	shalt  }
0x5a: {  	_ =	shalt  }
0x5b: {  	_ =	shalt  }
0x5c: {  	_ =	shalt  }
0x5d: {  	_ =	shalt  }
0x5e: {  	_ =	shalt  }
0x5f: {  	_ =	shalt  }
0x60: {  	_ =	shalt  }
0x61: {  	_ =	shalt  }
0x62: {  	_ =	shalt  }
0x63: {  	_ =	shalt  }
0x64: {  	_ =	shalt  }
0x65: {  	_ =	shalt  }
0x66: {  	_ =	shalt  }
0x67: {  	_ =	shalt  }
0x68: {  	_ =	shalt  }
0x69: {  	_ =	shalt  }
0x6a: {  	_ =	shalt  }
0x6b: {  	_ =	shalt  }
0x6c: {  	_ =	shalt  }
0x6d: {  	_ =	shalt  }
0x6e: {  	_ =	shalt  }
0x6f: {  	_ =	shalt  }
0x70: {  	_ =	shalt  }
0x71: {  	_ =	shalt  }
0x72: {  	_ =	shalt  }
0x73: {  	_ =	shalt  }
0x74: {  	_ =	shalt  }
0x75: {  	_ =	shalt  }
0x76: {  	_ =	shalt  }
0x77: {  	_ =	shalt  }
0x78: {  	_ =	shalt  }
0x79: {  	_ =	shalt  }
0x7a: {  	_ =	shalt  }
0x7b: {  	_ =	shalt  }
0x7c: {  	_ =	shalt  }
0x7d: {  	_ =	shalt  }
0x7e: {  	_ =	shalt  }
0x7f: {  	_ =	shalt  }
0x80: {  	_ =	shalt  }
0x81: {  	_ =	shalt  }
0x82: {  	_ =	shalt  }
0x83: {  	_ =	shalt  }
0x84: {  	_ =	shalt  }
0x85: {  	_ =	shalt  }
0x86: {  	_ =	shalt  }
0x87: {  	_ =	shalt  }
.Lfunc_end0:
.L_simem_size_0:
called_computation_lowered:
.L_overlay_start_0:
0x88: {  	s2 =	sld [smem:$0x3FD9]  }
0x89: {  	s3 =	sld [smem:$0x3FFE];
	_ =	sdelay $0x1  }
0x8a: {  	s1 =	srdreg.scid  }
0x8b: {  	s0 =	sand.u32 $0x1, s1  }
0x8c: {  	s17 =	sshll.u32 s0, $0xA;
	s2 =	sadd.s32 s3, s2  }
0x8d: {  	s2 =	sadd.s32 s2, s17  }
0x8e: {  	[smem:$0x3FBC] =	sst s2  }
0x8f: {  	_ = 	snop  }
0x90: {  	s2 =	sld [smem:$0x3FD0];
	(tm) =	ssettm $0x1  }
0x91: {  	s18 =	sld [smem:$0x3FFB];
	_ =	sdelay $0x3  }
0x92: {  	_ =	strace s18  }
0x93: {  	s3 =	sld [smem:$0x3FFC];
	_ =	sdelay $0x3  }
0x94: {  	_ =	strace s3  }
0x95: {  	s3 =	sld [smem:$0x3FFD];
	_ =	sdelay $0x3  }
0x96: {  	_ =	strace s3  }
0x97: {  	_ =	strace $0x8FFFFFFF  }
0x98: {  	s19 =	sld [smem:$0x3FDB];
	_ =	sdelay $0x1  }
0x99: {  	s4 =	simm.s32 $_scs_section_size  }
0x9a: {  	s5 =	simm.s32 $_size__tile_overlayer_lowered;
	s6 =	simm.s32 $_tile_overlayer_lowered  }
0x9b: {  	s22 =	simm.s32 $0x1BFF;
	s21 =	sshll.u32 s6, $0x1;
	s3 =	sadd.s32 s4, s19  }
0x9c: {  	s7 =	simm.s32 $0x0;
	s20 =	sshll.u32 s5, $0x1;
	s5 =	sadd.s32 s21, s3  }
0x9d: {  	[timem:s7], [sflag:s22] =	dma.local [hbm:s5], s20  }
0x9e: {  	_ =	swait.ge [sflag:s22], s20  }
0x9f: {  	s4 =	ssub.s32 $0x0, s20;
	[sflag:s22] =	ssyncset.done $0x0  }
0xa0: {  	[sflag:s22] =	ssyncadd.s32 s4;
	_ =	sdelay $0x1  }
0xa1: {  	s23 =	simm.s32 $0x1B8B  }
0xa2: {  	_ =	swait.ge [sflag:s23], $0x1  }
0xa3: {  	[sflag:s23] =	ssyncset.done $0x0  }
0xa4: {  	s25 =	simm.s32 $0x1B8E;
	s24 =	sld [smem:$0x3FFE];
	[sflag:s23] =	ssyncadd.s32 $0xFFFFFFFF  }
0xa5: {  	s26 =	simm.s32 $execute0_lowered;
	[smem:$0x3FD2] =	sst s25  }
0xa6: {  	s5 =	sshll.u32 s26, $0x1;
	_ =	strace $0x80000046;
	[dreg:$0x1] =	wrdreg $0xFFFFFFFF  }
0xa7: {  	s28 =	simm.s32 $_size_execute0_lowered;
	s3 =	sadd.s32 s3, s5;
	[dreg:$0x0] =	wrdreg $0x0  }
0xa8: {  	s5 =	sshll.u32 s28, $0x1;
	[dreg:$0x2] =	wrdreg s3  }
0xa9: {  	[dreg:$0x3] =	wrdreg s5  }
0xaa: {  	[dreg:$0x4] =	wrdreg $0xC0  }
0xab: {  	_ =	task [dreg:s7], $0x5FFFF  }
0xac: {  	[dreg:$0x1] =	wrdreg $0xFFFFFFFF  }
0xad: {  	[dreg:$0x0] =	wrdreg $0x60  }
0xae: {  	[dreg:$0x2] =	wrdreg s2  }
0xaf: {  	[dreg:$0x3] =	wrdreg s24  }
0xb0: {  	[dreg:$0x4] =	wrdreg $0x0  }
0xb1: {  	[dreg:$0x5] =	wrdreg $0x9  }
0xb2: {  	_ =	task.clear_ibuf [dreg:s7], $0x6FFFF;
	_ =	strace $0x90000046  }
0xb3: {  	s29 =	simm.s32 $0x9;
	_ =	strace $0x80000048  }
0xb4: {  	_ =	swait.ge [sflag:s29], $0x1  }
0xb5: {  	[sflag:s29] =	ssyncadd.s32 $0xFFFFFFFF  }
0xb6: {  	_ =	strace $0x90000048  }
0xb7: {  	_ =	sfence  }
0xb8: {  	s30 =	sld [smem:$0x0];
	_ =	sdelay $0x2  }
0xb9: {  	s31 =	sshll.u32 s1, $0xD;
	s1 =	sshrl.u32 s1, $0x2  }
0xba: {  	s3 =	sand.u32 $0x4000, s31;
	s1 =	sadd.s32 s1, s30  }
0xbb: {  	s0 =	sor.u32 s3, s0;
	s1 =	sshll.u32 s1, $0x11  }
0xbc: {  	s0 =	sor.u32 s1, s0  }
0xbd: {  	s0 =	sadd.s32 $0x8F2B, s0  }
0xbe: {  	[sflag:s0] =	ssyncadd.remote.s32 $0x1  }
0xbf: {  	_ =	sfence.sel $0xFFFF  }
0xc0: {  	[dreg:$0x0] =	wrdreg $0xFFFFFFFF;
	(pc) =	sbr.abs _section_cstart, $3  }
0xc1: {  	[dreg:$0x1] =	wrdreg $0xFFFFFFFF  }
0xc2: {  	_ =	task.clear_ibuf [dreg:s7], $0x2FFFF;
	_ =	strace $0x9FFFFFFF  }
0xc3: {  	(tm) =	ssettm $0x7FFFFFFF  }
tec
execute0_lowered:
.L_overlay_start_1:
0x0: {  	(tag) =	ssettag $0x1  }
0x1: {  	s7 =	rddreg [dreg:$0x0]  }
0x2: {  	s6 =	rddreg [dreg:$0x1]  }
0x3: {  	s1 =	rddreg [dreg:$0x2];
	s2 =	srdreg.scid  }
0x4: {  	s0 =	rddreg [dreg:$0x3];
	s3 =	simm.s32 $0x0;
	s14 =	simm.s32 $0x400  }
0x5: {  	s15 =	simm.s32 $0x15400;
	s16 =	simm.s32 $0x17B80;
	s17 =	simm.s32 $0x17C00  }
0x6: {  	s18 =	simm.s32 $0x5400;
	s19 =	simm.s32 $0x17C80;
	s20 =	simm.s32 $0x9400  }
0x7: {  	s21 =	simm.s32 $0x17D00;
	s22 =	simm.s32 $0xD400;
	s23 =	simm.s32 $0x17D80  }
0x8: {  	s24 =	simm.s32 $0x11400;
	s8 =	sand.u32 $0x1, s2;
	s2 =	stileid.u32  }
0x9: {  	s25 =	simm.s32 $0x0;
	[smem:$0x7FF] =	sst s3;
	s5 =	smul.u32 $0x14000, s8  }
0xa: {  	s4 =	sadd.s32 $0x4400, s6;
	s9 =	smul.u32 $0x1400, s2;
	_ =	strace $0x80000047  }
0xb: {  	s10 =	sshll.u32 s8, $0x4;
	s8 =	ssub.s32 $0x2, s8;
	s11 =	sshll.u32 s2, $0x7  }
0xc: {  	s13 =	smul.u32 $0x5000, s2;
	s31 =	sshll.u32 s2, $0x6;
	s10 =	sor.u32 s2, s10  }
0xd: {  	s12 =	sshrl.u32 s8, $0x1;
	s11 =	sand.u32 $0x380, s11;
	s9 =	sadd.s32 s9, s5  }
0xe: {  	s5 =	sadd.s32 $0xE400, s6;
	s10 =	sshrl.u32 s10, $0x3;
	s12 =	ssub.s32 s8, s12  }
0xf: {  	s30 =	sshrl.u32 s13, $0x2;
	s9 =	sshrl.u32 s9, $0x3;
	s10 =	smul.u32 $0x13C00, s10  }
0x10: {  	s13 =	sadd.s32 s30, s1;
	s9 =	sadd.s32 s9, s6;
	s6 =	sor.u32 $0x1C01, s31  }
0x11: {  	s29 =	sor.u32 s11, s10;
	s8 =	sadd.s32 $0x10C00, s9;
	s9 =	smax.u32 s12, $0x1  }
0x12: {  	s10 =	sshrl.u32 s13, $0x3;
	s12 =	simm.s32 $0x1400;
	s11 =	sshrl.u32 s29, $0x3  }
0x13: {  	v0 =	vimm.f32 $1.000000000e+00;
	s13 =	simm.s32 $0x80;
	s7 =	sadd.s32 s7, s11;
	s11 =	simm.s32 $0x1  }
.LBB2_1:
0x14: {  	[spmem:s10], [sflag:s6] =	dma.local [hbm:s5], $0x280  }
0x15: {  	_ =	swait.ge [sflag:s11], $0x280  }
0x16: {  	[sflag:s11] =	ssyncset.done $0x0  }
0x17: {  	[sflag:s11] =	ssyncadd.s32 $0xFFFFFD80  }
0x18: {  	[tilespmem:s12], [sflag:$0x1] =	stream.linear.gather [hbm4b:s5+s3], $0x14000, $0x38;
	[tilespmem:$0x17F80] =	vst v63  }
0x19: {  	_ =	swait.ge [sflag:s11], $0x14000  }
0x1a: {  	[sflag:s11] =	ssyncset.done $0x0  }
0x1b: {  	[sflag:s11] =	ssyncadd.s32 $0xFFFEC000  }
0x1c: {  	[tilespmem:s15], [sflag:$0x1] =	stream.strided.gather [hbm4b:s7+s13], $0x2780, s14, s13, $0x38;
	[tilespmem:$0x17F80] =	vst v63  }
0x1d: {  	_ =	swait.ge [sflag:s11], $0x2780  }
0x1e: {  	[sflag:s11] =	ssyncset.done $0x0  }
0x1f: {  	[sflag:s11] =	ssyncadd.s32 $0xFFFFD880  }
0x20: {  	[tilespmem:s16], [sflag:$0x1] =	stream.linear.gather [hbm4b:s4+s3], $0x280, $0x38;
	[tilespmem:$0x17F80] =	vst v63  }
0x21: {  	_ =	swait.ge [sflag:s11], $0x280  }
0x22: {  	[sflag:s11] =	ssyncset.done $0x0  }
0x23: {  	s28 =	simm.s32 $0x0;
	s26 =	simm.s32 $0x40;
	[sflag:s11] =	ssyncadd.s32 $0xFFFFFD80  }
.LBB2_2:
0x24: {  	p0 =	sne.s32 s26, $0x9CC0;
	v1 =	vld [tilespmem:s28+$0x15400];
	_ =	sdelay $0x4  }
0x25: {  	v1 =	vshrl.u32 v1, $0xB  }
0x26: {  	v1 =	vand.u32 $0x1FFFF8, v1  }
.Ltmp0:
0x27: {  	(pc) =	sbr.rel @p0 .LBB2_2-.Ltmp0, $2  }
0x28: {  	_ =	sdelay $0x2  }
0x29: {  	s28 =	sshra.s32 s26, $0x2;
	s26 =	sadd.s32 $0x40, s26;
	[tilespmem:v1+s12+$0x0] =	vst.idx.add.f32.msk $0xffff, v0  }
0x2a: {  	v1 =	vld [tilespmem:s28+$0x15400];
	_ =	sdelay $0x4  }
0x2b: {  	v1 =	vshrl.u32 v1, $0xB  }
0x2c: {  	v1 =	vand.u32 $0x1FFFF8, v1;
	_ =	sdelay $0x4  }
0x2d: {  	[tilespmem:v1+s12+$0x0] =	vst.idx.add.f32.msk $0xffff, v0  }
0x2e: {  	[bflag:$0x0] =	sbarrier.arrive $0xFFFF  }
0x2f: {  	[spmem:s1] =	stream.indirect.scatter.add.f32 [tilespmem:s12], [sflag:$0x1], $0x80, s16, s13, $0xb8;
	[tilespmem:$0x17F80] =	vst v63  }
0x30: {  	_ =	swait.ge [sflag:s11], $0x4000  }
0x31: {  	[sflag:s11] =	ssyncset.done $0x0  }
0x32: {  	[sflag:s11] =	ssyncadd.s32 $0xFFFFC000  }
0x33: {  	[spmem:s1] =	stream.indirect.scatter.add.f32 [tilespmem:s18], [sflag:$0x1], $0x80, s17, s13, $0xb8;
	[tilespmem:$0x17F80] =	vst v63  }
0x34: {  	_ =	swait.ge [sflag:s11], $0x4000  }
0x35: {  	[sflag:s11] =	ssyncset.done $0x0  }
0x36: {  	[sflag:s11] =	ssyncadd.s32 $0xFFFFC000  }
0x37: {  	[spmem:s1] =	stream.indirect.scatter.add.f32 [tilespmem:s20], [sflag:$0x1], $0x80, s19, s13, $0xb8;
	[tilespmem:$0x17F80] =	vst v63  }
0x38: {  	_ =	swait.ge [sflag:s11], $0x4000  }
0x39: {  	[sflag:s11] =	ssyncset.done $0x0  }
0x3a: {  	[sflag:s11] =	ssyncadd.s32 $0xFFFFC000  }
0x3b: {  	[spmem:s1] =	stream.indirect.scatter.add.f32 [tilespmem:s22], [sflag:$0x1], $0x80, s21, s13, $0xb8;
	[tilespmem:$0x17F80] =	vst v63  }
0x3c: {  	_ =	swait.ge [sflag:s11], $0x4000  }
0x3d: {  	[sflag:s11] =	ssyncset.done $0x0  }
0x3e: {  	[sflag:s11] =	ssyncadd.s32 $0xFFFFC000  }
0x3f: {  	[spmem:s1] =	stream.indirect.scatter.add.f32 [tilespmem:s24], [sflag:$0x1], $0x80, s23, s13, $0xb8;
	[tilespmem:$0x17F80] =	vst v63  }
0x40: {  	_ =	swait.ge [sflag:s11], $0x4000  }
0x41: {  	s25 =	sadd.s32 $0x1, s25;
	[sflag:s11] =	ssyncset.done $0x0  }
0x42: {  	p0 =	sne.s32 s25, s9;
	[sflag:s11] =	ssyncadd.s32 $0xFFFFC000  }
.Ltmp1:
0x43: {  	[bflag:$0x0] =	sbarrier.arrive $0xFFFF;
	(pc) =	sbr.rel @p0 .LBB2_1-.Ltmp1, $4  }
0x44: {  	[hbm:s8], [sflag:s6] =	dma.local [spmem:s10], $0x280  }
0x45: {  	_ =	swait.ge [sflag:s11], $0x280  }
0x46: {  	[sflag:s11] =	ssyncset.done $0x0  }
0x47: {  	[sflag:s11] =	ssyncadd.s32 $0xFFFFFD80  }
0x48: {  	_ =	sfence.sel $0x180000  }
0x49: {  	[bflag:$0x0] =	sbarrier.arrive $0xFFFF  }
0x4a: {  	p0 =	sne.s32 s2, $0x0;
	_ =	strace $0x90000047  }
0x4b: {  	s0 =	sadd.s32 @!p0 $0x100000, s0;
	[bflag:$0x2] =	sbarrier.arrive $0xFFFF  }
0x4c: {  	[sflag:s0] =	ssyncadd.tile.s32 @!p0 $0x1;
	_ =	shalt  }
.Lfunc_end2:
_tile_overlayer_lowered:
.L_overlay_start_2:
0x4d: {  	(tag) =	ssettag $0x2  }
0x4e: {  	s0 =	rddreg [dreg:$0x0];
	s2 =	stileid.u32  }
0x4f: {  	s1 =	rddreg [dreg:$0x1];
	p0 =	sne.s32 s2, $0x0  }
0x50: {  	s3 =	rddreg [dreg:$0x2];
	[bflag:$0x3] =	sbarrier.arrive $0xFFFF;
	s2 =	simm.s32 @!p0 $0x1C01  }
0x51: {  	[timem:s3], [sflag:s2] =	dma.local @!p0 [hbm:s0], s1  }
0x52: {  	s0 =	simm.s32 @!p0 $0x1  }
0x53: {  	_ =	swait.ge @!p0 [sflag:s0], s1  }
0x54: {  	s1 =	ssub.s32 @!p0 $0x0, s1;
	[sflag:s0] =	ssyncset.done @!p0 $0x0  }
0x55: {  	[sflag:s0] =	ssyncadd.s32 @!p0 s1  }
0x56: {  	[bflag:$0x3] =	sbarrier.arrive $0xFFFF  }
0x57: {  	_ =	shalt  }

// kernel: kernel.13.cloned.1.call-start
scs
__scs_entry_jumppad:
0x0: {  	(pc) =	sbr.rel $0x88, $3  }
0x1: {  	(tag) =	ssettag $0x0;
	lr =	simm.s32 $0x1  }
0x2: {  	[smem:$0x3F95] =	sst lr;
	_ =	strace $0xD0000000  }
0x3: {  	_ = 	snop  }
0x4: {  	_ = 	snop  }
0x5: {  	_ = 	snop  }
0x6: {  	_ = 	snop  }
0x7: {  	_ = 	snop  }
__scs_overlays_trampoline_lowered:
0x8: {  	[smem:$0x3FA4] =	sst s0  }
0x9: {  	[smem:$0x3FA5] =	sst s1  }
0xa: {  	[smem:$0x3FA6] =	sst s2  }
0xb: {  	[smem:$0x3FA7] =	sst s3  }
0xc: {  	[smem:$0x3FA8] =	sst s4  }
0xd: {  	[smem:$0x3FA9] =	sst s5  }
0xe: {  	[smem:$0x3FAA] =	sst s6  }
0xf: {  	[smem:$0x3FAB] =	sst s7  }
0x10: {  	[smem:$0x3FAC] =	sst s8  }
0x11: {  	[smem:$0x3FAD] =	sst s9;
	s0 =	simm.s32 @!p0 $0x0  }
0x12: {  	s1 =	sld [smem:$0x3F93];
	s0 =	simm.s32 @p0 $0x1  }
0x13: {  	[smem:$0x3FAE] =	sst s0;
	s0 =	simm.s32 @!p1 $0x0  }
0x14: {  	s2 =	sld [smem:$0x3F92];
	s0 =	simm.s32 @p1 $0x1  }
0x15: {  	[smem:$0x3FAF] =	sst s0;
	s0 =	simm.s32 @!p2 $0x0  }
0x16: {  	s3 =	sld [smem:$0x3FDB];
	s0 =	simm.s32 @p2 $0x1  }
0x17: {  	s4 =	simm.s32 $0x1BF5;
	[smem:$0x3FB1] =	sst s0  }
0x18: {  	s0 =	sld [smem:$0x3F94];
	_ =	swait.ge [sflag:s4], $0x0  }
0x19: {  	s7 =	sld [smem:$0x3F95]  }
0x1a: {  	s8 =	sadd.s32 $0xFFFFE003, lr  }
0x1b: {  	s9 =	sadd.s32 $0xFFFFFEF7, lr;
	s5 =	simm.s32 $0xFFFFFFFF;
	p2 =	slt.u32 s8, $0xFFFFF086  }
0x1c: {  	p1 =	slt.u32 s9, $0xF7A;
	s5 =	simm.s32 @!p2 $0x0  }
0x1d: {  	s5 =	simm.s32 @p1 $0x1;
	p0 =	seq.s32 s7, s2  }
0x1e: {  	s7 =	smul.u32 @!p0 $0xF7A, s2;
	p2 =	seq.s32 @!p0 s5, $0x0  }
0x1f: {  	s9 =	smul.u32 $0xF7A, s1;
	s8 =	simm.s32 @!p0 $0x1BF5;
	p2 =	por !p2, p0  }
0x20: {  	[sflag:s8] =	ssyncset.s32 @!p0 $0xFFFFF086;
	s6 =	sadd.s32 @!p0 s3, s7;
	s7 =	simm.s32 @!p0 $0x108  }
0x21: {  	s3 =	sadd.s32 s3, s9;
	s6 =	sadd.s32 @!p0 $0x88, s6;
	s7 =	simm.s32 @p2 $0x1082  }
0x22: {  	[simem:s7], [sflag:s8] =	dma.local @!p0 [hbm:s6], $0xF7A  }
0x23: {  	s9 =	sor.u32 $0xD0000000, s2;
	s6 =	simm.s32 $0x108;
	_ =	swait.ge @!p0 [sflag:s8], $0x0  }
0x24: {  	s3 =	sadd.s32 $0x88, s3;
	s6 =	simm.s32 @!p1 $0x1082;
	[sflag:s4] =	ssyncset.s32 $0xFFFFF086  }
0x25: {  	[simem:s6], [sflag:s4] =	dma.local [hbm:s3], $0xF7A  }
0x26: {  	[smem:$0x3F95] =	sst s1;
	(tag) =	ssettag s2;
	_ =	strace s9  }
0x27: {  	s1 =	sld [smem:$0x3FA5]  }
0x28: {  	s2 =	sld [smem:$0x3FA6]  }
0x29: {  	s4 =	sld [smem:$0x3FA8]  }
0x2a: {  	p0 =	seq.s32 s5, $0x0;
	s5 =	sld [smem:$0x3FA9]  }
0x2b: {  	s6 =	sld [smem:$0x3FAA]  }
0x2c: {  	s7 =	sld [smem:$0x3FAB]  }
0x2d: {  	s3 =	simm.s32 $0x108;
	s8 =	sld [smem:$0x3FAC]  }
0x2e: {  	s3 =	simm.s32 @!p0 $0x1082;
	s9 =	sld [smem:$0x3FAD]  }
0x2f: {  	lr =	sadd.s32 s0, s3;
	s0 =	sld [smem:$0x3FA4]  }
0x30: {  	s3 =	sld [smem:$0x3FA7]  }
0x31: {  	[smem:$0x3FB0] =	sst s10  }
0x32: {  	s10 =	sld [smem:$0x3FAE];
	_ =	sdelay $0x3  }
0x33: {  	p0 =	seq.s32 s10, $0x1;
	s10 =	sld [smem:$0x3FB0];
	_ =	sdelay $0x3  }
0x34: {  	[smem:$0x3FB0] =	sst s10  }
0x35: {  	s10 =	sld [smem:$0x3FAF];
	_ =	sdelay $0x3  }
0x36: {  	p1 =	seq.s32 s10, $0x1;
	s10 =	sld [smem:$0x3FB0];
	_ =	sdelay $0x3  }
0x37: {  	[smem:$0x3FB0] =	sst s10  }
0x38: {  	s10 =	sld [smem:$0x3FB1]  }
0x39: {  	_ = 	snop;
	(pc) =	sbr.ind lr, $3  }
0x3a: {  	_ = 	snop  }
0x3b: {  	_ = 	snop  }
0x3c: {  	p2 =	seq.s32 s10, $0x1;
	s10 =	sld [smem:$0x3FB0]  }
0x3d: {  	_ =	shalt  }
0x3e: {  	_ =	shalt  }
0x3f: {  	_ =	shalt  }
0x40: {  	_ =	shalt  }
0x41: {  	_ =	shalt  }
0x42: {  	_ =	shalt  }
0x43: {  	_ =	shalt  }
0x44: {  	_ =	shalt  }
0x45: {  	_ =	shalt  }
0x46: {  	_ =	shalt  }
0x47: {  	_ =	shalt  }
0x48: {  	_ =	shalt  }
0x49: {  	_ =	shalt  }
0x4a: {  	_ =	shalt  }
0x4b: {  	_ =	shalt  }
0x4c: {  	_ =	shalt  }
0x4d: {  	_ =	shalt  }
0x4e: {  	_ =	shalt  }
0x4f: {  	_ =	shalt  }
0x50: {  	_ =	shalt  }
0x51: {  	_ =	shalt  }
0x52: {  	_ =	shalt  }
0x53: {  	_ =	shalt  }
0x54: {  	_ =	shalt  }
0x55: {  	_ =	shalt  }
0x56: {  	_ =	shalt  }
0x57: {  	_ =	shalt  }
0x58: {  	_ =	shalt  }
0x59: {  	_ =	shalt  }
0x5a: {  	_ =	shalt  }
0x5b: {  	_ =	shalt  }
0x5c: {  	_ =	shalt  }
0x5d: {  	_ =	shalt  }
0x5e: {  	_ =	shalt  }
0x5f: {  	_ =	shalt  }
0x60: {  	_ =	shalt  }
0x61: {  	_ =	shalt  }
0x62: {  	_ =	shalt  }
0x63: {  	_ =	shalt  }
0x64: {  	_ =	shalt  }
0x65: {  	_ =	shalt  }
0x66: {  	_ =	shalt  }
0x67: {  	_ =	shalt  }
0x68: {  	_ =	shalt  }
0x69: {  	_ =	shalt  }
0x6a: {  	_ =	shalt  }
0x6b: {  	_ =	shalt  }
0x6c: {  	_ =	shalt  }
0x6d: {  	_ =	shalt  }
0x6e: {  	_ =	shalt  }
0x6f: {  	_ =	shalt  }
0x70: {  	_ =	shalt  }
0x71: {  	_ =	shalt  }
0x72: {  	_ =	shalt  }
0x73: {  	_ =	shalt  }
0x74: {  	_ =	shalt  }
0x75: {  	_ =	shalt  }
0x76: {  	_ =	shalt  }
0x77: {  	_ =	shalt  }
0x78: {  	_ =	shalt  }
0x79: {  	_ =	shalt  }
0x7a: {  	_ =	shalt  }
0x7b: {  	_ =	shalt  }
0x7c: {  	_ =	shalt  }
0x7d: {  	_ =	shalt  }
0x7e: {  	_ =	shalt  }
0x7f: {  	_ =	shalt  }
0x80: {  	_ =	shalt  }
0x81: {  	_ =	shalt  }
0x82: {  	_ =	shalt  }
0x83: {  	_ =	shalt  }
0x84: {  	_ =	shalt  }
0x85: {  	_ =	shalt  }
0x86: {  	_ =	shalt  }
0x87: {  	_ =	shalt  }
.Lfunc_end0:
.L_simem_size_0:
called_computation.1_lowered:
.L_overlay_start_0:
0x88: {  	s2 =	sld [smem:$0x3FD9]  }
0x89: {  	s3 =	sld [smem:$0x3FFE];
	_ =	sdelay $0x1  }
0x8a: {  	s1 =	srdreg.scid  }
0x8b: {  	s0 =	sand.u32 $0x1, s1  }
0x8c: {  	s17 =	sshll.u32 s0, $0xA;
	s2 =	sadd.s32 s3, s2  }
0x8d: {  	s2 =	sadd.s32 s2, s17  }
0x8e: {  	[smem:$0x3FBC] =	sst s2  }
0x8f: {  	_ = 	snop  }
0x90: {  	s2 =	sld [smem:$0x3FD0];
	(tm) =	ssettm $0x1  }
0x91: {  	s18 =	sld [smem:$0x3FFB];
	_ =	sdelay $0x3  }
0x92: {  	_ =	strace s18  }
0x93: {  	s3 =	sld [smem:$0x3FFC];
	_ =	sdelay $0x3  }
0x94: {  	_ =	strace s3  }
0x95: {  	s3 =	sld [smem:$0x3FFD];
	_ =	sdelay $0x3  }
0x96: {  	_ =	strace s3  }
0x97: {  	_ =	strace $0x8FFFFFFF  }
0x98: {  	s19 =	sld [smem:$0x3FDB];
	_ =	sdelay $0x1  }
0x99: {  	s4 =	simm.s32 $_scs_section_size  }
0x9a: {  	s5 =	simm.s32 $_size__tile_overlayer_lowered;
	s6 =	simm.s32 $_tile_overlayer_lowered  }
0x9b: {  	s22 =	simm.s32 $0x1BFF;
	s21 =	sshll.u32 s6, $0x1;
	s3 =	sadd.s32 s4, s19  }
0x9c: {  	s7 =	simm.s32 $0x0;
	s20 =	sshll.u32 s5, $0x1;
	s5 =	sadd.s32 s21, s3  }
0x9d: {  	[timem:s7], [sflag:s22] =	dma.local [hbm:s5], s20  }
0x9e: {  	_ =	swait.ge [sflag:s22], s20  }
0x9f: {  	s4 =	ssub.s32 $0x0, s20;
	[sflag:s22] =	ssyncset.done $0x0  }
0xa0: {  	[sflag:s22] =	ssyncadd.s32 s4;
	_ =	sdelay $0x1  }
0xa1: {  	s23 =	simm.s32 $0x1B8B  }
0xa2: {  	_ =	swait.ge [sflag:s23], $0x1  }
0xa3: {  	[sflag:s23] =	ssyncset.done $0x0  }
0xa4: {  	s25 =	simm.s32 $0x1B8E;
	s24 =	sld [smem:$0x3FFE];
	[sflag:s23] =	ssyncadd.s32 $0xFFFFFFFF  }
0xa5: {  	s26 =	simm.s32 $execute0_lowered;
	[smem:$0x3FD2] =	sst s25  }
0xa6: {  	s5 =	sshll.u32 s26, $0x1;
	_ =	strace $0x80000049;
	[dreg:$0x1] =	wrdreg $0xFFFFFFFF  }
0xa7: {  	s28 =	simm.s32 $_size_execute0_lowered;
	s3 =	sadd.s32 s3, s5;
	[dreg:$0x0] =	wrdreg $0x0  }
0xa8: {  	s5 =	sshll.u32 s28, $0x1;
	[dreg:$0x2] =	wrdreg s3  }
0xa9: {  	[dreg:$0x3] =	wrdreg s5  }
0xaa: {  	[dreg:$0x4] =	wrdreg $0xC0  }
0xab: {  	_ =	task [dreg:s7], $0x5FFFF  }
0xac: {  	[dreg:$0x1] =	wrdreg $0xFFFFFFFF  }
0xad: {  	[dreg:$0x0] =	wrdreg $0x60  }
0xae: {  	[dreg:$0x2] =	wrdreg s24  }
0xaf: {  	[dreg:$0x3] =	wrdreg s2  }
0xb0: {  	[dreg:$0x4] =	wrdreg $0x0  }
0xb1: {  	[dreg:$0x5] =	wrdreg $0xA0000  }
0xb2: {  	[dreg:$0x6] =	wrdreg $0x9  }
0xb3: {  	_ =	task.clear_ibuf [dreg:s7], $0x7FFFF;
	_ =	strace $0x90000049  }
0xb4: {  	s29 =	simm.s32 $0x9;
	_ =	strace $0x8000004B  }
0xb5: {  	_ =	swait.ge [sflag:s29], $0x1  }
0xb6: {  	[sflag:s29] =	ssyncadd.s32 $0xFFFFFFFF  }
0xb7: {  	_ =	strace $0x9000004B  }
0xb8: {  	_ =	sfence  }
0xb9: {  	s30 =	sld [smem:$0x0];
	_ =	sdelay $0x2  }
0xba: {  	s31 =	sshll.u32 s1, $0xD;
	s1 =	sshrl.u32 s1, $0x2  }
0xbb: {  	s3 =	sand.u32 $0x4000, s31;
	s1 =	sadd.s32 s1, s30  }
0xbc: {  	s0 =	sor.u32 s3, s0;
	s1 =	sshll.u32 s1, $0x11  }
0xbd: {  	s0 =	sor.u32 s1, s0  }
0xbe: {  	s0 =	sadd.s32 $0x8F2B, s0  }
0xbf: {  	[sflag:s0] =	ssyncadd.remote.s32 $0x1  }
0xc0: {  	_ =	sfence.sel $0xFFFF  }
0xc1: {  	[dreg:$0x0] =	wrdreg $0xFFFFFFFF;
	(pc) =	sbr.abs _section_cstart, $3  }
0xc2: {  	[dreg:$0x1] =	wrdreg $0xFFFFFFFF  }
0xc3: {  	_ =	task.clear_ibuf [dreg:s7], $0x2FFFF;
	_ =	strace $0x9FFFFFFF  }
0xc4: {  	(tm) =	ssettm $0x7FFFFFFF  }
0xc5: {  	_ =	shalt  }
tec
execute0_lowered:
.L_overlay_start_1:
0x0: {  	(tag) =	ssettag $0x1  }
0x1: {  	s6 =	rddreg [dreg:$0x0]  }
0x2: {  	s1 =	rddreg [dreg:$0x1]  }
0x3: {  	s3 =	rddreg [dreg:$0x2]  }
0x4: {  	s4 =	rddreg [dreg:$0x3]  }
0x5: {  	s0 =	rddreg [dreg:$0x4];
	s5 =	simm.s32 $0x0;
	s2 =	stileid.u32  }
0x6: {  	s7 =	srdreg.scid;
	s15 =	simm.s32 $0x3;
	s17 =	simm.s32 $0x14000  }
0x7: {  	s18 =	simm.s32 $0x40;
	s19 =	simm.s32 $0x18E80;
	s20 =	simm.s32 $0x18F80  }
0x8: {  	s21 =	simm.s32 $0x18F00;
	s22 =	simm.s32 $0x19F80;
	s23 =	simm.s32 $0x18EC0  }
0x9: {  	s24 =	simm.s32 $0x2;
	s25 =	simm.s32 $0x18F40;
	s8 =	smul.u32 $0x14000, s2  }
0xa: {  	s26 =	simm.s32 $0x0;
	[smem:$0x7FF] =	sst s5;
	s10 =	smul.u32 $0x9D0, s2  }
0xb: {  	s7 =	sand.u32 $0x1, s7;
	s11 =	smul.u32 $0xA000, s2;
	s31 =	sshll.u32 s2, $0x6  }
0xc: {  	_ =	strace $0x8000004A;
	s9 =	sshll.u32 s7, $0x6;
	s7 =	ssub.s32 $0x2, s7  }
0xd: {  	s8 =	sor.u32 s9, s8;
	s30 =	sshrl.u32 s7, $0x1;
	s10 =	sadd.s32 s10, s6  }
0xe: {  	s14 =	sadd.s32 s11, s3;
	s16 =	sadd.s32 s11, s4;
	s8 =	sshrl.u32 s8, $0x3  }
0xf: {  	s13 =	ssub.s32 s7, s30;
	s7 =	sor.u32 $0x1C03, s31;
	s11 =	sshrl.u32 s14, $0x3  }
0x10: {  	s14 =	simm.s32 $0x10;
	s16 =	sshrl.u32 s16, $0x3;
	s12 =	sadd.s32 s8, s6  }
0x11: {  	s8 =	sadd.s32 $0x4600, s10;
	s10 =	smax.u32 s13, $0x1;
	s13 =	simm.s32 $0x8  }
0x12: {  	s6 =	sadd.s32 $0x5E400, s12;
	s9 =	sadd.s32 $0x86400, s12;
	s12 =	simm.s32 $0x1  }
.LBB2_1:
0x13: {  	[spmem:s11@s13], [sflag:s7] =	dma.strided [hbm:s6@s14], $0x1400, s12, $0x8   }
0x14: {  	_ =	swait.ge [sflag:s15], $0x1400  }
0x15: {  	[sflag:s15] =	ssyncset.done $0x0  }
0x16: {  	[sflag:s15] =	ssyncadd.s32 $0xFFFFEC00  }
0x17: {  	[spmem:s16], [sflag:s7] =	dma.local [hbm:s1], $0x1400  }
0x18: {  	_ =	swait.ge [sflag:s15], $0x1400  }
0x19: {  	[sflag:s15] =	ssyncset.done $0x0  }
0x1a: {  	[sflag:s15] =	ssyncadd.s32 $0xFFFFEC00  }
0x1b: {  	[tilespmem:s17], [sflag:$0x3] =	stream.linear.gather [hbm4b:s8+s5], $0x4E80, $0x38;
	[tilespmem:$0x1AF80] =	vst v63  }
0x1c: {  	_ =	swait.ge [sflag:s15], $0x4E80  }
0x1d: {  	[sflag:s15] =	ssyncset.done $0x0  }
0x1e: {  	[sflag:s15] =	ssyncadd.s32 $0xFFFFB180  }
0x1f: {  	[bflag:$0x0] =	sbarrier.arrive $0xFFFF  }
0x20: {  	v0 =	vld [tilespmem:$0x14000];
	_ =	sdelay $0x1  }
0x21: {  	v1 =	vld [tilespmem:$0x14010];
	_ =	sdelay $0x1  }
0x22: {  	v2 =	vld [tilespmem:$0x14020]  }
0x23: {  	v3 =	vand.u32 $0x3FFF, v0  }
0x24: {  	v0 =	vshrl.u32 v0, $0xE;
	[tilespmem:$0x18E80] =	vst v3;
	v3 =	vld [tilespmem:$0x14030]  }
0x25: {  	[tilespmem:$0x18EC0] =	vst v0;
	v0 =	vand.u32 $0x3FFF, v1  }
0x26: {  	[tilespmem:$0x18E90] =	vst v0;
	v0 =	vshrl.u32 v1, $0xE  }
0x27: {  	[tilespmem:$0x18ED0] =	vst v0;
	v0 =	vand.u32 $0x3FFF, v2  }
0x28: {  	[tilespmem:$0x18EA0] =	vst v0;
	v0 =	vshrl.u32 v2, $0xE  }
0x29: {  	[tilespmem:$0x18EE0] =	vst v0;
	v0 =	vand.u32 $0x3FFF, v3  }
0x2a: {  	[tilespmem:$0x18EB0] =	vst v0;
	v0 =	vshrl.u32 v3, $0xE  }
0x2b: {  	s28 =	simm.s32 $0x0;
	[tilespmem:$0x18EF0] =	vst v0  }
0x2c: {  	[tilespmem:s20], [sflag:$0x1] =	stream.indirect.gather [spmem:s3], $0x40, s19, s18, $0xb8;
	[tilespmem:$0x1AF80] =	vst v63  }
0x2d: {  	v0 =	vld [tilespmem:s28+$0x14040];
	_ =	sdelay $0x4  }
0x2e: {  	v1 =	vand.u32 $0x3FFF, v0  }
0x2f: {  	v0 =	vshrl.u32 v0, $0xE;
	[tilespmem:$0x18F00] =	vst v1  }
0x30: {  	[tilespmem:$0x18F40] =	vst v0  }
0x31: {  	v0 =	vld [tilespmem:s28+$0x14050];
	_ =	sdelay $0x4  }
0x32: {  	v1 =	vand.u32 $0x3FFF, v0  }
0x33: {  	v0 =	vshrl.u32 v0, $0xE;
	[tilespmem:$0x18F10] =	vst v1  }
0x34: {  	[tilespmem:$0x18F50] =	vst v0  }
0x35: {  	v0 =	vld [tilespmem:s28+$0x14060];
	_ =	sdelay $0x4  }
0x36: {  	v1 =	vand.u32 $0x3FFF, v0  }
0x37: {  	v0 =	vshrl.u32 v0, $0xE;
	[tilespmem:$0x18F20] =	vst v1  }
0x38: {  	[tilespmem:$0x18F60] =	vst v0  }
0x39: {  	v0 =	vld [tilespmem:s28+$0x14070];
	_ =	sdelay $0x4  }
0x3a: {  	v1 =	vand.u32 $0x3FFF, v0  }
0x3b: {  	v0 =	vshrl.u32 v0, $0xE;
	[tilespmem:$0x18F30] =	vst v1  }
0x3c: {  	[tilespmem:$0x18F70] =	vst v0  }
0x3d: {  	[tilespmem:s22], [sflag:$0x2] =	stream.indirect.gather [spmem:s3], $0x40, s21, s18, $0xb8;
	[tilespmem:$0x1AF80] =	vst v63  }
0x3e: {  	_ =	swait.ge [sflag:s12], $0x1000  }
0x3f: {  	[sflag:s12] =	ssyncset.done $0x0  }
0x40: {  	[sflag:s12] =	ssyncadd.s32 $0xFFFFF000  }
0x41: {  	[spmem:s4] =	stream.indirect.scatter.add.f32 [tilespmem:s20], [sflag:$0x3], $0x40, s23, s18, $0xb8;
	[tilespmem:$0x1AF80] =	vst v63  }
0x42: {  	_ =	swait.ge [sflag:s15], $0x1000  }
0x43: {  	[sflag:s15] =	ssyncset.done $0x0  }
0x44: {  	[sflag:s15] =	ssyncadd.s32 $0xFFFFF000  }
0x45: {  	v0 =	vld [tilespmem:s28+$0x14080];
	_ =	sdelay $0x4  }
0x46: {  	v1 =	vand.u32 $0x3FFF, v0  }
0x47: {  	v0 =	vshrl.u32 v0, $0xE;
	[tilespmem:$0x18E80] =	vst v1  }
0x48: {  	[tilespmem:$0x18EC0] =	vst v0  }
0x49: {  	v0 =	vld [tilespmem:s28+$0x14090];
	_ =	sdelay $0x4  }
0x4a: {  	v1 =	vand.u32 $0x3FFF, v0  }
0x4b: {  	v0 =	vshrl.u32 v0, $0xE;
	[tilespmem:$0x18E90] =	vst v1  }
0x4c: {  	[tilespmem:$0x18ED0] =	vst v0  }
0x4d: {  	v0 =	vld [tilespmem:s28+$0x140A0];
	_ =	sdelay $0x4  }
0x4e: {  	v1 =	vand.u32 $0x3FFF, v0  }
0x4f: {  	v0 =	vshrl.u32 v0, $0xE;
	[tilespmem:$0x18EA0] =	vst v1  }
0x50: {  	[tilespmem:$0x18EE0] =	vst v0  }
0x51: {  	v0 =	vld [tilespmem:s28+$0x140B0];
	_ =	sdelay $0x4  }
0x52: {  	v1 =	vand.u32 $0x3FFF, v0  }
0x53: {  	s28 =	simm.s32 $0x200;
	v0 =	vshrl.u32 v0, $0xE;
	[tilespmem:$0x18EB0] =	vst v1  }
.LBB2_2:
0x54: {  	p0 =	sne.s32 s28, $0x13600;
	[tilespmem:$0x18EF0] =	vst v0;
	s29 =	smov.u32 s28;
	s28 =	sadd.s32 $0x200, s28  }
0x55: {  	[tilespmem:s20], [sflag:$0x1] =	stream.indirect.gather [spmem:s3], $0x40, s19, s18, $0xb8;
	[tilespmem:$0x1AF80] =	vst v63  }
0x56: {  	_ =	swait.ge [sflag:s24], $0x1000  }
0x57: {  	[sflag:s24] =	ssyncset.done $0x0  }
0x58: {  	[sflag:s24] =	ssyncadd.s32 $0xFFFFF000  }
0x59: {  	[spmem:s4] =	stream.indirect.scatter.add.f32 [tilespmem:s22], [sflag:$0x3], $0x40, s25, s18, $0xb8;
	[tilespmem:$0x1AF80] =	vst v63  }
0x5a: {  	_ =	swait.ge [sflag:s15], $0x1000  }
0x5b: {  	[sflag:s15] =	ssyncset.done $0x0  }
0x5c: {  	s29 =	sshra.s32 s29, $0x2;
	[sflag:s15] =	ssyncadd.s32 $0xFFFFF000  }
0x5d: {  	v0 =	vld [tilespmem:s29+$0x14040];
	_ =	sdelay $0x4  }
0x5e: {  	v1 =	vand.u32 $0x3FFF, v0;
	v0 =	vshrl.u32 v0, $0xE  }
0x5f: {  	[tilespmem:$0x18F00] =	vst v1  }
0x60: {  	[tilespmem:$0x18F40] =	vst v0  }
0x61: {  	v0 =	vld [tilespmem:s29+$0x14050];
	_ =	sdelay $0x4  }
0x62: {  	v1 =	vand.u32 $0x3FFF, v0;
	v0 =	vshrl.u32 v0, $0xE  }
0x63: {  	[tilespmem:$0x18F10] =	vst v1  }
0x64: {  	[tilespmem:$0x18F50] =	vst v0  }
0x65: {  	v0 =	vld [tilespmem:s29+$0x14060];
	_ =	sdelay $0x4  }
0x66: {  	v1 =	vand.u32 $0x3FFF, v0;
	v0 =	vshrl.u32 v0, $0xE  }
0x67: {  	[tilespmem:$0x18F20] =	vst v1  }
0x68: {  	[tilespmem:$0x18F60] =	vst v0  }
0x69: {  	v0 =	vld [tilespmem:s29+$0x14070];
	_ =	sdelay $0x4  }
0x6a: {  	v1 =	vand.u32 $0x3FFF, v0;
	v0 =	vshrl.u32 v0, $0xE  }
0x6b: {  	[tilespmem:$0x18F30] =	vst v1  }
0x6c: {  	[tilespmem:$0x18F70] =	vst v0  }
0x6d: {  	[tilespmem:s22], [sflag:$0x2] =	stream.indirect.gather [spmem:s3], $0x40, s21, s18, $0xb8;
	[tilespmem:$0x1AF80] =	vst v63  }
0x6e: {  	_ =	swait.ge [sflag:s12], $0x1000  }
0x6f: {  	[sflag:s12] =	ssyncset.done $0x0  }
0x70: {  	[sflag:s12] =	ssyncadd.s32 $0xFFFFF000  }
0x71: {  	[spmem:s4] =	stream.indirect.scatter.add.f32 [tilespmem:s20], [sflag:$0x3], $0x40, s23, s18, $0xb8;
	[tilespmem:$0x1AF80] =	vst v63  }
0x72: {  	_ =	swait.ge [sflag:s15], $0x1000  }
0x73: {  	[sflag:s15] =	ssyncset.done $0x0  }
0x74: {  	[sflag:s15] =	ssyncadd.s32 $0xFFFFF000  }
0x75: {  	v0 =	vld [tilespmem:s29+$0x14080];
	_ =	sdelay $0x4  }
0x76: {  	v1 =	vand.u32 $0x3FFF, v0;
	v0 =	vshrl.u32 v0, $0xE  }
0x77: {  	[tilespmem:$0x18E80] =	vst v1  }
0x78: {  	[tilespmem:$0x18EC0] =	vst v0  }
0x79: {  	v0 =	vld [tilespmem:s29+$0x14090];
	_ =	sdelay $0x4  }
0x7a: {  	v1 =	vand.u32 $0x3FFF, v0;
	v0 =	vshrl.u32 v0, $0xE  }
0x7b: {  	[tilespmem:$0x18E90] =	vst v1  }
0x7c: {  	[tilespmem:$0x18ED0] =	vst v0  }
0x7d: {  	v0 =	vld [tilespmem:s29+$0x140A0];
	_ =	sdelay $0x4  }
0x7e: {  	v1 =	vand.u32 $0x3FFF, v0;
	v0 =	vshrl.u32 v0, $0xE  }
0x7f: {  	[tilespmem:$0x18EA0] =	vst v1  }
0x80: {  	[tilespmem:$0x18EE0] =	vst v0  }
0x81: {  	v0 =	vld [tilespmem:s29+$0x140B0];
	_ =	sdelay $0x1  }
.Ltmp0:
0x82: {  	(pc) =	sbr.rel @p0 .LBB2_2-.Ltmp0, $3  }
0x83: {  	_ =	sdelay $0x1  }
0x84: {  	v1 =	vand.u32 $0x3FFF, v0;
	v0 =	vshrl.u32 v0, $0xE  }
0x85: {  	[tilespmem:$0x18EB0] =	vst v1  }
0x86: {  	[tilespmem:$0x18EF0] =	vst v0  }
0x87: {  	[tilespmem:s20], [sflag:$0x1] =	stream.indirect.gather [spmem:s3], $0x40, s19, s18, $0xb8;
	[tilespmem:$0x1AF80] =	vst v63  }
0x88: {  	_ =	swait.ge [sflag:s24], $0x1000  }
0x89: {  	[sflag:s24] =	ssyncset.done $0x0  }
0x8a: {  	[sflag:s24] =	ssyncadd.s32 $0xFFFFF000  }
0x8b: {  	[spmem:s4] =	stream.indirect.scatter.add.f32 [tilespmem:s22], [sflag:$0x3], $0x40, s25, s18, $0xb8;
	[tilespmem:$0x1AF80] =	vst v63  }
0x8c: {  	_ =	swait.ge [sflag:s15], $0x1000  }
0x8d: {  	[sflag:s15] =	ssyncset.done $0x0  }
0x8e: {  	[sflag:s15] =	ssyncadd.s32 $0xFFFFF000  }
0x8f: {  	v56 =	vld [tilespmem:$0x18E40];
	_ =	sdelay $0x1  }
0x90: {  	v1 =	vld [tilespmem:$0x18E50];
	_ =	sdelay $0x1  }
0x91: {  	v2 =	vld [tilespmem:$0x18E60]  }
0x92: {  	v3 =	vand.u32 $0x3FFF, v56  }
0x93: {  	v57 =	vld [tilespmem:$0x18E70];
	v0 =	vshrl.u32 v56, $0xE;
	[tilespmem:$0x18F00] =	vst v3  }
0x94: {  	v58 =	vand.u32 $0x3FFF, v1;
	[tilespmem:$0x18F40] =	vst v0  }
0x95: {  	v59 =	vshrl.u32 v1, $0xE;
	[tilespmem:$0x18F10] =	vst v58  }
0x96: {  	v60 =	vand.u32 $0x3FFF, v2;
	[tilespmem:$0x18F50] =	vst v59  }
0x97: {  	v61 =	vshrl.u32 v2, $0xE;
	[tilespmem:$0x18F20] =	vst v60  }
0x98: {  	v62 =	vand.u32 $0x3FFF, v57;
	[tilespmem:$0x18F60] =	vst v61  }
0x99: {  	v63 =	vshrl.u32 v57, $0xE;
	[tilespmem:$0x18F30] =	vst v62  }
0x9a: {  	[tilespmem:$0x18F70] =	vst v63  }
0x9b: {  	[tilespmem:s22], [sflag:$0x2] =	stream.indirect.gather [spmem:s3], $0x40, s21, s18, $0xb8;
	[tilespmem:$0x1AF80] =	vst v63  }
0x9c: {  	_ =	swait.ge [sflag:s12], $0x1000  }
0x9d: {  	[sflag:s12] =	ssyncset.done $0x0  }
0x9e: {  	[sflag:s12] =	ssyncadd.s32 $0xFFFFF000  }
0x9f: {  	[spmem:s4] =	stream.indirect.scatter.add.f32 [tilespmem:s20], [sflag:$0x3], $0x40, s23, s18, $0xb8;
	[tilespmem:$0x1AF80] =	vst v63  }
0xa0: {  	_ =	swait.ge [sflag:s15], $0x1000  }
0xa1: {  	[sflag:s15] =	ssyncset.done $0x0  }
0xa2: {  	[sflag:s15] =	ssyncadd.s32 $0xFFFFF000  }
0xa3: {  	_ =	swait.ge [sflag:s24], $0x1000  }
0xa4: {  	[sflag:s24] =	ssyncset.done $0x0  }
0xa5: {  	[sflag:s24] =	ssyncadd.s32 $0xFFFFF000  }
0xa6: {  	[spmem:s4] =	stream.indirect.scatter.add.f32 [tilespmem:s22], [sflag:$0x3], $0x40, s25, s18, $0xb8;
	[tilespmem:$0x1AF80] =	vst v63  }
0xa7: {  	_ =	swait.ge [sflag:s15], $0x1000  }
0xa8: {  	s26 =	sadd.s32 $0x1, s26;
	[sflag:s15] =	ssyncset.done $0x0  }
0xa9: {  	p0 =	sne.s32 s26, s10;
	[sflag:s15] =	ssyncadd.s32 $0xFFFFF000  }
.Ltmp1:
0xaa: {  	[bflag:$0x0] =	sbarrier.arrive $0xFFFF;
	(pc) =	sbr.rel @p0 .LBB2_1-.Ltmp1, $4  }
0xab: {  	[hbm:s9@s14], [sflag:s7] =	dma.strided [spmem:s16@s13], $0x1400, s12, $0x8   }
0xac: {  	_ =	swait.ge [sflag:s15], $0x1400  }
0xad: {  	[sflag:s15] =	ssyncset.done $0x0  }
0xae: {  	[sflag:s15] =	ssyncadd.s32 $0xFFFFEC00  }
0xaf: {  	_ =	sfence.sel $0x180000  }
0xb0: {  	[bflag:$0x0] =	sbarrier.arrive $0xFFFF  }
0xb1: {  	p0 =	sne.s32 s2, $0x0;
	_ =	strace $0x9000004A  }
0xb2: {  	s0 =	sadd.s32 @!p0 $0x100000, s0;
	[bflag:$0x2] =	sbarrier.arrive $0xFFFF  }
0xb3: {  	[sflag:s0] =	ssyncadd.tile.s32 @!p0 $0x1;
	_ =	shalt  }
.Lfunc_end2:
_tile_overlayer_lowered:
.L_overlay_start_2:
0xb4: {  	(tag) =	ssettag $0x2  }
0xb5: {  	s0 =	rddreg [dreg:$0x0];
	s2 =	stileid.u32  }
0xb6: {  	s1 =	rddreg [dreg:$0x1];
	p0 =	sne.s32 s2, $0x0  }
0xb7: {  	s3 =	rddreg [dreg:$0x2];
	[bflag:$0x3] =	sbarrier.arrive $0xFFFF;
	s2 =	simm.s32 @!p0 $0x1C03  }
0xb8: {  	[timem:s3], [sflag:s2] =	dma.local @!p0 [hbm:s0], s1  }
0xb9: {  	s0 =	simm.s32 @!p0 $0x3  }
0xba: {  	_ =	swait.ge @!p0 [sflag:s0], s1  }
0xbb: {  	s1 =	ssub.s32 @!p0 $0x0, s1;
	[sflag:s0] =	ssyncset.done @!p0 $0x0  }
0xbc: {  	[sflag:s0] =	ssyncadd.s32 @!p0 s1  }
0xbd: {  	[bflag:$0x3] =	sbarrier.arrive $0xFFFF  }
0xbe: {  	_ =	shalt  }

// kernel: kernel.16.cloned.1.call-start
scs
__scs_entry_jumppad:
0x0: {  	(pc) =	sbr.rel $0x88, $3  }
0x1: {  	(tag) =	ssettag $0x0;
	lr =	simm.s32 $0x1  }
0x2: {  	[smem:$0x3F95] =	sst lr;
	_ =	strace $0xD0000000  }
0x3: {  	_ = 	snop  }
0x4: {  	_ = 	snop  }
0x5: {  	_ = 	snop  }
0x6: {  	_ = 	snop  }
0x7: {  	_ = 	snop  }
__scs_overlays_trampoline_lowered:
0x8: {  	[smem:$0x3FA4] =	sst s0  }
0x9: {  	[smem:$0x3FA5] =	sst s1  }
0xa: {  	[smem:$0x3FA6] =	sst s2  }
0xb: {  	[smem:$0x3FA7] =	sst s3  }
0xc: {  	[smem:$0x3FA8] =	sst s4  }
0xd: {  	[smem:$0x3FA9] =	sst s5  }
0xe: {  	[smem:$0x3FAA] =	sst s6  }
0xf: {  	[smem:$0x3FAB] =	sst s7  }
0x10: {  	[smem:$0x3FAC] =	sst s8  }
0x11: {  	[smem:$0x3FAD] =	sst s9;
	s0 =	simm.s32 @!p0 $0x0  }
0x12: {  	s1 =	sld [smem:$0x3F93];
	s0 =	simm.s32 @p0 $0x1  }
0x13: {  	[smem:$0x3FAE] =	sst s0;
	s0 =	simm.s32 @!p1 $0x0  }
0x14: {  	s2 =	sld [smem:$0x3F92];
	s0 =	simm.s32 @p1 $0x1  }
0x15: {  	[smem:$0x3FAF] =	sst s0;
	s0 =	simm.s32 @!p2 $0x0  }
0x16: {  	s3 =	sld [smem:$0x3FDB];
	s0 =	simm.s32 @p2 $0x1  }
0x17: {  	s4 =	simm.s32 $0x1BF5;
	[smem:$0x3FB1] =	sst s0  }
0x18: {  	s0 =	sld [smem:$0x3F94];
	_ =	swait.ge [sflag:s4], $0x0  }
0x19: {  	s7 =	sld [smem:$0x3F95]  }
0x1a: {  	s8 =	sadd.s32 $0xFFFFE003, lr  }
0x1b: {  	s9 =	sadd.s32 $0xFFFFFEF7, lr;
	s5 =	simm.s32 $0xFFFFFFFF;
	p2 =	slt.u32 s8, $0xFFFFF086  }
0x1c: {  	p1 =	slt.u32 s9, $0xF7A;
	s5 =	simm.s32 @!p2 $0x0  }
0x1d: {  	s5 =	simm.s32 @p1 $0x1;
	p0 =	seq.s32 s7, s2  }
0x1e: {  	s7 =	smul.u32 @!p0 $0xF7A, s2;
	p2 =	seq.s32 @!p0 s5, $0x0  }
0x1f: {  	s9 =	smul.u32 $0xF7A, s1;
	s8 =	simm.s32 @!p0 $0x1BF5;
	p2 =	por !p2, p0  }
0x20: {  	[sflag:s8] =	ssyncset.s32 @!p0 $0xFFFFF086;
	s6 =	sadd.s32 @!p0 s3, s7;
	s7 =	simm.s32 @!p0 $0x108  }
0x21: {  	s3 =	sadd.s32 s3, s9;
	s6 =	sadd.s32 @!p0 $0x88, s6;
	s7 =	simm.s32 @p2 $0x1082  }
0x22: {  	[simem:s7], [sflag:s8] =	dma.local @!p0 [hbm:s6], $0xF7A  }
0x23: {  	s9 =	sor.u32 $0xD0000000, s2;
	s6 =	simm.s32 $0x108;
	_ =	swait.ge @!p0 [sflag:s8], $0x0  }
0x24: {  	s3 =	sadd.s32 $0x88, s3;
	s6 =	simm.s32 @!p1 $0x1082;
	[sflag:s4] =	ssyncset.s32 $0xFFFFF086  }
0x25: {  	[simem:s6], [sflag:s4] =	dma.local [hbm:s3], $0xF7A  }
0x26: {  	[smem:$0x3F95] =	sst s1;
	(tag) =	ssettag s2;
	_ =	strace s9  }
0x27: {  	s1 =	sld [smem:$0x3FA5]  }
0x28: {  	s2 =	sld [smem:$0x3FA6]  }
0x29: {  	s4 =	sld [smem:$0x3FA8]  }
0x2a: {  	p0 =	seq.s32 s5, $0x0;
	s5 =	sld [smem:$0x3FA9]  }
0x2b: {  	s6 =	sld [smem:$0x3FAA]  }
0x2c: {  	s7 =	sld [smem:$0x3FAB]  }
0x2d: {  	s3 =	simm.s32 $0x108;
	s8 =	sld [smem:$0x3FAC]  }
0x2e: {  	s3 =	simm.s32 @!p0 $0x1082;
	s9 =	sld [smem:$0x3FAD]  }
0x2f: {  	lr =	sadd.s32 s0, s3;
	s0 =	sld [smem:$0x3FA4]  }
0x30: {  	s3 =	sld [smem:$0x3FA7]  }
0x31: {  	[smem:$0x3FB0] =	sst s10  }
0x32: {  	s10 =	sld [smem:$0x3FAE];
	_ =	sdelay $0x3  }
0x33: {  	p0 =	seq.s32 s10, $0x1;
	s10 =	sld [smem:$0x3FB0];
	_ =	sdelay $0x3  }
0x34: {  	[smem:$0x3FB0] =	sst s10  }
0x35: {  	s10 =	sld [smem:$0x3FAF];
	_ =	sdelay $0x3  }
0x36: {  	p1 =	seq.s32 s10, $0x1;
	s10 =	sld [smem:$0x3FB0];
	_ =	sdelay $0x3  }
0x37: {  	[smem:$0x3FB0] =	sst s10  }
0x38: {  	s10 =	sld [smem:$0x3FB1]  }
0x39: {  	_ = 	snop;
	(pc) =	sbr.ind lr, $3  }
0x3a: {  	_ = 	snop  }
0x3b: {  	_ = 	snop  }
0x3c: {  	p2 =	seq.s32 s10, $0x1;
	s10 =	sld [smem:$0x3FB0]  }
0x3d: {  	_ =	shalt  }
0x3e: {  	_ =	shalt  }
0x3f: {  	_ =	shalt  }
0x40: {  	_ =	shalt  }
0x41: {  	_ =	shalt  }
0x42: {  	_ =	shalt  }
0x43: {  	_ =	shalt  }
0x44: {  	_ =	shalt  }
0x45: {  	_ =	shalt  }
0x46: {  	_ =	shalt  }
0x47: {  	_ =	shalt  }
0x48: {  	_ =	shalt  }
0x49: {  	_ =	shalt  }
0x4a: {  	_ =	shalt  }
0x4b: {  	_ =	shalt  }
0x4c: {  	_ =	shalt  }
0x4d: {  	_ =	shalt  }
0x4e: {  	_ =	shalt  }
0x4f: {  	_ =	shalt  }
0x50: {  	_ =	shalt  }
0x51: {  	_ =	shalt  }
0x52: {  	_ =	shalt  }
0x53: {  	_ =	shalt  }
0x54: {  	_ =	shalt  }
0x55: {  	_ =	shalt  }
0x56: {  	_ =	shalt  }
0x57: {  	_ =	shalt  }
0x58: {  	_ =	shalt  }
0x59: {  	_ =	shalt  }
0x5a: {  	_ =	shalt  }
0x5b: {  	_ =	shalt  }
0x5c: {  	_ =	shalt  }
0x5d: {  	_ =	shalt  }
0x5e: {  	_ =	shalt  }
0x5f: {  	_ =	shalt  }
0x60: {  	_ =	shalt  }
0x61: {  	_ =	shalt  }
0x62: {  	_ =	shalt  }
0x63: {  	_ =	shalt  }
0x64: {  	_ =	shalt  }
0x65: {  	_ =	shalt  }
0x66: {  	_ =	shalt  }
0x67: {  	_ =	shalt  }
0x68: {  	_ =	shalt  }
0x69: {  	_ =	shalt  }
0x6a: {  	_ =	shalt  }
0x6b: {  	_ =	shalt  }
0x6c: {  	_ =	shalt  }
0x6d: {  	_ =	shalt  }
0x6e: {  	_ =	shalt  }
0x6f: {  	_ =	shalt  }
0x70: {  	_ =	shalt  }
0x71: {  	_ =	shalt  }
0x72: {  	_ =	shalt  }
0x73: {  	_ =	shalt  }
0x74: {  	_ =	shalt  }
0x75: {  	_ =	shalt  }
0x76: {  	_ =	shalt  }
0x77: {  	_ =	shalt  }
0x78: {  	_ =	shalt  }
0x79: {  	_ =	shalt  }
0x7a: {  	_ =	shalt  }
0x7b: {  	_ =	shalt  }
0x7c: {  	_ =	shalt  }
0x7d: {  	_ =	shalt  }
0x7e: {  	_ =	shalt  }
0x7f: {  	_ =	shalt  }
0x80: {  	_ =	shalt  }
0x81: {  	_ =	shalt  }
0x82: {  	_ =	shalt  }
0x83: {  	_ =	shalt  }
0x84: {  	_ =	shalt  }
0x85: {  	_ =	shalt  }
0x86: {  	_ =	shalt  }
0x87: {  	_ =	shalt  }
.Lfunc_end0:
.L_simem_size_0:
called_computation.2_lowered:
.L_overlay_start_0:
0x88: {  	s2 =	sld [smem:$0x3FD9]  }
0x89: {  	s3 =	sld [smem:$0x3FFE];
	_ =	sdelay $0x1  }
0x8a: {  	s1 =	srdreg.scid  }
0x8b: {  	s0 =	sand.u32 $0x1, s1  }
0x8c: {  	s17 =	sshll.u32 s0, $0xA;
	s2 =	sadd.s32 s3, s2  }
0x8d: {  	s2 =	sadd.s32 s2, s17  }
0x8e: {  	[smem:$0x3FBC] =	sst s2  }
0x8f: {  	_ = 	snop  }
0x90: {  	s2 =	sld [smem:$0x3FD0];
	(tm) =	ssettm $0x1  }
0x91: {  	s18 =	sld [smem:$0x3FFB];
	_ =	sdelay $0x3  }
0x92: {  	_ =	strace s18  }
0x93: {  	s3 =	sld [smem:$0x3FFC];
	_ =	sdelay $0x3  }
0x94: {  	_ =	strace s3  }
0x95: {  	s3 =	sld [smem:$0x3FFD];
	_ =	sdelay $0x3  }
0x96: {  	_ =	strace s3  }
0x97: {  	_ =	strace $0x8FFFFFFF  }
0x98: {  	s19 =	sld [smem:$0x3FDB];
	_ =	sdelay $0x1  }
0x99: {  	s4 =	simm.s32 $_scs_section_size  }
0x9a: {  	s5 =	simm.s32 $_size__tile_overlayer_lowered;
	s6 =	simm.s32 $_tile_overlayer_lowered  }
0x9b: {  	s22 =	simm.s32 $0x1BFF;
	s21 =	sshll.u32 s6, $0x1;
	s3 =	sadd.s32 s4, s19  }
0x9c: {  	s7 =	simm.s32 $0x0;
	s20 =	sshll.u32 s5, $0x1;
	s5 =	sadd.s32 s21, s3  }
0x9d: {  	[timem:s7], [sflag:s22] =	dma.local [hbm:s5], s20  }
0x9e: {  	_ =	swait.ge [sflag:s22], s20  }
0x9f: {  	s4 =	ssub.s32 $0x0, s20;
	[sflag:s22] =	ssyncset.done $0x0  }
0xa0: {  	[sflag:s22] =	ssyncadd.s32 s4;
	_ =	sdelay $0x1  }
0xa1: {  	s23 =	simm.s32 $0x1B8B  }
0xa2: {  	_ =	swait.ge [sflag:s23], $0x1  }
0xa3: {  	[sflag:s23] =	ssyncset.done $0x0  }
0xa4: {  	s25 =	simm.s32 $0x1B8E;
	s24 =	sld [smem:$0x3FFE];
	[sflag:s23] =	ssyncadd.s32 $0xFFFFFFFF  }
0xa5: {  	s26 =	simm.s32 $execute0_lowered;
	[smem:$0x3FD2] =	sst s25  }
0xa6: {  	s5 =	sshll.u32 s26, $0x1;
	_ =	strace $0x8000004C;
	[dreg:$0x1] =	wrdreg $0xFFFFFFFF  }
0xa7: {  	s28 =	simm.s32 $_size_execute0_lowered;
	s3 =	sadd.s32 s3, s5;
	[dreg:$0x0] =	wrdreg $0x0  }
0xa8: {  	s5 =	sshll.u32 s28, $0x1;
	[dreg:$0x2] =	wrdreg s3  }
0xa9: {  	[dreg:$0x3] =	wrdreg s5  }
0xaa: {  	[dreg:$0x4] =	wrdreg $0xC0  }
0xab: {  	_ =	task [dreg:s7], $0x5FFFF  }
0xac: {  	[dreg:$0x1] =	wrdreg $0xFFFFFFFF  }
0xad: {  	[dreg:$0x0] =	wrdreg $0x60  }
0xae: {  	[dreg:$0x2] =	wrdreg s24  }
0xaf: {  	[dreg:$0x3] =	wrdreg s2  }
0xb0: {  	[dreg:$0x4] =	wrdreg $0x0  }
0xb1: {  	[dreg:$0x5] =	wrdreg $0xA0000  }
0xb2: {  	[dreg:$0x6] =	wrdreg $0x9  }
0xb3: {  	_ =	task.clear_ibuf [dreg:s7], $0x7FFFF;
	_ =	strace $0x9000004C  }
0xb4: {  	s29 =	simm.s32 $0x9;
	_ =	strace $0x8000004E  }
0xb5: {  	_ =	swait.ge [sflag:s29], $0x1  }
0xb6: {  	[sflag:s29] =	ssyncadd.s32 $0xFFFFFFFF  }
0xb7: {  	_ =	strace $0x9000004E  }
0xb8: {  	_ =	sfence  }
0xb9: {  	s30 =	sld [smem:$0x0];
	_ =	sdelay $0x2  }
0xba: {  	s31 =	sshll.u32 s1, $0xD;
	s1 =	sshrl.u32 s1, $0x2  }
0xbb: {  	s3 =	sand.u32 $0x4000, s31;
	s1 =	sadd.s32 s1, s30  }
0xbc: {  	s0 =	sor.u32 s3, s0;
	s1 =	sshll.u32 s1, $0x11  }
0xbd: {  	s0 =	sor.u32 s1, s0  }
0xbe: {  	s0 =	sadd.s32 $0x8F2B, s0  }
0xbf: {  	[sflag:s0] =	ssyncadd.remote.s32 $0x1  }
0xc0: {  	_ =	sfence.sel $0xFFFF  }
0xc1: {  	[dreg:$0x0] =	wrdreg $0xFFFFFFFF;
	(pc) =	sbr.abs _section_cstart, $3  }
0xc2: {  	[dreg:$0x1] =	wrdreg $0xFFFFFFFF  }
0xc3: {  	_ =	task.clear_ibuf [dreg:s7], $0x2FFFF;
	_ =	strace $0x9FFFFFFF  }
0xc4: {  	(tm) =	ssettm $0x7FFFFFFF  }
0xc5: {  	_ =	shalt  }
tec
execute0_lowered:
.L_overlay_start_1:
0x0: {  	(tag) =	ssettag $0x1  }
0x1: {  	s6 =	rddreg [dreg:$0x0]  }
0x2: {  	s1 =	rddreg [dreg:$0x1]  }
0x3: {  	s3 =	rddreg [dreg:$0x2]  }
0x4: {  	s4 =	rddreg [dreg:$0x3]  }
0x5: {  	s0 =	rddreg [dreg:$0x4];
	s5 =	simm.s32 $0x0;
	s2 =	stileid.u32  }
0x6: {  	s7 =	srdreg.scid;
	s15 =	simm.s32 $0x3;
	s17 =	simm.s32 $0x14000  }
0x7: {  	s18 =	simm.s32 $0x40;
	s19 =	simm.s32 $0x18E80;
	s20 =	simm.s32 $0x18F80  }
0x8: {  	s21 =	simm.s32 $0x18F00;
	s22 =	simm.s32 $0x19F80;
	s23 =	simm.s32 $0x18EC0  }
0x9: {  	s24 =	simm.s32 $0x2;
	s25 =	simm.s32 $0x18F40;
	s8 =	smul.u32 $0x14000, s2  }
0xa: {  	s26 =	simm.s32 $0x0;
	[smem:$0x7FF] =	sst s5;
	s10 =	smul.u32 $0x9D0, s2  }
0xb: {  	s7 =	sand.u32 $0x1, s7;
	s11 =	smul.u32 $0xA000, s2;
	s31 =	sshll.u32 s2, $0x6  }
0xc: {  	_ =	strace $0x8000004D;
	s9 =	sshll.u32 s7, $0x6;
	s7 =	ssub.s32 $0x2, s7  }
0xd: {  	s8 =	sor.u32 s9, s8;
	s30 =	sshrl.u32 s7, $0x1;
	s10 =	sadd.s32 s10, s6  }
0xe: {  	s14 =	sadd.s32 s11, s3;
	s16 =	sadd.s32 s11, s4;
	s8 =	sshrl.u32 s8, $0x3  }
0xf: {  	s13 =	ssub.s32 s7, s30;
	s7 =	sor.u32 $0x1C03, s31;
	s11 =	sshrl.u32 s14, $0x3  }
0x10: {  	s14 =	simm.s32 $0x10;
	s16 =	sshrl.u32 s16, $0x3;
	s12 =	sadd.s32 s8, s6  }
0x11: {  	s8 =	sadd.s32 $0x4600, s10;
	s10 =	smax.u32 s13, $0x1;
	s13 =	simm.s32 $0x8  }
0x12: {  	s6 =	sadd.s32 $0x5E400, s12;
	s9 =	sadd.s32 $0x86400, s12;
	s12 =	simm.s32 $0x1  }
.LBB2_1:
0x13: {  	[spmem:s11@s13], [sflag:s7] =	dma.strided [hbm:s6@s14], $0x1400, s12, $0x8   }
0x14: {  	_ =	swait.ge [sflag:s15], $0x1400  }
0x15: {  	[sflag:s15] =	ssyncset.done $0x0  }
0x16: {  	[sflag:s15] =	ssyncadd.s32 $0xFFFFEC00  }
0x17: {  	[spmem:s16], [sflag:s7] =	dma.local [hbm:s1], $0x1400  }
0x18: {  	_ =	swait.ge [sflag:s15], $0x1400  }
0x19: {  	[sflag:s15] =	ssyncset.done $0x0  }
0x1a: {  	[sflag:s15] =	ssyncadd.s32 $0xFFFFEC00  }
0x1b: {  	[tilespmem:s17], [sflag:$0x3] =	stream.linear.gather [hbm4b:s8+s5], $0x4E80, $0x38;
	[tilespmem:$0x1AF80] =	vst v63  }
0x1c: {  	_ =	swait.ge [sflag:s15], $0x4E80  }
0x1d: {  	[sflag:s15] =	ssyncset.done $0x0  }
0x1e: {  	[sflag:s15] =	ssyncadd.s32 $0xFFFFB180  }
0x1f: {  	[bflag:$0x0] =	sbarrier.arrive $0xFFFF  }
0x20: {  	v0 =	vld [tilespmem:$0x14000];
	_ =	sdelay $0x1  }
0x21: {  	v1 =	vld [tilespmem:$0x14010];
	_ =	sdelay $0x1  }
0x22: {  	v2 =	vld [tilespmem:$0x14020]  }
0x23: {  	v3 =	vand.u32 $0x3FFF, v0  }
0x24: {  	v0 =	vshrl.u32 v0, $0xE;
	[tilespmem:$0x18E80] =	vst v3;
	v3 =	vld [tilespmem:$0x14030]  }
0x25: {  	[tilespmem:$0x18EC0] =	vst v0;
	v0 =	vand.u32 $0x3FFF, v1  }
0x26: {  	[tilespmem:$0x18E90] =	vst v0;
	v0 =	vshrl.u32 v1, $0xE  }
0x27: {  	[tilespmem:$0x18ED0] =	vst v0;
	v0 =	vand.u32 $0x3FFF, v2  }
0x28: {  	[tilespmem:$0x18EA0] =	vst v0;
	v0 =	vshrl.u32 v2, $0xE  }
0x29: {  	[tilespmem:$0x18EE0] =	vst v0;
	v0 =	vand.u32 $0x3FFF, v3  }
0x2a: {  	[tilespmem:$0x18EB0] =	vst v0;
	v0 =	vshrl.u32 v3, $0xE  }
0x2b: {  	s28 =	simm.s32 $0x0;
	[tilespmem:$0x18EF0] =	vst v0  }
0x2c: {  	[tilespmem:s20], [sflag:$0x1] =	stream.indirect.gather [spmem:s3], $0x40, s19, s18, $0xb8;
	[tilespmem:$0x1AF80] =	vst v63  }
0x2d: {  	v0 =	vld [tilespmem:s28+$0x14040];
	_ =	sdelay $0x4  }
0x2e: {  	v1 =	vand.u32 $0x3FFF, v0  }
0x2f: {  	v0 =	vshrl.u32 v0, $0xE;
	[tilespmem:$0x18F00] =	vst v1  }
0x30: {  	[tilespmem:$0x18F40] =	vst v0  }
0x31: {  	v0 =	vld [tilespmem:s28+$0x14050];
	_ =	sdelay $0x4  }
0x32: {  	v1 =	vand.u32 $0x3FFF, v0  }
0x33: {  	v0 =	vshrl.u32 v0, $0xE;
	[tilespmem:$0x18F10] =	vst v1  }
0x34: {  	[tilespmem:$0x18F50] =	vst v0  }
0x35: {  	v0 =	vld [tilespmem:s28+$0x14060];
	_ =	sdelay $0x4  }
0x36: {  	v1 =	vand.u32 $0x3FFF, v0  }
0x37: {  	v0 =	vshrl.u32 v0, $0xE;
	[tilespmem:$0x18F20] =	vst v1  }
0x38: {  	[tilespmem:$0x18F60] =	vst v0  }
0x39: {  	v0 =	vld [tilespmem:s28+$0x14070];
	_ =	sdelay $0x4  }
0x3a: {  	v1 =	vand.u32 $0x3FFF, v0  }
0x3b: {  	v0 =	vshrl.u32 v0, $0xE;
	[tilespmem:$0x18F30] =	vst v1  }
0x3c: {  	[tilespmem:$0x18F70] =	vst v0  }
0x3d: {  	[tilespmem:s22], [sflag:$0x2] =	stream.indirect.gather [spmem:s3], $0x40, s21, s18, $0xb8;
	[tilespmem:$0x1AF80] =	vst v63  }
0x3e: {  	_ =	swait.ge [sflag:s12], $0x1000  }
0x3f: {  	[sflag:s12] =	ssyncset.done $0x0  }
0x40: {  	[sflag:s12] =	ssyncadd.s32 $0xFFFFF000  }
0x41: {  	[spmem:s4] =	stream.indirect.scatter.add.f32 [tilespmem:s20], [sflag:$0x3], $0x40, s23, s18, $0xb8;
	[tilespmem:$0x1AF80] =	vst v63  }
0x42: {  	_ =	swait.ge [sflag:s15], $0x1000  }
0x43: {  	[sflag:s15] =	ssyncset.done $0x0  }
0x44: {  	[sflag:s15] =	ssyncadd.s32 $0xFFFFF000  }
0x45: {  	v0 =	vld [tilespmem:s28+$0x14080];
	_ =	sdelay $0x4  }
0x46: {  	v1 =	vand.u32 $0x3FFF, v0  }
0x47: {  	v0 =	vshrl.u32 v0, $0xE;
	[tilespmem:$0x18E80] =	vst v1  }
0x48: {  	[tilespmem:$0x18EC0] =	vst v0  }
0x49: {  	v0 =	vld [tilespmem:s28+$0x14090];
	_ =	sdelay $0x4  }
0x4a: {  	v1 =	vand.u32 $0x3FFF, v0  }
0x4b: {  	v0 =	vshrl.u32 v0, $0xE;
	[tilespmem:$0x18E90] =	vst v1  }
0x4c: {  	[tilespmem:$0x18ED0] =	vst v0  }
0x4d: {  	v0 =	vld [tilespmem:s28+$0x140A0];
	_ =	sdelay $0x4  }
0x4e: {  	v1 =	vand.u32 $0x3FFF, v0  }
0x4f: {  	v0 =	vshrl.u32 v0, $0xE;
	[tilespmem:$0x18EA0] =	vst v1  }
0x50: {  	[tilespmem:$0x18EE0] =	vst v0  }
0x51: {  	v0 =	vld [tilespmem:s28+$0x140B0];
	_ =	sdelay $0x4  }
0x52: {  	v1 =	vand.u32 $0x3FFF, v0  }
0x53: {  	s28 =	simm.s32 $0x200;
	v0 =	vshrl.u32 v0, $0xE;
	[tilespmem:$0x18EB0] =	vst v1  }
.LBB2_2:
0x54: {  	p0 =	sne.s32 s28, $0x13600;
	[tilespmem:$0x18EF0] =	vst v0;
	s29 =	smov.u32 s28;
	s28 =	sadd.s32 $0x200, s28  }
0x55: {  	[tilespmem:s20], [sflag:$0x1] =	stream.indirect.gather [spmem:s3], $0x40, s19, s18, $0xb8;
	[tilespmem:$0x1AF80] =	vst v63  }
0x56: {  	_ =	swait.ge [sflag:s24], $0x1000  }
0x57: {  	[sflag:s24] =	ssyncset.done $0x0  }
0x58: {  	[sflag:s24] =	ssyncadd.s32 $0xFFFFF000  }
0x59: {  	[spmem:s4] =	stream.indirect.scatter.add.f32 [tilespmem:s22], [sflag:$0x3], $0x40, s25, s18, $0xb8;
	[tilespmem:$0x1AF80] =	vst v63  }
0x5a: {  	_ =	swait.ge [sflag:s15], $0x1000  }
0x5b: {  	[sflag:s15] =	ssyncset.done $0x0  }
0x5c: {  	s29 =	sshra.s32 s29, $0x2;
	[sflag:s15] =	ssyncadd.s32 $0xFFFFF000  }
0x5d: {  	v0 =	vld [tilespmem:s29+$0x14040];
	_ =	sdelay $0x4  }
0x5e: {  	v1 =	vand.u32 $0x3FFF, v0;
	v0 =	vshrl.u32 v0, $0xE  }
0x5f: {  	[tilespmem:$0x18F00] =	vst v1  }
0x60: {  	[tilespmem:$0x18F40] =	vst v0  }
0x61: {  	v0 =	vld [tilespmem:s29+$0x14050];
	_ =	sdelay $0x4  }
0x62: {  	v1 =	vand.u32 $0x3FFF, v0;
	v0 =	vshrl.u32 v0, $0xE  }
0x63: {  	[tilespmem:$0x18F10] =	vst v1  }
0x64: {  	[tilespmem:$0x18F50] =	vst v0  }
0x65: {  	v0 =	vld [tilespmem:s29+$0x14060];
	_ =	sdelay $0x4  }
0x66: {  	v1 =	vand.u32 $0x3FFF, v0;
	v0 =	vshrl.u32 v0, $0xE  }
0x67: {  	[tilespmem:$0x18F20] =	vst v1  }
0x68: {  	[tilespmem:$0x18F60] =	vst v0  }
0x69: {  	v0 =	vld [tilespmem:s29+$0x14070];
	_ =	sdelay $0x4  }
0x6a: {  	v1 =	vand.u32 $0x3FFF, v0;
	v0 =	vshrl.u32 v0, $0xE  }
0x6b: {  	[tilespmem:$0x18F30] =	vst v1  }
0x6c: {  	[tilespmem:$0x18F70] =	vst v0  }
0x6d: {  	[tilespmem:s22], [sflag:$0x2] =	stream.indirect.gather [spmem:s3], $0x40, s21, s18, $0xb8;
	[tilespmem:$0x1AF80] =	vst v63  }
0x6e: {  	_ =	swait.ge [sflag:s12], $0x1000  }
0x6f: {  	[sflag:s12] =	ssyncset.done $0x0  }
0x70: {  	[sflag:s12] =	ssyncadd.s32 $0xFFFFF000  }
0x71: {  	[spmem:s4] =	stream.indirect.scatter.add.f32 [tilespmem:s20], [sflag:$0x3], $0x40, s23, s18, $0xb8;
	[tilespmem:$0x1AF80] =	vst v63  }
0x72: {  	_ =	swait.ge [sflag:s15], $0x1000  }
0x73: {  	[sflag:s15] =	ssyncset.done $0x0  }
0x74: {  	[sflag:s15] =	ssyncadd.s32 $0xFFFFF000  }
0x75: {  	v0 =	vld [tilespmem:s29+$0x14080];
	_ =	sdelay $0x4  }
0x76: {  	v1 =	vand.u32 $0x3FFF, v0;
	v0 =	vshrl.u32 v0, $0xE  }
0x77: {  	[tilespmem:$0x18E80] =	vst v1  }
0x78: {  	[tilespmem:$0x18EC0] =	vst v0  }
0x79: {  	v0 =	vld [tilespmem:s29+$0x14090];
	_ =	sdelay $0x4  }
0x7a: {  	v1 =	vand.u32 $0x3FFF, v0;
	v0 =	vshrl.u32 v0, $0xE  }
0x7b: {  	[tilespmem:$0x18E90] =	vst v1  }
0x7c: {  	[tilespmem:$0x18ED0] =	vst v0  }
0x7d: {  	v0 =	vld [tilespmem:s29+$0x140A0];
	_ =	sdelay $0x4  }
0x7e: {  	v1 =	vand.u32 $0x3FFF, v0;
	v0 =	vshrl.u32 v0, $0xE  }
0x7f: {  	[tilespmem:$0x18EA0] =	vst v1  }
0x80: {  	[tilespmem:$0x18EE0] =	vst v0  }
0x81: {  	v0 =	vld [tilespmem:s29+$0x140B0];
	_ =	sdelay $0x1  }
.Ltmp0:
0x82: {  	(pc) =	sbr.rel @p0 .LBB2_2-.Ltmp0, $3  }
0x83: {  	_ =	sdelay $0x1  }
0x84: {  	v1 =	vand.u32 $0x3FFF, v0;
	v0 =	vshrl.u32 v0, $0xE  }
0x85: {  	[tilespmem:$0x18EB0] =	vst v1  }
0x86: {  	[tilespmem:$0x18EF0] =	vst v0  }
0x87: {  	[tilespmem:s20], [sflag:$0x1] =	stream.indirect.gather [spmem:s3], $0x40, s19, s18, $0xb8;
	[tilespmem:$0x1AF80] =	vst v63  }
0x88: {  	_ =	swait.ge [sflag:s24], $0x1000  }
0x89: {  	[sflag:s24] =	ssyncset.done $0x0  }
0x8a: {  	[sflag:s24] =	ssyncadd.s32 $0xFFFFF000  }
0x8b: {  	[spmem:s4] =	stream.indirect.scatter.add.f32 [tilespmem:s22], [sflag:$0x3], $0x40, s25, s18, $0xb8;
	[tilespmem:$0x1AF80] =	vst v63  }
0x8c: {  	_ =	swait.ge [sflag:s15], $0x1000  }
0x8d: {  	[sflag:s15] =	ssyncset.done $0x0  }
0x8e: {  	[sflag:s15] =	ssyncadd.s32 $0xFFFFF000  }
0x8f: {  	v56 =	vld [tilespmem:$0x18E40];
	_ =	sdelay $0x1  }
0x90: {  	v1 =	vld [tilespmem:$0x18E50];
	_ =	sdelay $0x1  }
0x91: {  	v2 =	vld [tilespmem:$0x18E60]  }
0x92: {  	v3 =	vand.u32 $0x3FFF, v56  }
0x93: {  	v57 =	vld [tilespmem:$0x18E70];
	v0 =	vshrl.u32 v56, $0xE;
	[tilespmem:$0x18F00] =	vst v3  }
0x94: {  	v58 =	vand.u32 $0x3FFF, v1;
	[tilespmem:$0x18F40] =	vst v0  }
0x95: {  	v59 =	vshrl.u32 v1, $0xE;
	[tilespmem:$0x18F10] =	vst v58  }
0x96: {  	v60 =	vand.u32 $0x3FFF, v2;
	[tilespmem:$0x18F50] =	vst v59  }
0x97: {  	v61 =	vshrl.u32 v2, $0xE;
	[tilespmem:$0x18F20] =	vst v60  }
0x98: {  	v62 =	vand.u32 $0x3FFF, v57;
	[tilespmem:$0x18F60] =	vst v61  }
0x99: {  	v63 =	vshrl.u32 v57, $0xE;
	[tilespmem:$0x18F30] =	vst v62  }
0x9a: {  	[tilespmem:$0x18F70] =	vst v63  }
0x9b: {  	[tilespmem:s22], [sflag:$0x2] =	stream.indirect.gather [spmem:s3], $0x40, s21, s18, $0xb8;
	[tilespmem:$0x1AF80] =	vst v63  }
0x9c: {  	_ =	swait.ge [sflag:s12], $0x1000  }
0x9d: {  	[sflag:s12] =	ssyncset.done $0x0  }
0x9e: {  	[sflag:s12] =	ssyncadd.s32 $0xFFFFF000  }
0x9f: {  	[spmem:s4] =	stream.indirect.scatter.add.f32 [tilespmem:s20], [sflag:$0x3], $0x40, s23, s18, $0xb8;
	[tilespmem:$0x1AF80] =	vst v63  }
0xa0: {  	_ =	swait.ge [sflag:s15], $0x1000  }
0xa1: {  	[sflag:s15] =	ssyncset.done $0x0  }
0xa2: {  	[sflag:s15] =	ssyncadd.s32 $0xFFFFF000  }
0xa3: {  	_ =	swait.ge [sflag:s24], $0x1000  }
0xa4: {  	[sflag:s24] =	ssyncset.done $0x0  }
0xa5: {  	[sflag:s24] =	ssyncadd.s32 $0xFFFFF000  }
0xa6: {  	[spmem:s4] =	stream.indirect.scatter.add.f32 [tilespmem:s22], [sflag:$0x3], $0x40, s25, s18, $0xb8;
	[tilespmem:$0x1AF80] =	vst v63  }
0xa7: {  	_ =	swait.ge [sflag:s15], $0x1000  }
0xa8: {  	s26 =	sadd.s32 $0x1, s26;
	[sflag:s15] =	ssyncset.done $0x0  }
0xa9: {  	p0 =	sne.s32 s26, s10;
	[sflag:s15] =	ssyncadd.s32 $0xFFFFF000  }
.Ltmp1:
0xaa: {  	[bflag:$0x0] =	sbarrier.arrive $0xFFFF;
	(pc) =	sbr.rel @p0 .LBB2_1-.Ltmp1, $4  }
0xab: {  	[hbm:s9@s14], [sflag:s7] =	dma.strided [spmem:s16@s13], $0x1400, s12, $0x8   }
0xac: {  	_ =	swait.ge [sflag:s15], $0x1400  }
0xad: {  	[sflag:s15] =	ssyncset.done $0x0  }
0xae: {  	[sflag:s15] =	ssyncadd.s32 $0xFFFFEC00  }
0xaf: {  	_ =	sfence.sel $0x180000  }
0xb0: {  	[bflag:$0x0] =	sbarrier.arrive $0xFFFF  }
0xb1: {  	p0 =	sne.s32 s2, $0x0;
	_ =	strace $0x9000004D  }
0xb2: {  	s0 =	sadd.s32 @!p0 $0x100000, s0;
	[bflag:$0x2] =	sbarrier.arrive $0xFFFF  }
0xb3: {  	[sflag:s0] =	ssyncadd.tile.s32 @!p0 $0x1;
	_ =	shalt  }
.Lfunc_end2:
_tile_overlayer_lowered:
.L_overlay_start_2:
0xb4: {  	(tag) =	ssettag $0x2  }
0xb5: {  	s0 =	rddreg [dreg:$0x0];
	s2 =	stileid.u32  }
0xb6: {  	s1 =	rddreg [dreg:$0x1];
	p0 =	sne.s32 s2, $0x0  }
0xb7: {  	s3 =	rddreg [dreg:$0x2];
	[bflag:$0x3] =	sbarrier.arrive $0xFFFF;
	s2 =	simm.s32 @!p0 $0x1C03  }
0xb8: {  	[timem:s3], [sflag:s2] =	dma.local @!p0 [hbm:s0], s1  }
0xb9: {  	s0 =	simm.s32 @!p0 $0x3  }
0xba: {  	_ =	swait.ge @!p0 [sflag:s0], s1  }
0xbb: {  	s1 =	ssub.s32 @!p0 $0x0, s1;
	[sflag:s0] =	ssyncset.done @!p0 $0x0  }
0xbc: {  	[sflag:s0] =	ssyncadd.s32 @!p0 s1  }
0xbd: {  	[bflag:$0x3] =	sbarrier.arrive $0xFFFF  }
0xbe: {  	_ =	shalt  }

// kernel: kernel.19.cloned.1.call-start
scs
__scs_entry_jumppad:
0x0: {  	(pc) =	sbr.rel $0x88, $3  }
0x1: {  	(tag) =	ssettag $0x0;
	lr =	simm.s32 $0x1  }
0x2: {  	[smem:$0x3F95] =	sst lr;
	_ =	strace $0xD0000000  }
0x3: {  	_ = 	snop  }
0x4: {  	_ = 	snop  }
0x5: {  	_ = 	snop  }
0x6: {  	_ = 	snop  }
0x7: {  	_ = 	snop  }
__scs_overlays_trampoline_lowered:
0x8: {  	[smem:$0x3FA4] =	sst s0  }
0x9: {  	[smem:$0x3FA5] =	sst s1  }
0xa: {  	[smem:$0x3FA6] =	sst s2  }
0xb: {  	[smem:$0x3FA7] =	sst s3  }
0xc: {  	[smem:$0x3FA8] =	sst s4  }
0xd: {  	[smem:$0x3FA9] =	sst s5  }
0xe: {  	[smem:$0x3FAA] =	sst s6  }
0xf: {  	[smem:$0x3FAB] =	sst s7  }
0x10: {  	[smem:$0x3FAC] =	sst s8  }
0x11: {  	[smem:$0x3FAD] =	sst s9;
	s0 =	simm.s32 @!p0 $0x0  }
0x12: {  	s1 =	sld [smem:$0x3F93];
	s0 =	simm.s32 @p0 $0x1  }
0x13: {  	[smem:$0x3FAE] =	sst s0;
	s0 =	simm.s32 @!p1 $0x0  }
0x14: {  	s2 =	sld [smem:$0x3F92];
	s0 =	simm.s32 @p1 $0x1  }
0x15: {  	[smem:$0x3FAF] =	sst s0;
	s0 =	simm.s32 @!p2 $0x0  }
0x16: {  	s3 =	sld [smem:$0x3FDB];
	s0 =	simm.s32 @p2 $0x1  }
0x17: {  	s4 =	simm.s32 $0x1BF5;
	[smem:$0x3FB1] =	sst s0  }
0x18: {  	s0 =	sld [smem:$0x3F94];
	_ =	swait.ge [sflag:s4], $0x0  }
0x19: {  	s7 =	sld [smem:$0x3F95]  }
0x1a: {  	s8 =	sadd.s32 $0xFFFFE003, lr  }
0x1b: {  	s9 =	sadd.s32 $0xFFFFFEF7, lr;
	s5 =	simm.s32 $0xFFFFFFFF;
	p2 =	slt.u32 s8, $0xFFFFF086  }
0x1c: {  	p1 =	slt.u32 s9, $0xF7A;
	s5 =	simm.s32 @!p2 $0x0  }
0x1d: {  	s5 =	simm.s32 @p1 $0x1;
	p0 =	seq.s32 s7, s2  }
0x1e: {  	s7 =	smul.u32 @!p0 $0xF7A, s2;
	p2 =	seq.s32 @!p0 s5, $0x0  }
0x1f: {  	s9 =	smul.u32 $0xF7A, s1;
	s8 =	simm.s32 @!p0 $0x1BF5;
	p2 =	por !p2, p0  }
0x20: {  	[sflag:s8] =	ssyncset.s32 @!p0 $0xFFFFF086;
	s6 =	sadd.s32 @!p0 s3, s7;
	s7 =	simm.s32 @!p0 $0x108  }
0x21: {  	s3 =	sadd.s32 s3, s9;
	s6 =	sadd.s32 @!p0 $0x88, s6;
	s7 =	simm.s32 @p2 $0x1082  }
0x22: {  	[simem:s7], [sflag:s8] =	dma.local @!p0 [hbm:s6], $0xF7A  }
0x23: {  	s9 =	sor.u32 $0xD0000000, s2;
	s6 =	simm.s32 $0x108;
	_ =	swait.ge @!p0 [sflag:s8], $0x0  }
0x24: {  	s3 =	sadd.s32 $0x88, s3;
	s6 =	simm.s32 @!p1 $0x1082;
	[sflag:s4] =	ssyncset.s32 $0xFFFFF086  }
0x25: {  	[simem:s6], [sflag:s4] =	dma.local [hbm:s3], $0xF7A  }
0x26: {  	[smem:$0x3F95] =	sst s1;
	(tag) =	ssettag s2;
	_ =	strace s9  }
0x27: {  	s1 =	sld [smem:$0x3FA5]  }
0x28: {  	s2 =	sld [smem:$0x3FA6]  }
0x29: {  	s4 =	sld [smem:$0x3FA8]  }
0x2a: {  	p0 =	seq.s32 s5, $0x0;
	s5 =	sld [smem:$0x3FA9]  }
0x2b: {  	s6 =	sld [smem:$0x3FAA]  }
0x2c: {  	s7 =	sld [smem:$0x3FAB]  }
0x2d: {  	s3 =	simm.s32 $0x108;
	s8 =	sld [smem:$0x3FAC]  }
0x2e: {  	s3 =	simm.s32 @!p0 $0x1082;
	s9 =	sld [smem:$0x3FAD]  }
0x2f: {  	lr =	sadd.s32 s0, s3;
	s0 =	sld [smem:$0x3FA4]  }
0x30: {  	s3 =	sld [smem:$0x3FA7]  }
0x31: {  	[smem:$0x3FB0] =	sst s10  }
0x32: {  	s10 =	sld [smem:$0x3FAE];
	_ =	sdelay $0x3  }
0x33: {  	p0 =	seq.s32 s10, $0x1;
	s10 =	sld [smem:$0x3FB0];
	_ =	sdelay $0x3  }
0x34: {  	[smem:$0x3FB0] =	sst s10  }
0x35: {  	s10 =	sld [smem:$0x3FAF];
	_ =	sdelay $0x3  }
0x36: {  	p1 =	seq.s32 s10, $0x1;
	s10 =	sld [smem:$0x3FB0];
	_ =	sdelay $0x3  }
0x37: {  	[smem:$0x3FB0] =	sst s10  }
0x38: {  	s10 =	sld [smem:$0x3FB1]  }
0x39: {  	_ = 	snop;
	(pc) =	sbr.ind lr, $3  }
0x3a: {  	_ = 	snop  }
0x3b: {  	_ = 	snop  }
0x3c: {  	p2 =	seq.s32 s10, $0x1;
	s10 =	sld [smem:$0x3FB0]  }
0x3d: {  	_ =	shalt  }
0x3e: {  	_ =	shalt  }
0x3f: {  	_ =	shalt  }
0x40: {  	_ =	shalt  }
0x41: {  	_ =	shalt  }
0x42: {  	_ =	shalt  }
0x43: {  	_ =	shalt  }
0x44: {  	_ =	shalt  }
0x45: {  	_ =	shalt  }
0x46: {  	_ =	shalt  }
0x47: {  	_ =	shalt  }
0x48: {  	_ =	shalt  }
0x49: {  	_ =	shalt  }
0x4a: {  	_ =	shalt  }
0x4b: {  	_ =	shalt  }
0x4c: {  	_ =	shalt  }
0x4d: {  	_ =	shalt  }
0x4e: {  	_ =	shalt  }
0x4f: {  	_ =	shalt  }
0x50: {  	_ =	shalt  }
0x51: {  	_ =	shalt  }
0x52: {  	_ =	shalt  }
0x53: {  	_ =	shalt  }
0x54: {  	_ =	shalt  }
0x55: {  	_ =	shalt  }
0x56: {  	_ =	shalt  }
0x57: {  	_ =	shalt  }
0x58: {  	_ =	shalt  }
0x59: {  	_ =	shalt  }
0x5a: {  	_ =	shalt  }
0x5b: {  	_ =	shalt  }
0x5c: {  	_ =	shalt  }
0x5d: {  	_ =	shalt  }
0x5e: {  	_ =	shalt  }
0x5f: {  	_ =	shalt  }
0x60: {  	_ =	shalt  }
0x61: {  	_ =	shalt  }
0x62: {  	_ =	shalt  }
0x63: {  	_ =	shalt  }
0x64: {  	_ =	shalt  }
0x65: {  	_ =	shalt  }
0x66: {  	_ =	shalt  }
0x67: {  	_ =	shalt  }
0x68: {  	_ =	shalt  }
0x69: {  	_ =	shalt  }
0x6a: {  	_ =	shalt  }
0x6b: {  	_ =	shalt  }
0x6c: {  	_ =	shalt  }
0x6d: {  	_ =	shalt  }
0x6e: {  	_ =	shalt  }
0x6f: {  	_ =	shalt  }
0x70: {  	_ =	shalt  }
0x71: {  	_ =	shalt  }
0x72: {  	_ =	shalt  }
0x73: {  	_ =	shalt  }
0x74: {  	_ =	shalt  }
0x75: {  	_ =	shalt  }
0x76: {  	_ =	shalt  }
0x77: {  	_ =	shalt  }
0x78: {  	_ =	shalt  }
0x79: {  	_ =	shalt  }
0x7a: {  	_ =	shalt  }
0x7b: {  	_ =	shalt  }
0x7c: {  	_ =	shalt  }
0x7d: {  	_ =	shalt  }
0x7e: {  	_ =	shalt  }
0x7f: {  	_ =	shalt  }
0x80: {  	_ =	shalt  }
0x81: {  	_ =	shalt  }
0x82: {  	_ =	shalt  }
0x83: {  	_ =	shalt  }
0x84: {  	_ =	shalt  }
0x85: {  	_ =	shalt  }
0x86: {  	_ =	shalt  }
0x87: {  	_ =	shalt  }
.Lfunc_end0:
.L_simem_size_0:
called_computation.3_lowered:
.L_overlay_start_0:
0x88: {  	s2 =	sld [smem:$0x3FD9]  }
0x89: {  	s3 =	sld [smem:$0x3FFE];
	_ =	sdelay $0x1  }
0x8a: {  	s1 =	srdreg.scid  }
0x8b: {  	s0 =	sand.u32 $0x1, s1  }
0x8c: {  	s17 =	sshll.u32 s0, $0xA;
	s2 =	sadd.s32 s3, s2  }
0x8d: {  	s2 =	sadd.s32 s2, s17  }
0x8e: {  	[smem:$0x3FBC] =	sst s2  }
0x8f: {  	_ = 	snop  }
0x90: {  	s2 =	sld [smem:$0x3FD0];
	(tm) =	ssettm $0x1  }
0x91: {  	s18 =	sld [smem:$0x3FFB];
	_ =	sdelay $0x3  }
0x92: {  	_ =	strace s18  }
0x93: {  	s3 =	sld [smem:$0x3FFC];
	_ =	sdelay $0x3  }
0x94: {  	_ =	strace s3  }
0x95: {  	s3 =	sld [smem:$0x3FFD];
	_ =	sdelay $0x3  }
0x96: {  	_ =	strace s3  }
0x97: {  	_ =	strace $0x8FFFFFFF  }
0x98: {  	s19 =	sld [smem:$0x3FDB];
	_ =	sdelay $0x1  }
0x99: {  	s4 =	simm.s32 $_scs_section_size  }
0x9a: {  	s5 =	simm.s32 $_size__tile_overlayer_lowered;
	s6 =	simm.s32 $_tile_overlayer_lowered  }
0x9b: {  	s22 =	simm.s32 $0x1BFF;
	s21 =	sshll.u32 s6, $0x1;
	s3 =	sadd.s32 s4, s19  }
0x9c: {  	s7 =	simm.s32 $0x0;
	s20 =	sshll.u32 s5, $0x1;
	s5 =	sadd.s32 s21, s3  }
0x9d: {  	[timem:s7], [sflag:s22] =	dma.local [hbm:s5], s20  }
0x9e: {  	_ =	swait.ge [sflag:s22], s20  }
0x9f: {  	s4 =	ssub.s32 $0x0, s20;
	[sflag:s22] =	ssyncset.done $0x0  }
0xa0: {  	[sflag:s22] =	ssyncadd.s32 s4;
	_ =	sdelay $0x1  }
0xa1: {  	s23 =	simm.s32 $0x1B8B  }
0xa2: {  	_ =	swait.ge [sflag:s23], $0x1  }
0xa3: {  	[sflag:s23] =	ssyncset.done $0x0  }
0xa4: {  	s25 =	simm.s32 $0x1B8E;
	s24 =	sld [smem:$0x3FFE];
	[sflag:s23] =	ssyncadd.s32 $0xFFFFFFFF  }
0xa5: {  	s26 =	simm.s32 $execute0_lowered;
	[smem:$0x3FD2] =	sst s25  }
0xa6: {  	s5 =	sshll.u32 s26, $0x1;
	_ =	strace $0x8000004F;
	[dreg:$0x1] =	wrdreg $0xFFFFFFFF  }
0xa7: {  	s28 =	simm.s32 $_size_execute0_lowered;
	s3 =	sadd.s32 s3, s5;
	[dreg:$0x0] =	wrdreg $0x0  }
0xa8: {  	s5 =	sshll.u32 s28, $0x1;
	[dreg:$0x2] =	wrdreg s3  }
0xa9: {  	[dreg:$0x3] =	wrdreg s5  }
0xaa: {  	[dreg:$0x4] =	wrdreg $0xC0  }
0xab: {  	_ =	task [dreg:s7], $0x5FFFF  }
0xac: {  	[dreg:$0x1] =	wrdreg $0xFFFFFFFF  }
0xad: {  	[dreg:$0x0] =	wrdreg $0x60  }
0xae: {  	[dreg:$0x2] =	wrdreg s24  }
0xaf: {  	[dreg:$0x3] =	wrdreg s2  }
0xb0: {  	[dreg:$0x4] =	wrdreg $0x0  }
0xb1: {  	[dreg:$0x5] =	wrdreg $0x50000  }
0xb2: {  	[dreg:$0x6] =	wrdreg $0x9  }
0xb3: {  	_ =	task.clear_ibuf [dreg:s7], $0x7FFFF;
	_ =	strace $0x9000004F  }
0xb4: {  	s29 =	simm.s32 $0x9;
	_ =	strace $0x80000051  }
0xb5: {  	_ =	swait.ge [sflag:s29], $0x1  }
0xb6: {  	[sflag:s29] =	ssyncadd.s32 $0xFFFFFFFF  }
0xb7: {  	_ =	strace $0x90000051  }
0xb8: {  	_ =	sfence  }
0xb9: {  	s30 =	sld [smem:$0x0];
	_ =	sdelay $0x2  }
0xba: {  	s31 =	sshll.u32 s1, $0xD;
	s1 =	sshrl.u32 s1, $0x2  }
0xbb: {  	s3 =	sand.u32 $0x4000, s31;
	s1 =	sadd.s32 s1, s30  }
0xbc: {  	s0 =	sor.u32 s3, s0;
	s1 =	sshll.u32 s1, $0x11  }
0xbd: {  	s0 =	sor.u32 s1, s0  }
0xbe: {  	s0 =	sadd.s32 $0x8F2B, s0  }
0xbf: {  	[sflag:s0] =	ssyncadd.remote.s32 $0x1  }
0xc0: {  	_ =	sfence.sel $0xFFFF  }
0xc1: {  	[dreg:$0x0] =	wrdreg $0xFFFFFFFF;
	(pc) =	sbr.abs _section_cstart, $3  }
0xc2: {  	[dreg:$0x1] =	wrdreg $0xFFFFFFFF  }
0xc3: {  	_ =	task.clear_ibuf [dreg:s7], $0x2FFFF;
	_ =	strace $0x9FFFFFFF  }
0xc4: {  	(tm) =	ssettm $0x7FFFFFFF  }
0xc5: {  	_ =	shalt  }
tec
execute0_lowered:
.L_overlay_start_1:
0x0: {  	(tag) =	ssettag $0x1  }
0x1: {  	s6 =	rddreg [dreg:$0x0]  }
0x2: {  	s1 =	rddreg [dreg:$0x1]  }
0x3: {  	s3 =	rddreg [dreg:$0x2]  }
0x4: {  	s4 =	rddreg [dreg:$0x3]  }
0x5: {  	s0 =	rddreg [dreg:$0x4];
	s5 =	simm.s32 $0x0;
	s2 =	stileid.u32  }
0x6: {  	s7 =	srdreg.scid;
	s15 =	simm.s32 $0x3;
	s17 =	simm.s32 $0xA000  }
0x7: {  	s18 =	simm.s32 $0x40;
	s19 =	simm.s32 $0xEE80;
	s20 =	simm.s32 $0xEF80  }
0x8: {  	s21 =	simm.s32 $0xEF00;
	s22 =	simm.s32 $0xF780;
	s23 =	simm.s32 $0xEEC0  }
0x9: {  	s24 =	simm.s32 $0x2;
	s25 =	simm.s32 $0xEF40;
	s8 =	smul.u32 $0xA000, s2  }
0xa: {  	s26 =	simm.s32 $0x0;
	[smem:$0x7FF] =	sst s5;
	s10 =	smul.u32 $0x9D0, s2  }
0xb: {  	s7 =	sand.u32 $0x1, s7;
	s11 =	smul.u32 $0x5000, s2;
	s31 =	sshll.u32 s2, $0x6  }
0xc: {  	_ =	strace $0x80000050;
	s9 =	sshll.u32 s7, $0x5;
	s7 =	ssub.s32 $0x2, s7  }
0xd: {  	s8 =	sor.u32 s9, s8;
	s30 =	sshrl.u32 s7, $0x1;
	s10 =	sadd.s32 s10, s6  }
0xe: {  	s14 =	sadd.s32 s11, s3;
	s16 =	sadd.s32 s11, s4;
	s8 =	sshrl.u32 s8, $0x3  }
0xf: {  	s13 =	ssub.s32 s7, s30;
	s7 =	sor.u32 $0x1C03, s31;
	s11 =	sshrl.u32 s14, $0x3  }
0x10: {  	s14 =	simm.s32 $0x8;
	s16 =	sshrl.u32 s16, $0x3;
	s12 =	sadd.s32 s8, s6  }
0x11: {  	s8 =	sadd.s32 $0x4600, s10;
	s10 =	smax.u32 s13, $0x1;
	s13 =	simm.s32 $0x4  }
0x12: {  	s6 =	sadd.s32 $0x5E400, s12;
	s9 =	sadd.s32 $0x72400, s12;
	s12 =	simm.s32 $0x1  }
.LBB2_1:
0x13: {  	[spmem:s11@s13], [sflag:s7] =	dma.strided [hbm:s6@s14], $0xA00, s12, $0x4   }
0x14: {  	_ =	swait.ge [sflag:s15], $0xA00  }
0x15: {  	[sflag:s15] =	ssyncset.done $0x0  }
0x16: {  	[sflag:s15] =	ssyncadd.s32 $0xFFFFF600  }
0x17: {  	[spmem:s16], [sflag:s7] =	dma.local [hbm:s1], $0xA00  }
0x18: {  	_ =	swait.ge [sflag:s15], $0xA00  }
0x19: {  	[sflag:s15] =	ssyncset.done $0x0  }
0x1a: {  	[sflag:s15] =	ssyncadd.s32 $0xFFFFF600  }
0x1b: {  	[tilespmem:s17], [sflag:$0x3] =	stream.linear.gather [hbm4b:s8+s5], $0x4E80, $0x38;
	[tilespmem:$0xFF80] =	vst v63  }
0x1c: {  	_ =	swait.ge [sflag:s15], $0x4E80  }
0x1d: {  	[sflag:s15] =	ssyncset.done $0x0  }
0x1e: {  	[sflag:s15] =	ssyncadd.s32 $0xFFFFB180  }
0x1f: {  	[bflag:$0x0] =	sbarrier.arrive $0xFFFF  }
0x20: {  	v0 =	vld [tilespmem:$0xA000];
	_ =	sdelay $0x1  }
0x21: {  	v1 =	vld [tilespmem:$0xA010];
	_ =	sdelay $0x1  }
0x22: {  	v2 =	vld [tilespmem:$0xA020]  }
0x23: {  	v3 =	vand.u32 $0x3FFF, v0  }
0x24: {  	v0 =	vshrl.u32 v0, $0xE;
	[tilespmem:$0xEE80] =	vst v3;
	v3 =	vld [tilespmem:$0xA030]  }
0x25: {  	[tilespmem:$0xEEC0] =	vst v0;
	v0 =	vand.u32 $0x3FFF, v1  }
0x26: {  	[tilespmem:$0xEE90] =	vst v0;
	v0 =	vshrl.u32 v1, $0xE  }
0x27: {  	[tilespmem:$0xEED0] =	vst v0;
	v0 =	vand.u32 $0x3FFF, v2  }
0x28: {  	[tilespmem:$0xEEA0] =	vst v0;
	v0 =	vshrl.u32 v2, $0xE  }
0x29: {  	[tilespmem:$0xEEE0] =	vst v0;
	v0 =	vand.u32 $0x3FFF, v3  }
0x2a: {  	[tilespmem:$0xEEB0] =	vst v0;
	v0 =	vshrl.u32 v3, $0xE  }
0x2b: {  	s28 =	simm.s32 $0x0;
	[tilespmem:$0xEEF0] =	vst v0  }
0x2c: {  	[tilespmem:s20], [sflag:$0x1] =	stream.indirect.gather [spmem:s3], $0x20, s19, s18, $0xb8;
	[tilespmem:$0xFF80] =	vst v63  }
0x2d: {  	v0 =	vld [tilespmem:s28+$0xA040];
	_ =	sdelay $0x4  }
0x2e: {  	v1 =	vand.u32 $0x3FFF, v0  }
0x2f: {  	v0 =	vshrl.u32 v0, $0xE;
	[tilespmem:$0xEF00] =	vst v1  }
0x30: {  	[tilespmem:$0xEF40] =	vst v0  }
0x31: {  	v0 =	vld [tilespmem:s28+$0xA050];
	_ =	sdelay $0x4  }
0x32: {  	v1 =	vand.u32 $0x3FFF, v0  }
0x33: {  	v0 =	vshrl.u32 v0, $0xE;
	[tilespmem:$0xEF10] =	vst v1  }
0x34: {  	[tilespmem:$0xEF50] =	vst v0  }
0x35: {  	v0 =	vld [tilespmem:s28+$0xA060];
	_ =	sdelay $0x4  }
0x36: {  	v1 =	vand.u32 $0x3FFF, v0  }
0x37: {  	v0 =	vshrl.u32 v0, $0xE;
	[tilespmem:$0xEF20] =	vst v1  }
0x38: {  	[tilespmem:$0xEF60] =	vst v0  }
0x39: {  	v0 =	vld [tilespmem:s28+$0xA070];
	_ =	sdelay $0x4  }
0x3a: {  	v1 =	vand.u32 $0x3FFF, v0  }
0x3b: {  	v0 =	vshrl.u32 v0, $0xE;
	[tilespmem:$0xEF30] =	vst v1  }
0x3c: {  	[tilespmem:$0xEF70] =	vst v0  }
0x3d: {  	[tilespmem:s22], [sflag:$0x2] =	stream.indirect.gather [spmem:s3], $0x20, s21, s18, $0xb8;
	[tilespmem:$0xFF80] =	vst v63  }
0x3e: {  	_ =	swait.ge [sflag:s12], $0x800  }
0x3f: {  	[sflag:s12] =	ssyncset.done $0x0  }
0x40: {  	[sflag:s12] =	ssyncadd.s32 $0xFFFFF800  }
0x41: {  	[spmem:s4] =	stream.indirect.scatter.add.f32 [tilespmem:s20], [sflag:$0x3], $0x20, s23, s18, $0xb8;
	[tilespmem:$0xFF80] =	vst v63  }
0x42: {  	_ =	swait.ge [sflag:s15], $0x800  }
0x43: {  	[sflag:s15] =	ssyncset.done $0x0  }
0x44: {  	[sflag:s15] =	ssyncadd.s32 $0xFFFFF800  }
0x45: {  	v0 =	vld [tilespmem:s28+$0xA080];
	_ =	sdelay $0x4  }
0x46: {  	v1 =	vand.u32 $0x3FFF, v0  }
0x47: {  	v0 =	vshrl.u32 v0, $0xE;
	[tilespmem:$0xEE80] =	vst v1  }
0x48: {  	[tilespmem:$0xEEC0] =	vst v0  }
0x49: {  	v0 =	vld [tilespmem:s28+$0xA090];
	_ =	sdelay $0x4  }
0x4a: {  	v1 =	vand.u32 $0x3FFF, v0  }
0x4b: {  	v0 =	vshrl.u32 v0, $0xE;
	[tilespmem:$0xEE90] =	vst v1  }
0x4c: {  	[tilespmem:$0xEED0] =	vst v0  }
0x4d: {  	v0 =	vld [tilespmem:s28+$0xA0A0];
	_ =	sdelay $0x4  }
0x4e: {  	v1 =	vand.u32 $0x3FFF, v0  }
0x4f: {  	v0 =	vshrl.u32 v0, $0xE;
	[tilespmem:$0xEEA0] =	vst v1  }
0x50: {  	[tilespmem:$0xEEE0] =	vst v0  }
0x51: {  	v0 =	vld [tilespmem:s28+$0xA0B0];
	_ =	sdelay $0x4  }
0x52: {  	v1 =	vand.u32 $0x3FFF, v0  }
0x53: {  	s28 =	simm.s32 $0x200;
	v0 =	vshrl.u32 v0, $0xE;
	[tilespmem:$0xEEB0] =	vst v1  }
.LBB2_2:
0x54: {  	p0 =	sne.s32 s28, $0x13600;
	[tilespmem:$0xEEF0] =	vst v0;
	s29 =	smov.u32 s28;
	s28 =	sadd.s32 $0x200, s28  }
0x55: {  	[tilespmem:s20], [sflag:$0x1] =	stream.indirect.gather [spmem:s3], $0x20, s19, s18, $0xb8;
	[tilespmem:$0xFF80] =	vst v63  }
0x56: {  	_ =	swait.ge [sflag:s24], $0x800  }
0x57: {  	[sflag:s24] =	ssyncset.done $0x0  }
0x58: {  	[sflag:s24] =	ssyncadd.s32 $0xFFFFF800  }
0x59: {  	[spmem:s4] =	stream.indirect.scatter.add.f32 [tilespmem:s22], [sflag:$0x3], $0x20, s25, s18, $0xb8;
	[tilespmem:$0xFF80] =	vst v63  }
0x5a: {  	_ =	swait.ge [sflag:s15], $0x800  }
0x5b: {  	[sflag:s15] =	ssyncset.done $0x0  }
0x5c: {  	s29 =	sshra.s32 s29, $0x2;
	[sflag:s15] =	ssyncadd.s32 $0xFFFFF800  }
0x5d: {  	v0 =	vld [tilespmem:s29+$0xA040];
	_ =	sdelay $0x4  }
0x5e: {  	v1 =	vand.u32 $0x3FFF, v0;
	v0 =	vshrl.u32 v0, $0xE  }
0x5f: {  	[tilespmem:$0xEF00] =	vst v1  }
0x60: {  	[tilespmem:$0xEF40] =	vst v0  }
0x61: {  	v0 =	vld [tilespmem:s29+$0xA050];
	_ =	sdelay $0x4  }
0x62: {  	v1 =	vand.u32 $0x3FFF, v0;
	v0 =	vshrl.u32 v0, $0xE  }
0x63: {  	[tilespmem:$0xEF10] =	vst v1  }
0x64: {  	[tilespmem:$0xEF50] =	vst v0  }
0x65: {  	v0 =	vld [tilespmem:s29+$0xA060];
	_ =	sdelay $0x4  }
0x66: {  	v1 =	vand.u32 $0x3FFF, v0;
	v0 =	vshrl.u32 v0, $0xE  }
0x67: {  	[tilespmem:$0xEF20] =	vst v1  }
0x68: {  	[tilespmem:$0xEF60] =	vst v0  }
0x69: {  	v0 =	vld [tilespmem:s29+$0xA070];
	_ =	sdelay $0x4  }
0x6a: {  	v1 =	vand.u32 $0x3FFF, v0;
	v0 =	vshrl.u32 v0, $0xE  }
0x6b: {  	[tilespmem:$0xEF30] =	vst v1  }
0x6c: {  	[tilespmem:$0xEF70] =	vst v0  }
0x6d: {  	[tilespmem:s22], [sflag:$0x2] =	stream.indirect.gather [spmem:s3], $0x20, s21, s18, $0xb8;
	[tilespmem:$0xFF80] =	vst v63  }
0x6e: {  	_ =	swait.ge [sflag:s12], $0x800  }
0x6f: {  	[sflag:s12] =	ssyncset.done $0x0  }
0x70: {  	[sflag:s12] =	ssyncadd.s32 $0xFFFFF800  }
0x71: {  	[spmem:s4] =	stream.indirect.scatter.add.f32 [tilespmem:s20], [sflag:$0x3], $0x20, s23, s18, $0xb8;
	[tilespmem:$0xFF80] =	vst v63  }
0x72: {  	_ =	swait.ge [sflag:s15], $0x800  }
0x73: {  	[sflag:s15] =	ssyncset.done $0x0  }
0x74: {  	[sflag:s15] =	ssyncadd.s32 $0xFFFFF800  }
0x75: {  	v0 =	vld [tilespmem:s29+$0xA080];
	_ =	sdelay $0x4  }
0x76: {  	v1 =	vand.u32 $0x3FFF, v0;
	v0 =	vshrl.u32 v0, $0xE  }
0x77: {  	[tilespmem:$0xEE80] =	vst v1  }
0x78: {  	[tilespmem:$0xEEC0] =	vst v0  }
0x79: {  	v0 =	vld [tilespmem:s29+$0xA090];
	_ =	sdelay $0x4  }
0x7a: {  	v1 =	vand.u32 $0x3FFF, v0;
	v0 =	vshrl.u32 v0, $0xE  }
0x7b: {  	[tilespmem:$0xEE90] =	vst v1  }
0x7c: {  	[tilespmem:$0xEED0] =	vst v0  }
0x7d: {  	v0 =	vld [tilespmem:s29+$0xA0A0];
	_ =	sdelay $0x4  }
0x7e: {  	v1 =	vand.u32 $0x3FFF, v0;
	v0 =	vshrl.u32 v0, $0xE  }
0x7f: {  	[tilespmem:$0xEEA0] =	vst v1  }
0x80: {  	[tilespmem:$0xEEE0] =	vst v0  }
0x81: {  	v0 =	vld [tilespmem:s29+$0xA0B0];
	_ =	sdelay $0x1  }
.Ltmp0:
0x82: {  	(pc) =	sbr.rel @p0 .LBB2_2-.Ltmp0, $3  }
0x83: {  	_ =	sdelay $0x1  }
0x84: {  	v1 =	vand.u32 $0x3FFF, v0;
	v0 =	vshrl.u32 v0, $0xE  }
0x85: {  	[tilespmem:$0xEEB0] =	vst v1  }
0x86: {  	[tilespmem:$0xEEF0] =	vst v0  }
0x87: {  	[tilespmem:s20], [sflag:$0x1] =	stream.indirect.gather [spmem:s3], $0x20, s19, s18, $0xb8;
	[tilespmem:$0xFF80] =	vst v63  }
0x88: {  	_ =	swait.ge [sflag:s24], $0x800  }
0x89: {  	[sflag:s24] =	ssyncset.done $0x0  }
0x8a: {  	[sflag:s24] =	ssyncadd.s32 $0xFFFFF800  }
0x8b: {  	[spmem:s4] =	stream.indirect.scatter.add.f32 [tilespmem:s22], [sflag:$0x3], $0x20, s25, s18, $0xb8;
	[tilespmem:$0xFF80] =	vst v63  }
0x8c: {  	_ =	swait.ge [sflag:s15], $0x800  }
0x8d: {  	[sflag:s15] =	ssyncset.done $0x0  }
0x8e: {  	[sflag:s15] =	ssyncadd.s32 $0xFFFFF800  }
0x8f: {  	v56 =	vld [tilespmem:$0xEE40];
	_ =	sdelay $0x1  }
0x90: {  	v1 =	vld [tilespmem:$0xEE50];
	_ =	sdelay $0x1  }
0x91: {  	v2 =	vld [tilespmem:$0xEE60]  }
0x92: {  	v3 =	vand.u32 $0x3FFF, v56  }
0x93: {  	v57 =	vld [tilespmem:$0xEE70];
	v0 =	vshrl.u32 v56, $0xE;
	[tilespmem:$0xEF00] =	vst v3  }
0x94: {  	v58 =	vand.u32 $0x3FFF, v1;
	[tilespmem:$0xEF40] =	vst v0  }
0x95: {  	v59 =	vshrl.u32 v1, $0xE;
	[tilespmem:$0xEF10] =	vst v58  }
0x96: {  	v60 =	vand.u32 $0x3FFF, v2;
	[tilespmem:$0xEF50] =	vst v59  }
0x97: {  	v61 =	vshrl.u32 v2, $0xE;
	[tilespmem:$0xEF20] =	vst v60  }
0x98: {  	v62 =	vand.u32 $0x3FFF, v57;
	[tilespmem:$0xEF60] =	vst v61  }
0x99: {  	v63 =	vshrl.u32 v57, $0xE;
	[tilespmem:$0xEF30] =	vst v62  }
0x9a: {  	[tilespmem:$0xEF70] =	vst v63  }
0x9b: {  	[tilespmem:s22], [sflag:$0x2] =	stream.indirect.gather [spmem:s3], $0x20, s21, s18, $0xb8;
	[tilespmem:$0xFF80] =	vst v63  }
0x9c: {  	_ =	swait.ge [sflag:s12], $0x800  }
0x9d: {  	[sflag:s12] =	ssyncset.done $0x0  }
0x9e: {  	[sflag:s12] =	ssyncadd.s32 $0xFFFFF800  }
0x9f: {  	[spmem:s4] =	stream.indirect.scatter.add.f32 [tilespmem:s20], [sflag:$0x3], $0x20, s23, s18, $0xb8;
	[tilespmem:$0xFF80] =	vst v63  }
0xa0: {  	_ =	swait.ge [sflag:s15], $0x800  }
0xa1: {  	[sflag:s15] =	ssyncset.done $0x0  }
0xa2: {  	[sflag:s15] =	ssyncadd.s32 $0xFFFFF800  }
0xa3: {  	_ =	swait.ge [sflag:s24], $0x800  }
0xa4: {  	[sflag:s24] =	ssyncset.done $0x0  }
0xa5: {  	[sflag:s24] =	ssyncadd.s32 $0xFFFFF800  }
0xa6: {  	[spmem:s4] =	stream.indirect.scatter.add.f32 [tilespmem:s22], [sflag:$0x3], $0x20, s25, s18, $0xb8;
	[tilespmem:$0xFF80] =	vst v63  }
0xa7: {  	_ =	swait.ge [sflag:s15], $0x800  }
0xa8: {  	s26 =	sadd.s32 $0x1, s26;
	[sflag:s15] =	ssyncset.done $0x0  }
0xa9: {  	p0 =	sne.s32 s26, s10;
	[sflag:s15] =	ssyncadd.s32 $0xFFFFF800  }
.Ltmp1:
0xaa: {  	[bflag:$0x0] =	sbarrier.arrive $0xFFFF;
	(pc) =	sbr.rel @p0 .LBB2_1-.Ltmp1, $4  }
0xab: {  	[hbm:s9@s14], [sflag:s7] =	dma.strided [spmem:s16@s13], $0xA00, s12, $0x4   }
0xac: {  	_ =	swait.ge [sflag:s15], $0xA00  }
0xad: {  	[sflag:s15] =	ssyncset.done $0x0  }
0xae: {  	[sflag:s15] =	ssyncadd.s32 $0xFFFFF600  }
0xaf: {  	_ =	sfence.sel $0x180000  }
0xb0: {  	[bflag:$0x0] =	sbarrier.arrive $0xFFFF  }
0xb1: {  	p0 =	sne.s32 s2, $0x0;
	_ =	strace $0x90000050  }
0xb2: {  	s0 =	sadd.s32 @!p0 $0x100000, s0;
	[bflag:$0x2] =	sbarrier.arrive $0xFFFF  }
0xb3: {  	[sflag:s0] =	ssyncadd.tile.s32 @!p0 $0x1;
	_ =	shalt  }
.Lfunc_end2:
_tile_overlayer_lowered:
.L_overlay_start_2:
0xb4: {  	(tag) =	ssettag $0x2  }
0xb5: {  	s0 =	rddreg [dreg:$0x0];
	s2 =	stileid.u32  }
0xb6: {  	s1 =	rddreg [dreg:$0x1];
	p0 =	sne.s32 s2, $0x0  }
0xb7: {  	s3 =	rddreg [dreg:$0x2];
	[bflag:$0x3] =	sbarrier.arrive $0xFFFF;
	s2 =	simm.s32 @!p0 $0x1C03  }
0xb8: {  	[timem:s3], [sflag:s2] =	dma.local @!p0 [hbm:s0], s1  }
0xb9: {  	s0 =	simm.s32 @!p0 $0x3  }
0xba: {  	_ =	swait.ge @!p0 [sflag:s0], s1  }
0xbb: {  	s1 =	ssub.s32 @!p0 $0x0, s1;
	[sflag:s0] =	ssyncset.done @!p0 $0x0  }
0xbc: {  	[sflag:s0] =	ssyncadd.s32 @!p0 s1  }
0xbd: {  	[bflag:$0x3] =	sbarrier.arrive $0xFFFF  }
0xbe: {  	_ =	shalt  }

</sc_bundles>
